<compile_context>
chip_gen: v7x
topology: tpu7x:2x2x1
jax: 0.10.2.dev20260603
libtpu: 0.0.44.dev20260713+nightly
codegen_flags: <defaults>
</compile_context>

<pallas_src>
import functools

import jax
import jax.numpy as jnp
from jax import lax
from jax.experimental import pallas as pl
from jax.experimental.pallas import tpu as pltpu
from jax.experimental.pallas import tpu_sc as plsc

N = 10000
E = 320000
D = 128

NC = 2
NS = 16
L = 16

CHUNK = 64
EP = 327680
CH0 = 160
CH1 = 160
E0 = NS * CH0 * CHUNK
STG = CH0 * CHUNK // 2
ACC_ROWS = 10240
ROWS_PER_TILE = ACC_ROWS // NS
ZCH = ROWS_PER_TILE // CHUNK



@functools.partial(
    pl.kernel,
    out_type=jax.ShapeDtypeStruct((NC, ACC_ROWS, D), jnp.float32),
    mesh=plsc.VectorSubcoreMesh(core_axis_name="c", subcore_axis_name="s"),
    scratch_types=[
        pltpu.VMEM((STG,), jnp.int32),
        pltpu.VMEM((STG,), jnp.int32),
        pltpu.VMEM((STG,), jnp.int32),
        pltpu.VMEM((2, CHUNK), jnp.int32),
        pltpu.VMEM((2, CHUNK), jnp.int32),
        pltpu.VMEM((2, CHUNK, D), jnp.float32),
        pltpu.VMEM((2, CHUNK, D), jnp.float32),
        pltpu.VMEM_SHARED((ACC_ROWS, D), jnp.float32),
        pltpu.SemaphoreType.DMA,
        pltpu.SemaphoreType.DMA,
        pltpu.SemaphoreType.DMA,
        pltpu.SemaphoreType.DMA,
        pltpu.SemaphoreType.DMA,
    ],
    compiler_params=pltpu.CompilerParams(needs_layout_passes=False),
)
def _spmm_sc(x_hbm, sdw_hbm, out_hbm,
             srcp_v, dstp_v, wp_v, gi_v, si_v, rows_v, sbuf_v, acc_sh,
             gsem0, gsem1, ssem0, ssem1, bsem):
    c = lax.axis_index("c")
    s = lax.axis_index("s")
    gsem = (gsem0, gsem1)
    ssem = (ssem0, ssem1)
    nch = jnp.where(c == 0, CH0, CH1)

    def zrow(i, _):
        for j in range(D // L):
            sbuf_v[0, i, pl.ds(j * L, L)] = jnp.zeros((L,), jnp.float32)
        return 0
    lax.fori_loop(0, CHUNK, zrow, 0)

    row0 = s * ROWS_PER_TILE
    pltpu.async_copy(sdw_hbm.at[0, c, s], srcp_v, gsem0)
    pltpu.async_copy(sdw_hbm.at[1, c, s], dstp_v, gsem1)
    pltpu.async_copy(sdw_hbm.at[2, c, s], wp_v, bsem)
    for k in range(ZCH):
        pltpu.async_copy(
            sbuf_v.at[0], acc_sh.at[pl.ds(row0 + k * CHUNK, CHUNK)], ssem0)
    pltpu.make_async_copy(sdw_hbm.at[0, c, s], srcp_v, gsem0).wait()
    pltpu.make_async_copy(sdw_hbm.at[1, c, s], dstp_v, gsem1).wait()
    pltpu.make_async_copy(sdw_hbm.at[2, c, s], wp_v, bsem).wait()
    for k in range(ZCH):
        pltpu.make_async_copy(
            sbuf_v.at[0], acc_sh.at[pl.ds(row0 + k * CHUNK, CHUNK)],
            ssem0).wait()
    plsc.subcore_barrier()

    def build_idx(packed_ref, out_ring, b, g):
        base = g * (CHUNK // 2)
        for k in range(CHUNK // 32):
            v = packed_ref[pl.ds(base + k * 16, 16)]
            out_ring[b, pl.ds(k * 32, 16)] = v & 0xFFFF
            out_ring[b, pl.ds(k * 32 + 16, 16)] = v >> 16

    H = CHUNK // 2

    def start_gather(g, b):
        build_idx(srcp_v, gi_v, b, g)
        pltpu.async_copy(
            x_hbm.at[gi_v.at[b, pl.ds(0, H)]],
            rows_v.at[b, pl.ds(0, H)], gsem[b])
        pltpu.async_copy(
            x_hbm.at[gi_v.at[b, pl.ds(H, H)]],
            rows_v.at[b, pl.ds(H, H)], gsem[b])

    def wait_gather(b):
        pltpu.make_async_copy(
            x_hbm.at[gi_v.at[b, pl.ds(0, H)]],
            rows_v.at[b, pl.ds(0, H)], gsem[b]).wait()
        pltpu.make_async_copy(
            x_hbm.at[gi_v.at[b, pl.ds(H, H)]],
            rows_v.at[b, pl.ds(H, H)], gsem[b]).wait()

    start_gather(0, 0)
    start_gather(1, 1)

    def pair_body(p, _):
        for b in range(2):
            g = 2 * p + b
            wait_gather(b)

            @pl.when(g > 1)
            def _():
                pltpu.make_async_copy(
                    sbuf_v.at[b], acc_sh.at[si_v.at[b]], ssem[b]).wait()

            build_idx(dstp_v, si_v, b, g)

            @plsc.parallel_loop(0, CHUNK // 2, step=1, unroll=2)
            def _(t):
                wv = plsc.load_gather(
                    wp_v, [jnp.full((L,), g * (CHUNK // 2) + t, jnp.int32)])
                wlo = plsc.bitcast(wv << 16, jnp.float32)
                whi = plsc.bitcast(wv & jnp.int32(-65536), jnp.float32)
                rlo = ((t >> 4) << 5) + (t & 15)
                for j in range(D // L):
                    sbuf_v[b, rlo, pl.ds(j * L, L)] = (
                        rows_v[b, rlo, pl.ds(j * L, L)] * wlo)
                for j in range(D // L):
                    sbuf_v[b, rlo + L, pl.ds(j * L, L)] = (
                        rows_v[b, rlo + L, pl.ds(j * L, L)] * whi)

            pltpu.async_copy(
                sbuf_v.at[b], acc_sh.at[si_v.at[b]], ssem[b], add=True)

            @pl.when(g + 2 < nch)
            def _():
                start_gather(g + 2, b)
        return 0
    lax.fori_loop(0, nch // 2, pair_body, 0)

    for b in range(2):
        pltpu.make_async_copy(
            sbuf_v.at[b], acc_sh.at[si_v.at[b]], ssem[b]).wait()
    plsc.subcore_barrier()

    for k in range(ZCH):
        r = row0 + k * CHUNK
        pltpu.async_copy(acc_sh.at[pl.ds(r, CHUNK)],
                         out_hbm.at[c, pl.ds(r, CHUNK)], ssem0)
    for k in range(ZCH):
        r = row0 + k * CHUNK
        pltpu.make_async_copy(acc_sh.at[pl.ds(r, CHUNK)],
                              out_hbm.at[c, pl.ds(r, CHUNK)], ssem0).wait()


def _dense_body(x_ref, acc_ref, w0_ref, w1_ref, b0_ref, b1_ref,
                s0_ref, s1_ref, o0_ref, o1_ref, out_ref):
    h1 = acc_ref[0] + acc_ref[1]

    def trans(f, w_ref, b, sc, off):
        h = lax.dot_general(f, w_ref[...], (((1,), (1,)), ((), ())),
                            preferred_element_type=jnp.float32,
                            precision=lax.Precision.HIGHEST)
        h = jnp.maximum(h + b, 0.0)
        mean = jnp.mean(h, axis=1, keepdims=True)
        cent = h - mean
        var = jnp.mean(cent * cent, axis=1, keepdims=True) + 1e-9
        return cent * sc * jax.lax.rsqrt(var) + off

    out_ref[...] = (trans(x_ref[...], w0_ref, b0_ref[...], s0_ref[...], o0_ref[...])
                    + trans(h1, w1_ref, b1_ref[...], s1_ref[...], o1_ref[...]))


_BLK = 400


def _dense_tc(x, acc, W0, W1, b0, b1, scale0, scale1, offset0, offset1):
    grid = (N // _BLK,)
    vec_spec = pl.BlockSpec((1, D), lambda i: (0, 0))
    return pl.pallas_call(
        _dense_body,
        grid=grid,
        in_specs=[
            pl.BlockSpec((_BLK, D), lambda i: (i, 0)),
            pl.BlockSpec((NC, _BLK, D), lambda i: (0, i, 0)),
            pl.BlockSpec((D, D), lambda i: (0, 0)),
            pl.BlockSpec((D, D), lambda i: (0, 0)),
            vec_spec, vec_spec, vec_spec, vec_spec, vec_spec, vec_spec,
        ],
        out_specs=pl.BlockSpec((_BLK, D), lambda i: (i, 0)),
        out_shape=jax.ShapeDtypeStruct((N, D), jnp.float32),
    )(x, acc, W0, W1, b0.reshape(1, D), b1.reshape(1, D),
      scale0.reshape(1, D), scale1.reshape(1, D),
      offset0.reshape(1, D), offset1.reshape(1, D))


def kernel(x, edge_index, edge_weight, W0, W1, b0, b1,
           scale0, scale1, offset0, offset1):
    dst = edge_index[0]
    src = edge_index[1]
    pad = EP - E

    src_f = jnp.concatenate([src, jnp.zeros((pad,), jnp.int32)])
    dst_f = jnp.concatenate(
        [dst, N + (jnp.arange(pad, dtype=jnp.int32) % 16)])
    w_i = lax.bitcast_convert_type(
        jnp.concatenate([edge_weight, jnp.zeros((pad,), jnp.float32)]
                        ).astype(jnp.bfloat16), jnp.uint16).astype(jnp.int32)

    sdw = jnp.stack([src_f, dst_f, w_i])
    a0 = sdw[:, :E0].reshape(3, 1, NS, CH0 * CHUNK)
    a1 = sdw[:, E0:].reshape(3, 1, NS, (320 - CH0) * CHUNK)
    if CH1 < CH0:
        a1 = jnp.concatenate(
            [a1, jnp.zeros((3, 1, NS, (CH0 - CH1) * CHUNK), jnp.int32)],
            axis=-1)
    sdw = jnp.concatenate([a0, a1], axis=1).reshape(3, NC, NS, -1, 2, 16)
    sdw = (sdw[..., 0, :] | (sdw[..., 1, :] << 16)).reshape(3, NC, NS, STG)

    acc = _spmm_sc(x, sdw)
    return _dense_tc(x, acc, W0, W1, b0, b1,
                     scale0, scale1, offset0, offset1)

# --- scband reference (transcript-rebuilt; emitter-appended) ---
"""Pipeline reference for scband-high-order-aggregator-34849364640473 (READ-ONLY COPY).

The authoritative reference and input builder live on the scoring server;
editing this copy changes nothing except your own understanding.
"""

import jax, jax.numpy as jnp
import numpy as np

N = 10000
E = 320000
D_IN = 128
D_OUT = 128


def _xavier(key, shape):
    fan_out, fan_in = shape
    lim = (6.0 / (fan_in + fan_out)) ** 0.5
    return jax.random.uniform(key, shape, minval=-lim, maxval=lim, dtype=jnp.float32)


def setup_inputs(seed: int = 0):
    key = jax.random.key(seed)
    ks = jax.random.split(key, 8)
    x = jax.random.normal(ks[0], (N, D_IN), dtype=jnp.float32)
    edge_index = jax.random.randint(ks[1], (2, E), 0, N, dtype=jnp.int32)
    edge_weight = jax.random.uniform(ks[2], (E,), dtype=jnp.float32)
    W0 = _xavier(ks[3], (D_OUT, D_IN))
    W1 = _xavier(ks[4], (D_OUT, D_IN))
    b0 = jnp.zeros((D_OUT,), jnp.float32)
    b1 = jnp.zeros((D_OUT,), jnp.float32)
    scale0 = jnp.ones((D_OUT,), jnp.float32)
    scale1 = jnp.ones((D_OUT,), jnp.float32)
    offset0 = jnp.zeros((D_OUT,), jnp.float32)
    offset1 = jnp.zeros((D_OUT,), jnp.float32)
    return {"x": x, "edge_index": edge_index, "edge_weight": edge_weight,
            "W0": W0, "W1": W1, "b0": b0, "b1": b1,
            "scale0": scale0, "scale1": scale1,
            "offset0": offset0, "offset1": offset1}


def _spmm(edge_index, edge_weight, feat, n):
    # torch.sparse.mm(adj, feat): out[row] += val * feat[col]
    dst = edge_index[0]
    src = edge_index[1]
    msgs = feat[src] * edge_weight[:, None]
    return jax.ops.segment_sum(msgs, dst, num_segments=n)


def _f_feat_trans(feat, W, b, scale, offset):
    h = jax.nn.relu(feat @ W.T + b)
    mean = jnp.mean(h, axis=1, keepdims=True)
    var = jnp.var(h, axis=1, keepdims=True) + 1e-9  # unbiased=False
    return (h - mean) * scale * jax.lax.rsqrt(var) + offset


def reference(x, edge_index, edge_weight, W0, W1, b0, b1, scale0, scale1, offset0, offset1):
    # dropout p=0.0 -> identity
    feat_hop0 = x
    feat_hop1 = _spmm(edge_index, edge_weight, feat_hop0, N)
    p0 = _f_feat_trans(feat_hop0, W0, b0, scale0, offset0)
    p1 = _f_feat_trans(feat_hop1, W1, b1, scale1, offset1)
    # aggr == 'mean' is actually an elementwise sum of the partials
    feat_out = p0 + p1
    return feat_out

if __name__ == "__main__":
    import jax
    _d = setup_inputs()
    print(jax.jit(kernel)(*tuple(_d.values())))

</pallas_src>

<mosaic_0001>
#map = affine_map<(d0, d1) -> (0, 0)>
#map1 = affine_map<(d0, d1) -> (0, 0, 0, 0)>
#map2 = affine_map<(d0, d1) -> (0, 0, 0)>
module attributes {stable_mosaic.version = 14 : i64} {
  func.func @_spmm_sc(%arg0: i32, %arg1: i32, %arg2: memref<10000x128xf32, #tpu.memory_space<hbm>>, %arg3: memref<3x2x16x5120xi32, #tpu.memory_space<hbm>>, %arg4: memref<2x10240x128xf32, #tpu.memory_space<hbm>>, %arg5: memref<5120xi32, #tpu.memory_space<vmem>>, %arg6: memref<5120xi32, #tpu.memory_space<vmem>>, %arg7: memref<5120xi32, #tpu.memory_space<vmem>>, %arg8: memref<2x64xi32, #tpu.memory_space<vmem>>, %arg9: memref<2x64xi32, #tpu.memory_space<vmem>>, %arg10: memref<2x64x128xf32, #tpu.memory_space<vmem>>, %arg11: memref<2x64x128xf32, #tpu.memory_space<vmem>>, %arg12: memref<10240x128xf32, #tpu.memory_space<vmem_shared>>, %arg13: memref<!tpu.dma_semaphore, #tpu.memory_space<semaphore_mem>>, %arg14: memref<!tpu.dma_semaphore, #tpu.memory_space<semaphore_mem>>, %arg15: memref<!tpu.dma_semaphore, #tpu.memory_space<semaphore_mem>>, %arg16: memref<!tpu.dma_semaphore, #tpu.memory_space<semaphore_mem>>, %arg17: memref<!tpu.dma_semaphore, #tpu.memory_space<semaphore_mem>>) attributes {dimension_semantics = [#tpu.dimension_semantics<core_parallel>, #tpu.dimension_semantics<subcore_parallel>], iteration_bounds = array<i64: 2, 16>, scalar_prefetch = 0 : i64, scratch_operands = 13 : i64, tpu.core_type = #tpu.core_type<sc_vector_subcore>, window_params = [{transform_indices = #map}, {transform_indices = #map1}, {transform_indices = #map2}]} {
    %eq3A = arith.constant 0 : i32
    %eq3A_0 = arith.cmpi eq, %arg0, %eq3A : i32
    %jit3A = arith.constant 160 : i32
    %jit3A_1 = arith.constant 160 : i32
    %select_n3A = arith.select %eq3A_0, %jit3A, %jit3A_1 : i32
    %scan3A = arith.constant 0 : i32
    %scan3A_2 = arith.constant 0 : i32
    %scan3A_3 = arith.constant 64 : i32
    %scan3A_4 = arith.addi %scan3A_2, %scan3A_3 : i32
    %scan3A_5 = arith.constant 1 : i32
    %scan3A_6 = scf.for %scan3A_651 = %scan3A_2 to %scan3A_4 step %scan3A_5 iter_args(%scan3A_652 = %scan3A) -> (i32)  : i32 {
      %broadcast_in_dim3A = arith.constant 0.000000e+00 : f32
      %broadcast_in_dim3A_653 = vector.broadcast %broadcast_in_dim3A : f32 to vector<16xf32>
      %swap3A_654 = arith.constant 0 : i32
      %swap3A_655 = arith.index_cast %swap3A_654 : i32 to index
      %swap3A_656 = arith.index_cast %scan3A_651 : i32 to index
      %swap3A_657 = arith.constant 0 : index
      %swap3A_658 = tpu.vector_load %arg11[%swap3A_655, %swap3A_656, %swap3A_657] {strides = array<i32>} : memref<2x64x128xf32, #tpu.memory_space<vmem>>, vector<16xf32>,
      tpu.vector_store %arg11[%swap3A_655, %swap3A_656, %swap3A_657], %broadcast_in_dim3A_653 {strides = array<i32>} : memref<2x64x128xf32, #tpu.memory_space<vmem>>, vector<16xf32>,
      %broadcast_in_dim3A_659 = arith.constant 0.000000e+00 : f32
      %broadcast_in_dim3A_660 = vector.broadcast %broadcast_in_dim3A_659 : f32 to vector<16xf32>
      %swap3A_661 = arith.constant 0 : i32
      %swap3A_662 = arith.index_cast %swap3A_661 : i32 to index
      %swap3A_663 = arith.index_cast %scan3A_651 : i32 to index
      %swap3A_664 = arith.constant 16 : index
      %swap3A_665 = tpu.vector_load %arg11[%swap3A_662, %swap3A_663, %swap3A_664] {strides = array<i32>} : memref<2x64x128xf32, #tpu.memory_space<vmem>>, vector<16xf32>,
      tpu.vector_store %arg11[%swap3A_662, %swap3A_663, %swap3A_664], %broadcast_in_dim3A_660 {strides = array<i32>} : memref<2x64x128xf32, #tpu.memory_space<vmem>>, vector<16xf32>,
      %broadcast_in_dim3A_666 = arith.constant 0.000000e+00 : f32
      %broadcast_in_dim3A_667 = vector.broadcast %broadcast_in_dim3A_666 : f32 to vector<16xf32>
      %swap3A_668 = arith.constant 0 : i32
      %swap3A_669 = arith.index_cast %swap3A_668 : i32 to index
      %swap3A_670 = arith.index_cast %scan3A_651 : i32 to index
      %swap3A_671 = arith.constant 32 : index
      %swap3A_672 = tpu.vector_load %arg11[%swap3A_669, %swap3A_670, %swap3A_671] {strides = array<i32>} : memref<2x64x128xf32, #tpu.memory_space<vmem>>, vector<16xf32>,
      tpu.vector_store %arg11[%swap3A_669, %swap3A_670, %swap3A_671], %broadcast_in_dim3A_667 {strides = array<i32>} : memref<2x64x128xf32, #tpu.memory_space<vmem>>, vector<16xf32>,
      %broadcast_in_dim3A_673 = arith.constant 0.000000e+00 : f32
      %broadcast_in_dim3A_674 = vector.broadcast %broadcast_in_dim3A_673 : f32 to vector<16xf32>
      %swap3A_675 = arith.constant 0 : i32
      %swap3A_676 = arith.index_cast %swap3A_675 : i32 to index
      %swap3A_677 = arith.index_cast %scan3A_651 : i32 to index
      %swap3A_678 = arith.constant 48 : index
      %swap3A_679 = tpu.vector_load %arg11[%swap3A_676, %swap3A_677, %swap3A_678] {strides = array<i32>} : memref<2x64x128xf32, #tpu.memory_space<vmem>>, vector<16xf32>,
      tpu.vector_store %arg11[%swap3A_676, %swap3A_677, %swap3A_678], %broadcast_in_dim3A_674 {strides = array<i32>} : memref<2x64x128xf32, #tpu.memory_space<vmem>>, vector<16xf32>,
      %broadcast_in_dim3A_680 = arith.constant 0.000000e+00 : f32
      %broadcast_in_dim3A_681 = vector.broadcast %broadcast_in_dim3A_680 : f32 to vector<16xf32>
      %swap3A_682 = arith.constant 0 : i32
      %swap3A_683 = arith.index_cast %swap3A_682 : i32 to index
      %swap3A_684 = arith.index_cast %scan3A_651 : i32 to index
      %swap3A_685 = arith.constant 64 : index
      %swap3A_686 = tpu.vector_load %arg11[%swap3A_683, %swap3A_684, %swap3A_685] {strides = array<i32>} : memref<2x64x128xf32, #tpu.memory_space<vmem>>, vector<16xf32>,
      tpu.vector_store %arg11[%swap3A_683, %swap3A_684, %swap3A_685], %broadcast_in_dim3A_681 {strides = array<i32>} : memref<2x64x128xf32, #tpu.memory_space<vmem>>, vector<16xf32>,
      %broadcast_in_dim3A_687 = arith.constant 0.000000e+00 : f32
      %broadcast_in_dim3A_688 = vector.broadcast %broadcast_in_dim3A_687 : f32 to vector<16xf32>
      %swap3A_689 = arith.constant 0 : i32
      %swap3A_690 = arith.index_cast %swap3A_689 : i32 to index
      %swap3A_691 = arith.index_cast %scan3A_651 : i32 to index
      %swap3A_692 = arith.constant 80 : index
      %swap3A_693 = tpu.vector_load %arg11[%swap3A_690, %swap3A_691, %swap3A_692] {strides = array<i32>} : memref<2x64x128xf32, #tpu.memory_space<vmem>>, vector<16xf32>,
      tpu.vector_store %arg11[%swap3A_690, %swap3A_691, %swap3A_692], %broadcast_in_dim3A_688 {strides = array<i32>} : memref<2x64x128xf32, #tpu.memory_space<vmem>>, vector<16xf32>,
      %broadcast_in_dim3A_694 = arith.constant 0.000000e+00 : f32
      %broadcast_in_dim3A_695 = vector.broadcast %broadcast_in_dim3A_694 : f32 to vector<16xf32>
      %swap3A_696 = arith.constant 0 : i32
      %swap3A_697 = arith.index_cast %swap3A_696 : i32 to index
      %swap3A_698 = arith.index_cast %scan3A_651 : i32 to index
      %swap3A_699 = arith.constant 96 : index
      %swap3A_700 = tpu.vector_load %arg11[%swap3A_697, %swap3A_698, %swap3A_699] {strides = array<i32>} : memref<2x64x128xf32, #tpu.memory_space<vmem>>, vector<16xf32>,
      tpu.vector_store %arg11[%swap3A_697, %swap3A_698, %swap3A_699], %broadcast_in_dim3A_695 {strides = array<i32>} : memref<2x64x128xf32, #tpu.memory_space<vmem>>, vector<16xf32>,
      %broadcast_in_dim3A_701 = arith.constant 0.000000e+00 : f32
      %broadcast_in_dim3A_702 = vector.broadcast %broadcast_in_dim3A_701 : f32 to vector<16xf32>
      %swap3A_703 = arith.constant 0 : i32
      %swap3A_704 = arith.index_cast %swap3A_703 : i32 to index
      %swap3A_705 = arith.index_cast %scan3A_651 : i32 to index
      %swap3A_706 = arith.constant 112 : index
      %swap3A_707 = tpu.vector_load %arg11[%swap3A_704, %swap3A_705, %swap3A_706] {strides = array<i32>} : memref<2x64x128xf32, #tpu.memory_space<vmem>>, vector<16xf32>,
      tpu.vector_store %arg11[%swap3A_704, %swap3A_705, %swap3A_706], %broadcast_in_dim3A_702 {strides = array<i32>} : memref<2x64x128xf32, #tpu.memory_space<vmem>>, vector<16xf32>,
      %scan3A_708 = arith.constant 0 : i32
      scf.yield %scan3A_708 : i32
    }
    %scan3A_7 = arith.constant 64 : i32
    %mul3A = arith.constant 640 : i32
    %mul3A_8 = arith.muli %arg1, %mul3A : i32
    %dma_start3A = arith.constant 0 : i32
    %dma_start3A_9 = arith.constant 0 : i32
    %dma_start3A_10 = tpu.memref_slice %arg3[%dma_start3A, %arg0, %arg1, %dma_start3A_9] : memref<3x2x16x5120xi32, #tpu.memory_space<hbm>> -> memref<1x1x1x5120xi32, #tpu.memory_space<hbm>>
    %dma_start3A_11 = tpu.memref_squeeze %dma_start3A_10 : memref<1x1x1x5120xi32, #tpu.memory_space<hbm>> -> memref<5120xi32, #tpu.memory_space<hbm>>
    %dma_start3A_12 = arith.constant 0 : i32
    %dma_start3A_13 = tpu.memref_slice %arg3[%dma_start3A, %arg0, %arg1, %dma_start3A_12] : memref<3x2x16x5120xi32, #tpu.memory_space<hbm>> -> memref<1x1x1x5120xi32, #tpu.memory_space<hbm>>
    %dma_start3A_14 = tpu.memref_squeeze %dma_start3A_13 : memref<1x1x1x5120xi32, #tpu.memory_space<hbm>> -> memref<5120xi32, #tpu.memory_space<hbm>>
    tpu.enqueue_dma source(%dma_start3A_14 : memref<5120xi32, #tpu.memory_space<hbm>>) target(%arg5 : memref<5120xi32, #tpu.memory_space<vmem>>) target_semaphore(%arg13 : memref<!tpu.dma_semaphore, #tpu.memory_space<semaphore_mem>>)
    %dma_start3A_15 = arith.constant 1 : i32
    %dma_start3A_16 = arith.constant 0 : i32
    %dma_start3A_17 = tpu.memref_slice %arg3[%dma_start3A_15, %arg0, %arg1, %dma_start3A_16] : memref<3x2x16x5120xi32, #tpu.memory_space<hbm>> -> memref<1x1x1x5120xi32, #tpu.memory_space<hbm>>
    %dma_start3A_18 = tpu.memref_squeeze %dma_start3A_17 : memref<1x1x1x5120xi32, #tpu.memory_space<hbm>> -> memref<5120xi32, #tpu.memory_space<hbm>>
    %dma_start3A_19 = arith.constant 0 : i32
    %dma_start3A_20 = tpu.memref_slice %arg3[%dma_start3A_15, %arg0, %arg1, %dma_start3A_19] : memref<3x2x16x5120xi32, #tpu.memory_space<hbm>> -> memref<1x1x1x5120xi32, #tpu.memory_space<hbm>>
    %dma_start3A_21 = tpu.memref_squeeze %dma_start3A_20 : memref<1x1x1x5120xi32, #tpu.memory_space<hbm>> -> memref<5120xi32, #tpu.memory_space<hbm>>
    tpu.enqueue_dma source(%dma_start3A_21 : memref<5120xi32, #tpu.memory_space<hbm>>) target(%arg6 : memref<5120xi32, #tpu.memory_space<vmem>>) target_semaphore(%arg14 : memref<!tpu.dma_semaphore, #tpu.memory_space<semaphore_mem>>)
    %dma_start3A_22 = arith.constant 2 : i32
    %dma_start3A_23 = arith.constant 0 : i32
    %dma_start3A_24 = tpu.memref_slice %arg3[%dma_start3A_22, %arg0, %arg1, %dma_start3A_23] : memref<3x2x16x5120xi32, #tpu.memory_space<hbm>> -> memref<1x1x1x5120xi32, #tpu.memory_space<hbm>>
    %dma_start3A_25 = tpu.memref_squeeze %dma_start3A_24 : memref<1x1x1x5120xi32, #tpu.memory_space<hbm>> -> memref<5120xi32, #tpu.memory_space<hbm>>
    %dma_start3A_26 = arith.constant 0 : i32
    %dma_start3A_27 = tpu.memref_slice %arg3[%dma_start3A_22, %arg0, %arg1, %dma_start3A_26] : memref<3x2x16x5120xi32, #tpu.memory_space<hbm>> -> memref<1x1x1x5120xi32, #tpu.memory_space<hbm>>
    %dma_start3A_28 = tpu.memref_squeeze %dma_start3A_27 : memref<1x1x1x5120xi32, #tpu.memory_space<hbm>> -> memref<5120xi32, #tpu.memory_space<hbm>>
    tpu.enqueue_dma source(%dma_start3A_28 : memref<5120xi32, #tpu.memory_space<hbm>>) target(%arg7 : memref<5120xi32, #tpu.memory_space<vmem>>) target_semaphore(%arg17 : memref<!tpu.dma_semaphore, #tpu.memory_space<semaphore_mem>>)
    %add3A = arith.constant 0 : i32
    %add3A_29 = arith.addi %mul3A_8, %add3A : i32
    %dma_start3A_30 = arith.constant 0 : i32
    %dma_start3A_31 = arith.constant 0 : i32
    %dma_start3A_32 = arith.constant 0 : i32
    %dma_start3A_33 = tpu.memref_slice %arg11[%dma_start3A_30, %dma_start3A_31, %dma_start3A_32] : memref<2x64x128xf32, #tpu.memory_space<vmem>> -> memref<1x64x128xf32, #tpu.memory_space<vmem>>
    %dma_start3A_34 = tpu.memref_squeeze %dma_start3A_33 : memref<1x64x128xf32, #tpu.memory_space<vmem>> -> memref<64x128xf32, #tpu.memory_space<vmem>>
    %dma_start3A_35 = arith.constant 0 : i32
    %dma_start3A_36 = tpu.memref_slice %arg12[%add3A_29, %dma_start3A_35] : memref<10240x128xf32, #tpu.memory_space<vmem_shared>> -> memref<64x128xf32, #tpu.memory_space<vmem_shared>>
    %dma_start3A_37 = arith.constant 0 : i32
    %dma_start3A_38 = tpu.memref_slice %arg12[%add3A_29, %dma_start3A_37] : memref<10240x128xf32, #tpu.memory_space<vmem_shared>> -> memref<64x128xf32, #tpu.memory_space<vmem_shared>>
    %dma_start3A_39 = arith.constant 0 : i32
    %dma_start3A_40 = arith.constant 0 : i32
    %dma_start3A_41 = tpu.memref_slice %arg11[%dma_start3A_30, %dma_start3A_39, %dma_start3A_40] : memref<2x64x128xf32, #tpu.memory_space<vmem>> -> memref<1x64x128xf32, #tpu.memory_space<vmem>>
    %dma_start3A_42 = tpu.memref_squeeze %dma_start3A_41 : memref<1x64x128xf32, #tpu.memory_space<vmem>> -> memref<64x128xf32, #tpu.memory_space<vmem>>
    tpu.enqueue_dma source(%dma_start3A_42 : memref<64x128xf32, #tpu.memory_space<vmem>>) target(%dma_start3A_38 : memref<64x128xf32, #tpu.memory_space<vmem_shared>>) target_semaphore(%arg15 : memref<!tpu.dma_semaphore, #tpu.memory_space<semaphore_mem>>)
    %add3A_43 = arith.constant 64 : i32
    %add3A_44 = arith.addi %mul3A_8, %add3A_43 : i32
    %dma_start3A_45 = arith.constant 0 : i32
    %dma_start3A_46 = arith.constant 0 : i32
    %dma_start3A_47 = arith.constant 0 : i32
    %dma_start3A_48 = tpu.memref_slice %arg11[%dma_start3A_45, %dma_start3A_46, %dma_start3A_47] : memref<2x64x128xf32, #tpu.memory_space<vmem>> -> memref<1x64x128xf32, #tpu.memory_space<vmem>>
    %dma_start3A_49 = tpu.memref_squeeze %dma_start3A_48 : memref<1x64x128xf32, #tpu.memory_space<vmem>> -> memref<64x128xf32, #tpu.memory_space<vmem>>
    %dma_start3A_50 = arith.constant 0 : i32
    %dma_start3A_51 = tpu.memref_slice %arg12[%add3A_44, %dma_start3A_50] : memref<10240x128xf32, #tpu.memory_space<vmem_shared>> -> memref<64x128xf32, #tpu.memory_space<vmem_shared>>
    %dma_start3A_52 = arith.constant 0 : i32
    %dma_start3A_53 = tpu.memref_slice %arg12[%add3A_44, %dma_start3A_52] : memref<10240x128xf32, #tpu.memory_space<vmem_shared>> -> memref<64x128xf32, #tpu.memory_space<vmem_shared>>
    %dma_start3A_54 = arith.constant 0 : i32
    %dma_start3A_55 = arith.constant 0 : i32
    %dma_start3A_56 = tpu.memref_slice %arg11[%dma_start3A_45, %dma_start3A_54, %dma_start3A_55] : memref<2x64x128xf32, #tpu.memory_space<vmem>> -> memref<1x64x128xf32, #tpu.memory_space<vmem>>
    %dma_start3A_57 = tpu.memref_squeeze %dma_start3A_56 : memref<1x64x128xf32, #tpu.memory_space<vmem>> -> memref<64x128xf32, #tpu.memory_space<vmem>>
    tpu.enqueue_dma source(%dma_start3A_57 : memref<64x128xf32, #tpu.memory_space<vmem>>) target(%dma_start3A_53 : memref<64x128xf32, #tpu.memory_space<vmem_shared>>) target_semaphore(%arg15 : memref<!tpu.dma_semaphore, #tpu.memory_space<semaphore_mem>>)
    %add3A_58 = arith.constant 128 : i32
    %add3A_59 = arith.addi %mul3A_8, %add3A_58 : i32
    %dma_start3A_60 = arith.constant 0 : i32
    %dma_start3A_61 = arith.constant 0 : i32
    %dma_start3A_62 = arith.constant 0 : i32
    %dma_start3A_63 = tpu.memref_slice %arg11[%dma_start3A_60, %dma_start3A_61, %dma_start3A_62] : memref<2x64x128xf32, #tpu.memory_space<vmem>> -> memref<1x64x128xf32, #tpu.memory_space<vmem>>
    %dma_start3A_64 = tpu.memref_squeeze %dma_start3A_63 : memref<1x64x128xf32, #tpu.memory_space<vmem>> -> memref<64x128xf32, #tpu.memory_space<vmem>>
    %dma_start3A_65 = arith.constant 0 : i32
    %dma_start3A_66 = tpu.memref_slice %arg12[%add3A_59, %dma_start3A_65] : memref<10240x128xf32, #tpu.memory_space<vmem_shared>> -> memref<64x128xf32, #tpu.memory_space<vmem_shared>>
    %dma_start3A_67 = arith.constant 0 : i32
    %dma_start3A_68 = tpu.memref_slice %arg12[%add3A_59, %dma_start3A_67] : memref<10240x128xf32, #tpu.memory_space<vmem_shared>> -> memref<64x128xf32, #tpu.memory_space<vmem_shared>>
    %dma_start3A_69 = arith.constant 0 : i32
    %dma_start3A_70 = arith.constant 0 : i32
    %dma_start3A_71 = tpu.memref_slice %arg11[%dma_start3A_60, %dma_start3A_69, %dma_start3A_70] : memref<2x64x128xf32, #tpu.memory_space<vmem>> -> memref<1x64x128xf32, #tpu.memory_space<vmem>>
    %dma_start3A_72 = tpu.memref_squeeze %dma_start3A_71 : memref<1x64x128xf32, #tpu.memory_space<vmem>> -> memref<64x128xf32, #tpu.memory_space<vmem>>
    tpu.enqueue_dma source(%dma_start3A_72 : memref<64x128xf32, #tpu.memory_space<vmem>>) target(%dma_start3A_68 : memref<64x128xf32, #tpu.memory_space<vmem_shared>>) target_semaphore(%arg15 : memref<!tpu.dma_semaphore, #tpu.memory_space<semaphore_mem>>)
    %add3A_73 = arith.constant 192 : i32
    %add3A_74 = arith.addi %mul3A_8, %add3A_73 : i32
    %dma_start3A_75 = arith.constant 0 : i32
    %dma_start3A_76 = arith.constant 0 : i32
    %dma_start3A_77 = arith.constant 0 : i32
    %dma_start3A_78 = tpu.memref_slice %arg11[%dma_start3A_75, %dma_start3A_76, %dma_start3A_77] : memref<2x64x128xf32, #tpu.memory_space<vmem>> -> memref<1x64x128xf32, #tpu.memory_space<vmem>>
    %dma_start3A_79 = tpu.memref_squeeze %dma_start3A_78 : memref<1x64x128xf32, #tpu.memory_space<vmem>> -> memref<64x128xf32, #tpu.memory_space<vmem>>
    %dma_start3A_80 = arith.constant 0 : i32
    %dma_start3A_81 = tpu.memref_slice %arg12[%add3A_74, %dma_start3A_80] : memref<10240x128xf32, #tpu.memory_space<vmem_shared>> -> memref<64x128xf32, #tpu.memory_space<vmem_shared>>
    %dma_start3A_82 = arith.constant 0 : i32
    %dma_start3A_83 = tpu.memref_slice %arg12[%add3A_74, %dma_start3A_82] : memref<10240x128xf32, #tpu.memory_space<vmem_shared>> -> memref<64x128xf32, #tpu.memory_space<vmem_shared>>
    %dma_start3A_84 = arith.constant 0 : i32
    %dma_start3A_85 = arith.constant 0 : i32
    %dma_start3A_86 = tpu.memref_slice %arg11[%dma_start3A_75, %dma_start3A_84, %dma_start3A_85] : memref<2x64x128xf32, #tpu.memory_space<vmem>> -> memref<1x64x128xf32, #tpu.memory_space<vmem>>
    %dma_start3A_87 = tpu.memref_squeeze %dma_start3A_86 : memref<1x64x128xf32, #tpu.memory_space<vmem>> -> memref<64x128xf32, #tpu.memory_space<vmem>>
    tpu.enqueue_dma source(%dma_start3A_87 : memref<64x128xf32, #tpu.memory_space<vmem>>) target(%dma_start3A_83 : memref<64x128xf32, #tpu.memory_space<vmem_shared>>) target_semaphore(%arg15 : memref<!tpu.dma_semaphore, #tpu.memory_space<semaphore_mem>>)
    %add3A_88 = arith.constant 256 : i32
    %add3A_89 = arith.addi %mul3A_8, %add3A_88 : i32
    %dma_start3A_90 = arith.constant 0 : i32
    %dma_start3A_91 = arith.constant 0 : i32
    %dma_start3A_92 = arith.constant 0 : i32
    %dma_start3A_93 = tpu.memref_slice %arg11[%dma_start3A_90, %dma_start3A_91, %dma_start3A_92] : memref<2x64x128xf32, #tpu.memory_space<vmem>> -> memref<1x64x128xf32, #tpu.memory_space<vmem>>
    %dma_start3A_94 = tpu.memref_squeeze %dma_start3A_93 : memref<1x64x128xf32, #tpu.memory_space<vmem>> -> memref<64x128xf32, #tpu.memory_space<vmem>>
    %dma_start3A_95 = arith.constant 0 : i32
    %dma_start3A_96 = tpu.memref_slice %arg12[%add3A_89, %dma_start3A_95] : memref<10240x128xf32, #tpu.memory_space<vmem_shared>> -> memref<64x128xf32, #tpu.memory_space<vmem_shared>>
    %dma_start3A_97 = arith.constant 0 : i32
    %dma_start3A_98 = tpu.memref_slice %arg12[%add3A_89, %dma_start3A_97] : memref<10240x128xf32, #tpu.memory_space<vmem_shared>> -> memref<64x128xf32, #tpu.memory_space<vmem_shared>>
    %dma_start3A_99 = arith.constant 0 : i32
    %dma_start3A_100 = arith.constant 0 : i32
    %dma_start3A_101 = tpu.memref_slice %arg11[%dma_start3A_90, %dma_start3A_99, %dma_start3A_100] : memref<2x64x128xf32, #tpu.memory_space<vmem>> -> memref<1x64x128xf32, #tpu.memory_space<vmem>>
    %dma_start3A_102 = tpu.memref_squeeze %dma_start3A_101 : memref<1x64x128xf32, #tpu.memory_space<vmem>> -> memref<64x128xf32, #tpu.memory_space<vmem>>
    tpu.enqueue_dma source(%dma_start3A_102 : memref<64x128xf32, #tpu.memory_space<vmem>>) target(%dma_start3A_98 : memref<64x128xf32, #tpu.memory_space<vmem_shared>>) target_semaphore(%arg15 : memref<!tpu.dma_semaphore, #tpu.memory_space<semaphore_mem>>)
    %add3A_103 = arith.constant 320 : i32
    %add3A_104 = arith.addi %mul3A_8, %add3A_103 : i32
    %dma_start3A_105 = arith.constant 0 : i32
    %dma_start3A_106 = arith.constant 0 : i32
    %dma_start3A_107 = arith.constant 0 : i32
    %dma_start3A_108 = tpu.memref_slice %arg11[%dma_start3A_105, %dma_start3A_106, %dma_start3A_107] : memref<2x64x128xf32, #tpu.memory_space<vmem>> -> memref<1x64x128xf32, #tpu.memory_space<vmem>>
    %dma_start3A_109 = tpu.memref_squeeze %dma_start3A_108 : memref<1x64x128xf32, #tpu.memory_space<vmem>> -> memref<64x128xf32, #tpu.memory_space<vmem>>
    %dma_start3A_110 = arith.constant 0 : i32
    %dma_start3A_111 = tpu.memref_slice %arg12[%add3A_104, %dma_start3A_110] : memref<10240x128xf32, #tpu.memory_space<vmem_shared>> -> memref<64x128xf32, #tpu.memory_space<vmem_shared>>
    %dma_start3A_112 = arith.constant 0 : i32
    %dma_start3A_113 = tpu.memref_slice %arg12[%add3A_104, %dma_start3A_112] : memref<10240x128xf32, #tpu.memory_space<vmem_shared>> -> memref<64x128xf32, #tpu.memory_space<vmem_shared>>
    %dma_start3A_114 = arith.constant 0 : i32
    %dma_start3A_115 = arith.constant 0 : i32
    %dma_start3A_116 = tpu.memref_slice %arg11[%dma_start3A_105, %dma_start3A_114, %dma_start3A_115] : memref<2x64x128xf32, #tpu.memory_space<vmem>> -> memref<1x64x128xf32, #tpu.memory_space<vmem>>
    %dma_start3A_117 = tpu.memref_squeeze %dma_start3A_116 : memref<1x64x128xf32, #tpu.memory_space<vmem>> -> memref<64x128xf32, #tpu.memory_space<vmem>>
    tpu.enqueue_dma source(%dma_start3A_117 : memref<64x128xf32, #tpu.memory_space<vmem>>) target(%dma_start3A_113 : memref<64x128xf32, #tpu.memory_space<vmem_shared>>) target_semaphore(%arg15 : memref<!tpu.dma_semaphore, #tpu.memory_space<semaphore_mem>>)
    %add3A_118 = arith.constant 384 : i32
    %add3A_119 = arith.addi %mul3A_8, %add3A_118 : i32
    %dma_start3A_120 = arith.constant 0 : i32
    %dma_start3A_121 = arith.constant 0 : i32
    %dma_start3A_122 = arith.constant 0 : i32
    %dma_start3A_123 = tpu.memref_slice %arg11[%dma_start3A_120, %dma_start3A_121, %dma_start3A_122] : memref<2x64x128xf32, #tpu.memory_space<vmem>> -> memref<1x64x128xf32, #tpu.memory_space<vmem>>
    %dma_start3A_124 = tpu.memref_squeeze %dma_start3A_123 : memref<1x64x128xf32, #tpu.memory_space<vmem>> -> memref<64x128xf32, #tpu.memory_space<vmem>>
    %dma_start3A_125 = arith.constant 0 : i32
    %dma_start3A_126 = tpu.memref_slice %arg12[%add3A_119, %dma_start3A_125] : memref<10240x128xf32, #tpu.memory_space<vmem_shared>> -> memref<64x128xf32, #tpu.memory_space<vmem_shared>>
    %dma_start3A_127 = arith.constant 0 : i32
    %dma_start3A_128 = tpu.memref_slice %arg12[%add3A_119, %dma_start3A_127] : memref<10240x128xf32, #tpu.memory_space<vmem_shared>> -> memref<64x128xf32, #tpu.memory_space<vmem_shared>>
    %dma_start3A_129 = arith.constant 0 : i32
    %dma_start3A_130 = arith.constant 0 : i32
    %dma_start3A_131 = tpu.memref_slice %arg11[%dma_start3A_120, %dma_start3A_129, %dma_start3A_130] : memref<2x64x128xf32, #tpu.memory_space<vmem>> -> memref<1x64x128xf32, #tpu.memory_space<vmem>>
    %dma_start3A_132 = tpu.memref_squeeze %dma_start3A_131 : memref<1x64x128xf32, #tpu.memory_space<vmem>> -> memref<64x128xf32, #tpu.memory_space<vmem>>
    tpu.enqueue_dma source(%dma_start3A_132 : memref<64x128xf32, #tpu.memory_space<vmem>>) target(%dma_start3A_128 : memref<64x128xf32, #tpu.memory_space<vmem_shared>>) target_semaphore(%arg15 : memref<!tpu.dma_semaphore, #tpu.memory_space<semaphore_mem>>)
    %add3A_133 = arith.constant 448 : i32
    %add3A_134 = arith.addi %mul3A_8, %add3A_133 : i32
    %dma_start3A_135 = arith.constant 0 : i32
    %dma_start3A_136 = arith.constant 0 : i32
    %dma_start3A_137 = arith.constant 0 : i32
    %dma_start3A_138 = tpu.memref_slice %arg11[%dma_start3A_135, %dma_start3A_136, %dma_start3A_137] : memref<2x64x128xf32, #tpu.memory_space<vmem>> -> memref<1x64x128xf32, #tpu.memory_space<vmem>>
    %dma_start3A_139 = tpu.memref_squeeze %dma_start3A_138 : memref<1x64x128xf32, #tpu.memory_space<vmem>> -> memref<64x128xf32, #tpu.memory_space<vmem>>
    %dma_start3A_140 = arith.constant 0 : i32
    %dma_start3A_141 = tpu.memref_slice %arg12[%add3A_134, %dma_start3A_140] : memref<10240x128xf32, #tpu.memory_space<vmem_shared>> -> memref<64x128xf32, #tpu.memory_space<vmem_shared>>
    %dma_start3A_142 = arith.constant 0 : i32
    %dma_start3A_143 = tpu.memref_slice %arg12[%add3A_134, %dma_start3A_142] : memref<10240x128xf32, #tpu.memory_space<vmem_shared>> -> memref<64x128xf32, #tpu.memory_space<vmem_shared>>
    %dma_start3A_144 = arith.constant 0 : i32
    %dma_start3A_145 = arith.constant 0 : i32
    %dma_start3A_146 = tpu.memref_slice %arg11[%dma_start3A_135, %dma_start3A_144, %dma_start3A_145] : memref<2x64x128xf32, #tpu.memory_space<vmem>> -> memref<1x64x128xf32, #tpu.memory_space<vmem>>
    %dma_start3A_147 = tpu.memref_squeeze %dma_start3A_146 : memref<1x64x128xf32, #tpu.memory_space<vmem>> -> memref<64x128xf32, #tpu.memory_space<vmem>>
    tpu.enqueue_dma source(%dma_start3A_147 : memref<64x128xf32, #tpu.memory_space<vmem>>) target(%dma_start3A_143 : memref<64x128xf32, #tpu.memory_space<vmem_shared>>) target_semaphore(%arg15 : memref<!tpu.dma_semaphore, #tpu.memory_space<semaphore_mem>>)
    %add3A_148 = arith.constant 512 : i32
    %add3A_149 = arith.addi %mul3A_8, %add3A_148 : i32
    %dma_start3A_150 = arith.constant 0 : i32
    %dma_start3A_151 = arith.constant 0 : i32
    %dma_start3A_152 = arith.constant 0 : i32
    %dma_start3A_153 = tpu.memref_slice %arg11[%dma_start3A_150, %dma_start3A_151, %dma_start3A_152] : memref<2x64x128xf32, #tpu.memory_space<vmem>> -> memref<1x64x128xf32, #tpu.memory_space<vmem>>
    %dma_start3A_154 = tpu.memref_squeeze %dma_start3A_153 : memref<1x64x128xf32, #tpu.memory_space<vmem>> -> memref<64x128xf32, #tpu.memory_space<vmem>>
    %dma_start3A_155 = arith.constant 0 : i32
    %dma_start3A_156 = tpu.memref_slice %arg12[%add3A_149, %dma_start3A_155] : memref<10240x128xf32, #tpu.memory_space<vmem_shared>> -> memref<64x128xf32, #tpu.memory_space<vmem_shared>>
    %dma_start3A_157 = arith.constant 0 : i32
    %dma_start3A_158 = tpu.memref_slice %arg12[%add3A_149, %dma_start3A_157] : memref<10240x128xf32, #tpu.memory_space<vmem_shared>> -> memref<64x128xf32, #tpu.memory_space<vmem_shared>>
    %dma_start3A_159 = arith.constant 0 : i32
    %dma_start3A_160 = arith.constant 0 : i32
    %dma_start3A_161 = tpu.memref_slice %arg11[%dma_start3A_150, %dma_start3A_159, %dma_start3A_160] : memref<2x64x128xf32, #tpu.memory_space<vmem>> -> memref<1x64x128xf32, #tpu.memory_space<vmem>>
    %dma_start3A_162 = tpu.memref_squeeze %dma_start3A_161 : memref<1x64x128xf32, #tpu.memory_space<vmem>> -> memref<64x128xf32, #tpu.memory_space<vmem>>
    tpu.enqueue_dma source(%dma_start3A_162 : memref<64x128xf32, #tpu.memory_space<vmem>>) target(%dma_start3A_158 : memref<64x128xf32, #tpu.memory_space<vmem_shared>>) target_semaphore(%arg15 : memref<!tpu.dma_semaphore, #tpu.memory_space<semaphore_mem>>)
    %add3A_163 = arith.constant 576 : i32
    %add3A_164 = arith.addi %mul3A_8, %add3A_163 : i32
    %dma_start3A_165 = arith.constant 0 : i32
    %dma_start3A_166 = arith.constant 0 : i32
    %dma_start3A_167 = arith.constant 0 : i32
    %dma_start3A_168 = tpu.memref_slice %arg11[%dma_start3A_165, %dma_start3A_166, %dma_start3A_167] : memref<2x64x128xf32, #tpu.memory_space<vmem>> -> memref<1x64x128xf32, #tpu.memory_space<vmem>>
    %dma_start3A_169 = tpu.memref_squeeze %dma_start3A_168 : memref<1x64x128xf32, #tpu.memory_space<vmem>> -> memref<64x128xf32, #tpu.memory_space<vmem>>
    %dma_start3A_170 = arith.constant 0 : i32
    %dma_start3A_171 = tpu.memref_slice %arg12[%add3A_164, %dma_start3A_170] : memref<10240x128xf32, #tpu.memory_space<vmem_shared>> -> memref<64x128xf32, #tpu.memory_space<vmem_shared>>
    %dma_start3A_172 = arith.constant 0 : i32
    %dma_start3A_173 = tpu.memref_slice %arg12[%add3A_164, %dma_start3A_172] : memref<10240x128xf32, #tpu.memory_space<vmem_shared>> -> memref<64x128xf32, #tpu.memory_space<vmem_shared>>
    %dma_start3A_174 = arith.constant 0 : i32
    %dma_start3A_175 = arith.constant 0 : i32
    %dma_start3A_176 = tpu.memref_slice %arg11[%dma_start3A_165, %dma_start3A_174, %dma_start3A_175] : memref<2x64x128xf32, #tpu.memory_space<vmem>> -> memref<1x64x128xf32, #tpu.memory_space<vmem>>
    %dma_start3A_177 = tpu.memref_squeeze %dma_start3A_176 : memref<1x64x128xf32, #tpu.memory_space<vmem>> -> memref<64x128xf32, #tpu.memory_space<vmem>>
    tpu.enqueue_dma source(%dma_start3A_177 : memref<64x128xf32, #tpu.memory_space<vmem>>) target(%dma_start3A_173 : memref<64x128xf32, #tpu.memory_space<vmem_shared>>) target_semaphore(%arg15 : memref<!tpu.dma_semaphore, #tpu.memory_space<semaphore_mem>>)
    %dma_wait3A = arith.constant 0 : i32
    %dma_wait3A_178 = arith.constant 0 : i32
    %dma_wait3A_179 = tpu.memref_slice %arg3[%dma_wait3A, %arg0, %arg1, %dma_wait3A_178] : memref<3x2x16x5120xi32, #tpu.memory_space<hbm>> -> memref<1x1x1x5120xi32, #tpu.memory_space<hbm>>
    %dma_wait3A_180 = tpu.memref_squeeze %dma_wait3A_179 : memref<1x1x1x5120xi32, #tpu.memory_space<hbm>> -> memref<5120xi32, #tpu.memory_space<hbm>>
    %dma_wait3A_181 = arith.constant 0 : i32
    %dma_wait3A_182 = tpu.memref_slice %arg3[%dma_wait3A, %arg0, %arg1, %dma_wait3A_181] : memref<3x2x16x5120xi32, #tpu.memory_space<hbm>> -> memref<1x1x1x5120xi32, #tpu.memory_space<hbm>>
    %dma_wait3A_183 = tpu.memref_squeeze %dma_wait3A_182 : memref<1x1x1x5120xi32, #tpu.memory_space<hbm>> -> memref<5120xi32, #tpu.memory_space<hbm>>
    tpu.wait_dma2 semaphore(%arg13 : memref<!tpu.dma_semaphore, #tpu.memory_space<semaphore_mem>>) src(%dma_wait3A_183 : memref<5120xi32, #tpu.memory_space<hbm>>) dst(%arg5 : memref<5120xi32, #tpu.memory_space<vmem>>)
    %dma_wait3A_184 = arith.constant 1 : i32
    %dma_wait3A_185 = arith.constant 0 : i32
    %dma_wait3A_186 = tpu.memref_slice %arg3[%dma_wait3A_184, %arg0, %arg1, %dma_wait3A_185] : memref<3x2x16x5120xi32, #tpu.memory_space<hbm>> -> memref<1x1x1x5120xi32, #tpu.memory_space<hbm>>
    %dma_wait3A_187 = tpu.memref_squeeze %dma_wait3A_186 : memref<1x1x1x5120xi32, #tpu.memory_space<hbm>> -> memref<5120xi32, #tpu.memory_space<hbm>>
    %dma_wait3A_188 = arith.constant 0 : i32
    %dma_wait3A_189 = tpu.memref_slice %arg3[%dma_wait3A_184, %arg0, %arg1, %dma_wait3A_188] : memref<3x2x16x5120xi32, #tpu.memory_space<hbm>> -> memref<1x1x1x5120xi32, #tpu.memory_space<hbm>>
    %dma_wait3A_190 = tpu.memref_squeeze %dma_wait3A_189 : memref<1x1x1x5120xi32, #tpu.memory_space<hbm>> -> memref<5120xi32, #tpu.memory_space<hbm>>
    tpu.wait_dma2 semaphore(%arg14 : memref<!tpu.dma_semaphore, #tpu.memory_space<semaphore_mem>>) src(%dma_wait3A_190 : memref<5120xi32, #tpu.memory_space<hbm>>) dst(%arg6 : memref<5120xi32, #tpu.memory_space<vmem>>)
    %dma_wait3A_191 = arith.constant 2 : i32
    %dma_wait3A_192 = arith.constant 0 : i32
    %dma_wait3A_193 = tpu.memref_slice %arg3[%dma_wait3A_191, %arg0, %arg1, %dma_wait3A_192] : memref<3x2x16x5120xi32, #tpu.memory_space<hbm>> -> memref<1x1x1x5120xi32, #tpu.memory_space<hbm>>
    %dma_wait3A_194 = tpu.memref_squeeze %dma_wait3A_193 : memref<1x1x1x5120xi32, #tpu.memory_space<hbm>> -> memref<5120xi32, #tpu.memory_space<hbm>>
    %dma_wait3A_195 = arith.constant 0 : i32
    %dma_wait3A_196 = tpu.memref_slice %arg3[%dma_wait3A_191, %arg0, %arg1, %dma_wait3A_195] : memref<3x2x16x5120xi32, #tpu.memory_space<hbm>> -> memref<1x1x1x5120xi32, #tpu.memory_space<hbm>>
    %dma_wait3A_197 = tpu.memref_squeeze %dma_wait3A_196 : memref<1x1x1x5120xi32, #tpu.memory_space<hbm>> -> memref<5120xi32, #tpu.memory_space<hbm>>
    tpu.wait_dma2 semaphore(%arg17 : memref<!tpu.dma_semaphore, #tpu.memory_space<semaphore_mem>>) src(%dma_wait3A_197 : memref<5120xi32, #tpu.memory_space<hbm>>) dst(%arg7 : memref<5120xi32, #tpu.memory_space<vmem>>)
    %add3A_198 = arith.constant 0 : i32
    %add3A_199 = arith.addi %mul3A_8, %add3A_198 : i32
    %dma_wait3A_200 = arith.constant 0 : i32
    %dma_wait3A_201 = arith.constant 0 : i32
    %dma_wait3A_202 = arith.constant 0 : i32
    %dma_wait3A_203 = tpu.memref_slice %arg11[%dma_wait3A_200, %dma_wait3A_201, %dma_wait3A_202] : memref<2x64x128xf32, #tpu.memory_space<vmem>> -> memref<1x64x128xf32, #tpu.memory_space<vmem>>
    %dma_wait3A_204 = tpu.memref_squeeze %dma_wait3A_203 : memref<1x64x128xf32, #tpu.memory_space<vmem>> -> memref<64x128xf32, #tpu.memory_space<vmem>>
    %dma_wait3A_205 = arith.constant 0 : i32
    %dma_wait3A_206 = tpu.memref_slice %arg12[%add3A_199, %dma_wait3A_205] : memref<10240x128xf32, #tpu.memory_space<vmem_shared>> -> memref<64x128xf32, #tpu.memory_space<vmem_shared>>
    %dma_wait3A_207 = arith.constant 0 : i32
    %dma_wait3A_208 = tpu.memref_slice %arg12[%add3A_199, %dma_wait3A_207] : memref<10240x128xf32, #tpu.memory_space<vmem_shared>> -> memref<64x128xf32, #tpu.memory_space<vmem_shared>>
    %dma_wait3A_209 = arith.constant 0 : i32
    %dma_wait3A_210 = arith.constant 0 : i32
    %dma_wait3A_211 = tpu.memref_slice %arg11[%dma_wait3A_200, %dma_wait3A_209, %dma_wait3A_210] : memref<2x64x128xf32, #tpu.memory_space<vmem>> -> memref<1x64x128xf32, #tpu.memory_space<vmem>>
    %dma_wait3A_212 = tpu.memref_squeeze %dma_wait3A_211 : memref<1x64x128xf32, #tpu.memory_space<vmem>> -> memref<64x128xf32, #tpu.memory_space<vmem>>
    tpu.wait_dma2 semaphore(%arg15 : memref<!tpu.dma_semaphore, #tpu.memory_space<semaphore_mem>>) src(%dma_wait3A_212 : memref<64x128xf32, #tpu.memory_space<vmem>>) dst(%dma_wait3A_208 : memref<64x128xf32, #tpu.memory_space<vmem_shared>>)
    %add3A_213 = arith.constant 64 : i32
    %add3A_214 = arith.addi %mul3A_8, %add3A_213 : i32
    %dma_wait3A_215 = arith.constant 0 : i32
    %dma_wait3A_216 = arith.constant 0 : i32
    %dma_wait3A_217 = arith.constant 0 : i32
    %dma_wait3A_218 = tpu.memref_slice %arg11[%dma_wait3A_215, %dma_wait3A_216, %dma_wait3A_217] : memref<2x64x128xf32, #tpu.memory_space<vmem>> -> memref<1x64x128xf32, #tpu.memory_space<vmem>>
    %dma_wait3A_219 = tpu.memref_squeeze %dma_wait3A_218 : memref<1x64x128xf32, #tpu.memory_space<vmem>> -> memref<64x128xf32, #tpu.memory_space<vmem>>
    %dma_wait3A_220 = arith.constant 0 : i32
    %dma_wait3A_221 = tpu.memref_slice %arg12[%add3A_214, %dma_wait3A_220] : memref<10240x128xf32, #tpu.memory_space<vmem_shared>> -> memref<64x128xf32, #tpu.memory_space<vmem_shared>>
    %dma_wait3A_222 = arith.constant 0 : i32
    %dma_wait3A_223 = tpu.memref_slice %arg12[%add3A_214, %dma_wait3A_222] : memref<10240x128xf32, #tpu.memory_space<vmem_shared>> -> memref<64x128xf32, #tpu.memory_space<vmem_shared>>
    %dma_wait3A_224 = arith.constant 0 : i32
    %dma_wait3A_225 = arith.constant 0 : i32
    %dma_wait3A_226 = tpu.memref_slice %arg11[%dma_wait3A_215, %dma_wait3A_224, %dma_wait3A_225] : memref<2x64x128xf32, #tpu.memory_space<vmem>> -> memref<1x64x128xf32, #tpu.memory_space<vmem>>
    %dma_wait3A_227 = tpu.memref_squeeze %dma_wait3A_226 : memref<1x64x128xf32, #tpu.memory_space<vmem>> -> memref<64x128xf32, #tpu.memory_space<vmem>>
    tpu.wait_dma2 semaphore(%arg15 : memref<!tpu.dma_semaphore, #tpu.memory_space<semaphore_mem>>) src(%dma_wait3A_227 : memref<64x128xf32, #tpu.memory_space<vmem>>) dst(%dma_wait3A_223 : memref<64x128xf32, #tpu.memory_space<vmem_shared>>)
    %add3A_228 = arith.constant 128 : i32
    %add3A_229 = arith.addi %mul3A_8, %add3A_228 : i32
    %dma_wait3A_230 = arith.constant 0 : i32
    %dma_wait3A_231 = arith.constant 0 : i32
    %dma_wait3A_232 = arith.constant 0 : i32
    %dma_wait3A_233 = tpu.memref_slice %arg11[%dma_wait3A_230, %dma_wait3A_231, %dma_wait3A_232] : memref<2x64x128xf32, #tpu.memory_space<vmem>> -> memref<1x64x128xf32, #tpu.memory_space<vmem>>
    %dma_wait3A_234 = tpu.memref_squeeze %dma_wait3A_233 : memref<1x64x128xf32, #tpu.memory_space<vmem>> -> memref<64x128xf32, #tpu.memory_space<vmem>>
    %dma_wait3A_235 = arith.constant 0 : i32
    %dma_wait3A_236 = tpu.memref_slice %arg12[%add3A_229, %dma_wait3A_235] : memref<10240x128xf32, #tpu.memory_space<vmem_shared>> -> memref<64x128xf32, #tpu.memory_space<vmem_shared>>
    %dma_wait3A_237 = arith.constant 0 : i32
    %dma_wait3A_238 = tpu.memref_slice %arg12[%add3A_229, %dma_wait3A_237] : memref<10240x128xf32, #tpu.memory_space<vmem_shared>> -> memref<64x128xf32, #tpu.memory_space<vmem_shared>>
    %dma_wait3A_239 = arith.constant 0 : i32
    %dma_wait3A_240 = arith.constant 0 : i32
    %dma_wait3A_241 = tpu.memref_slice %arg11[%dma_wait3A_230, %dma_wait3A_239, %dma_wait3A_240] : memref<2x64x128xf32, #tpu.memory_space<vmem>> -> memref<1x64x128xf32, #tpu.memory_space<vmem>>
    %dma_wait3A_242 = tpu.memref_squeeze %dma_wait3A_241 : memref<1x64x128xf32, #tpu.memory_space<vmem>> -> memref<64x128xf32, #tpu.memory_space<vmem>>
    tpu.wait_dma2 semaphore(%arg15 : memref<!tpu.dma_semaphore, #tpu.memory_space<semaphore_mem>>) src(%dma_wait3A_242 : memref<64x128xf32, #tpu.memory_space<vmem>>) dst(%dma_wait3A_238 : memref<64x128xf32, #tpu.memory_space<vmem_shared>>)
    %add3A_243 = arith.constant 192 : i32
    %add3A_244 = arith.addi %mul3A_8, %add3A_243 : i32
    %dma_wait3A_245 = arith.constant 0 : i32
    %dma_wait3A_246 = arith.constant 0 : i32
    %dma_wait3A_247 = arith.constant 0 : i32
    %dma_wait3A_248 = tpu.memref_slice %arg11[%dma_wait3A_245, %dma_wait3A_246, %dma_wait3A_247] : memref<2x64x128xf32, #tpu.memory_space<vmem>> -> memref<1x64x128xf32, #tpu.memory_space<vmem>>
    %dma_wait3A_249 = tpu.memref_squeeze %dma_wait3A_248 : memref<1x64x128xf32, #tpu.memory_space<vmem>> -> memref<64x128xf32, #tpu.memory_space<vmem>>
    %dma_wait3A_250 = arith.constant 0 : i32
    %dma_wait3A_251 = tpu.memref_slice %arg12[%add3A_244, %dma_wait3A_250] : memref<10240x128xf32, #tpu.memory_space<vmem_shared>> -> memref<64x128xf32, #tpu.memory_space<vmem_shared>>
    %dma_wait3A_252 = arith.constant 0 : i32
    %dma_wait3A_253 = tpu.memref_slice %arg12[%add3A_244, %dma_wait3A_252] : memref<10240x128xf32, #tpu.memory_space<vmem_shared>> -> memref<64x128xf32, #tpu.memory_space<vmem_shared>>
    %dma_wait3A_254 = arith.constant 0 : i32
    %dma_wait3A_255 = arith.constant 0 : i32
    %dma_wait3A_256 = tpu.memref_slice %arg11[%dma_wait3A_245, %dma_wait3A_254, %dma_wait3A_255] : memref<2x64x128xf32, #tpu.memory_space<vmem>> -> memref<1x64x128xf32, #tpu.memory_space<vmem>>
    %dma_wait3A_257 = tpu.memref_squeeze %dma_wait3A_256 : memref<1x64x128xf32, #tpu.memory_space<vmem>> -> memref<64x128xf32, #tpu.memory_space<vmem>>
    tpu.wait_dma2 semaphore(%arg15 : memref<!tpu.dma_semaphore, #tpu.memory_space<semaphore_mem>>) src(%dma_wait3A_257 : memref<64x128xf32, #tpu.memory_space<vmem>>) dst(%dma_wait3A_253 : memref<64x128xf32, #tpu.memory_space<vmem_shared>>)
    %add3A_258 = arith.constant 256 : i32
    %add3A_259 = arith.addi %mul3A_8, %add3A_258 : i32
    %dma_wait3A_260 = arith.constant 0 : i32
    %dma_wait3A_261 = arith.constant 0 : i32
    %dma_wait3A_262 = arith.constant 0 : i32
    %dma_wait3A_263 = tpu.memref_slice %arg11[%dma_wait3A_260, %dma_wait3A_261, %dma_wait3A_262] : memref<2x64x128xf32, #tpu.memory_space<vmem>> -> memref<1x64x128xf32, #tpu.memory_space<vmem>>
    %dma_wait3A_264 = tpu.memref_squeeze %dma_wait3A_263 : memref<1x64x128xf32, #tpu.memory_space<vmem>> -> memref<64x128xf32, #tpu.memory_space<vmem>>
    %dma_wait3A_265 = arith.constant 0 : i32
    %dma_wait3A_266 = tpu.memref_slice %arg12[%add3A_259, %dma_wait3A_265] : memref<10240x128xf32, #tpu.memory_space<vmem_shared>> -> memref<64x128xf32, #tpu.memory_space<vmem_shared>>
    %dma_wait3A_267 = arith.constant 0 : i32
    %dma_wait3A_268 = tpu.memref_slice %arg12[%add3A_259, %dma_wait3A_267] : memref<10240x128xf32, #tpu.memory_space<vmem_shared>> -> memref<64x128xf32, #tpu.memory_space<vmem_shared>>
    %dma_wait3A_269 = arith.constant 0 : i32
    %dma_wait3A_270 = arith.constant 0 : i32
    %dma_wait3A_271 = tpu.memref_slice %arg11[%dma_wait3A_260, %dma_wait3A_269, %dma_wait3A_270] : memref<2x64x128xf32, #tpu.memory_space<vmem>> -> memref<1x64x128xf32, #tpu.memory_space<vmem>>
    %dma_wait3A_272 = tpu.memref_squeeze %dma_wait3A_271 : memref<1x64x128xf32, #tpu.memory_space<vmem>> -> memref<64x128xf32, #tpu.memory_space<vmem>>
    tpu.wait_dma2 semaphore(%arg15 : memref<!tpu.dma_semaphore, #tpu.memory_space<semaphore_mem>>) src(%dma_wait3A_272 : memref<64x128xf32, #tpu.memory_space<vmem>>) dst(%dma_wait3A_268 : memref<64x128xf32, #tpu.memory_space<vmem_shared>>)
    %add3A_273 = arith.constant 320 : i32
    %add3A_274 = arith.addi %mul3A_8, %add3A_273 : i32
    %dma_wait3A_275 = arith.constant 0 : i32
    %dma_wait3A_276 = arith.constant 0 : i32
    %dma_wait3A_277 = arith.constant 0 : i32
    %dma_wait3A_278 = tpu.memref_slice %arg11[%dma_wait3A_275, %dma_wait3A_276, %dma_wait3A_277] : memref<2x64x128xf32, #tpu.memory_space<vmem>> -> memref<1x64x128xf32, #tpu.memory_space<vmem>>
    %dma_wait3A_279 = tpu.memref_squeeze %dma_wait3A_278 : memref<1x64x128xf32, #tpu.memory_space<vmem>> -> memref<64x128xf32, #tpu.memory_space<vmem>>
    %dma_wait3A_280 = arith.constant 0 : i32
    %dma_wait3A_281 = tpu.memref_slice %arg12[%add3A_274, %dma_wait3A_280] : memref<10240x128xf32, #tpu.memory_space<vmem_shared>> -> memref<64x128xf32, #tpu.memory_space<vmem_shared>>
    %dma_wait3A_282 = arith.constant 0 : i32
    %dma_wait3A_283 = tpu.memref_slice %arg12[%add3A_274, %dma_wait3A_282] : memref<10240x128xf32, #tpu.memory_space<vmem_shared>> -> memref<64x128xf32, #tpu.memory_space<vmem_shared>>
    %dma_wait3A_284 = arith.constant 0 : i32
    %dma_wait3A_285 = arith.constant 0 : i32
    %dma_wait3A_286 = tpu.memref_slice %arg11[%dma_wait3A_275, %dma_wait3A_284, %dma_wait3A_285] : memref<2x64x128xf32, #tpu.memory_space<vmem>> -> memref<1x64x128xf32, #tpu.memory_space<vmem>>
    %dma_wait3A_287 = tpu.memref_squeeze %dma_wait3A_286 : memref<1x64x128xf32, #tpu.memory_space<vmem>> -> memref<64x128xf32, #tpu.memory_space<vmem>>
    tpu.wait_dma2 semaphore(%arg15 : memref<!tpu.dma_semaphore, #tpu.memory_space<semaphore_mem>>) src(%dma_wait3A_287 : memref<64x128xf32, #tpu.memory_space<vmem>>) dst(%dma_wait3A_283 : memref<64x128xf32, #tpu.memory_space<vmem_shared>>)
    %add3A_288 = arith.constant 384 : i32
    %add3A_289 = arith.addi %mul3A_8, %add3A_288 : i32
    %dma_wait3A_290 = arith.constant 0 : i32
    %dma_wait3A_291 = arith.constant 0 : i32
    %dma_wait3A_292 = arith.constant 0 : i32
    %dma_wait3A_293 = tpu.memref_slice %arg11[%dma_wait3A_290, %dma_wait3A_291, %dma_wait3A_292] : memref<2x64x128xf32, #tpu.memory_space<vmem>> -> memref<1x64x128xf32, #tpu.memory_space<vmem>>
    %dma_wait3A_294 = tpu.memref_squeeze %dma_wait3A_293 : memref<1x64x128xf32, #tpu.memory_space<vmem>> -> memref<64x128xf32, #tpu.memory_space<vmem>>
    %dma_wait3A_295 = arith.constant 0 : i32
    %dma_wait3A_296 = tpu.memref_slice %arg12[%add3A_289, %dma_wait3A_295] : memref<10240x128xf32, #tpu.memory_space<vmem_shared>> -> memref<64x128xf32, #tpu.memory_space<vmem_shared>>
    %dma_wait3A_297 = arith.constant 0 : i32
    %dma_wait3A_298 = tpu.memref_slice %arg12[%add3A_289, %dma_wait3A_297] : memref<10240x128xf32, #tpu.memory_space<vmem_shared>> -> memref<64x128xf32, #tpu.memory_space<vmem_shared>>
    %dma_wait3A_299 = arith.constant 0 : i32
    %dma_wait3A_300 = arith.constant 0 : i32
    %dma_wait3A_301 = tpu.memref_slice %arg11[%dma_wait3A_290, %dma_wait3A_299, %dma_wait3A_300] : memref<2x64x128xf32, #tpu.memory_space<vmem>> -> memref<1x64x128xf32, #tpu.memory_space<vmem>>
    %dma_wait3A_302 = tpu.memref_squeeze %dma_wait3A_301 : memref<1x64x128xf32, #tpu.memory_space<vmem>> -> memref<64x128xf32, #tpu.memory_space<vmem>>
    tpu.wait_dma2 semaphore(%arg15 : memref<!tpu.dma_semaphore, #tpu.memory_space<semaphore_mem>>) src(%dma_wait3A_302 : memref<64x128xf32, #tpu.memory_space<vmem>>) dst(%dma_wait3A_298 : memref<64x128xf32, #tpu.memory_space<vmem_shared>>)
    %add3A_303 = arith.constant 448 : i32
    %add3A_304 = arith.addi %mul3A_8, %add3A_303 : i32
    %dma_wait3A_305 = arith.constant 0 : i32
    %dma_wait3A_306 = arith.constant 0 : i32
    %dma_wait3A_307 = arith.constant 0 : i32
    %dma_wait3A_308 = tpu.memref_slice %arg11[%dma_wait3A_305, %dma_wait3A_306, %dma_wait3A_307] : memref<2x64x128xf32, #tpu.memory_space<vmem>> -> memref<1x64x128xf32, #tpu.memory_space<vmem>>
    %dma_wait3A_309 = tpu.memref_squeeze %dma_wait3A_308 : memref<1x64x128xf32, #tpu.memory_space<vmem>> -> memref<64x128xf32, #tpu.memory_space<vmem>>
    %dma_wait3A_310 = arith.constant 0 : i32
    %dma_wait3A_311 = tpu.memref_slice %arg12[%add3A_304, %dma_wait3A_310] : memref<10240x128xf32, #tpu.memory_space<vmem_shared>> -> memref<64x128xf32, #tpu.memory_space<vmem_shared>>
    %dma_wait3A_312 = arith.constant 0 : i32
    %dma_wait3A_313 = tpu.memref_slice %arg12[%add3A_304, %dma_wait3A_312] : memref<10240x128xf32, #tpu.memory_space<vmem_shared>> -> memref<64x128xf32, #tpu.memory_space<vmem_shared>>
    %dma_wait3A_314 = arith.constant 0 : i32
    %dma_wait3A_315 = arith.constant 0 : i32
    %dma_wait3A_316 = tpu.memref_slice %arg11[%dma_wait3A_305, %dma_wait3A_314, %dma_wait3A_315] : memref<2x64x128xf32, #tpu.memory_space<vmem>> -> memref<1x64x128xf32, #tpu.memory_space<vmem>>
    %dma_wait3A_317 = tpu.memref_squeeze %dma_wait3A_316 : memref<1x64x128xf32, #tpu.memory_space<vmem>> -> memref<64x128xf32, #tpu.memory_space<vmem>>
    tpu.wait_dma2 semaphore(%arg15 : memref<!tpu.dma_semaphore, #tpu.memory_space<semaphore_mem>>) src(%dma_wait3A_317 : memref<64x128xf32, #tpu.memory_space<vmem>>) dst(%dma_wait3A_313 : memref<64x128xf32, #tpu.memory_space<vmem_shared>>)
    %add3A_318 = arith.constant 512 : i32
    %add3A_319 = arith.addi %mul3A_8, %add3A_318 : i32
    %dma_wait3A_320 = arith.constant 0 : i32
    %dma_wait3A_321 = arith.constant 0 : i32
    %dma_wait3A_322 = arith.constant 0 : i32
    %dma_wait3A_323 = tpu.memref_slice %arg11[%dma_wait3A_320, %dma_wait3A_321, %dma_wait3A_322] : memref<2x64x128xf32, #tpu.memory_space<vmem>> -> memref<1x64x128xf32, #tpu.memory_space<vmem>>
    %dma_wait3A_324 = tpu.memref_squeeze %dma_wait3A_323 : memref<1x64x128xf32, #tpu.memory_space<vmem>> -> memref<64x128xf32, #tpu.memory_space<vmem>>
    %dma_wait3A_325 = arith.constant 0 : i32
    %dma_wait3A_326 = tpu.memref_slice %arg12[%add3A_319, %dma_wait3A_325] : memref<10240x128xf32, #tpu.memory_space<vmem_shared>> -> memref<64x128xf32, #tpu.memory_space<vmem_shared>>
    %dma_wait3A_327 = arith.constant 0 : i32
    %dma_wait3A_328 = tpu.memref_slice %arg12[%add3A_319, %dma_wait3A_327] : memref<10240x128xf32, #tpu.memory_space<vmem_shared>> -> memref<64x128xf32, #tpu.memory_space<vmem_shared>>
    %dma_wait3A_329 = arith.constant 0 : i32
    %dma_wait3A_330 = arith.constant 0 : i32
    %dma_wait3A_331 = tpu.memref_slice %arg11[%dma_wait3A_320, %dma_wait3A_329, %dma_wait3A_330] : memref<2x64x128xf32, #tpu.memory_space<vmem>> -> memref<1x64x128xf32, #tpu.memory_space<vmem>>
    %dma_wait3A_332 = tpu.memref_squeeze %dma_wait3A_331 : memref<1x64x128xf32, #tpu.memory_space<vmem>> -> memref<64x128xf32, #tpu.memory_space<vmem>>
    tpu.wait_dma2 semaphore(%arg15 : memref<!tpu.dma_semaphore, #tpu.memory_space<semaphore_mem>>) src(%dma_wait3A_332 : memref<64x128xf32, #tpu.memory_space<vmem>>) dst(%dma_wait3A_328 : memref<64x128xf32, #tpu.memory_space<vmem_shared>>)
    %add3A_333 = arith.constant 576 : i32
    %add3A_334 = arith.addi %mul3A_8, %add3A_333 : i32
    %dma_wait3A_335 = arith.constant 0 : i32
    %dma_wait3A_336 = arith.constant 0 : i32
    %dma_wait3A_337 = arith.constant 0 : i32
    %dma_wait3A_338 = tpu.memref_slice %arg11[%dma_wait3A_335, %dma_wait3A_336, %dma_wait3A_337] : memref<2x64x128xf32, #tpu.memory_space<vmem>> -> memref<1x64x128xf32, #tpu.memory_space<vmem>>
    %dma_wait3A_339 = tpu.memref_squeeze %dma_wait3A_338 : memref<1x64x128xf32, #tpu.memory_space<vmem>> -> memref<64x128xf32, #tpu.memory_space<vmem>>
    %dma_wait3A_340 = arith.constant 0 : i32
    %dma_wait3A_341 = tpu.memref_slice %arg12[%add3A_334, %dma_wait3A_340] : memref<10240x128xf32, #tpu.memory_space<vmem_shared>> -> memref<64x128xf32, #tpu.memory_space<vmem_shared>>
    %dma_wait3A_342 = arith.constant 0 : i32
    %dma_wait3A_343 = tpu.memref_slice %arg12[%add3A_334, %dma_wait3A_342] : memref<10240x128xf32, #tpu.memory_space<vmem_shared>> -> memref<64x128xf32, #tpu.memory_space<vmem_shared>>
    %dma_wait3A_344 = arith.constant 0 : i32
    %dma_wait3A_345 = arith.constant 0 : i32
    %dma_wait3A_346 = tpu.memref_slice %arg11[%dma_wait3A_335, %dma_wait3A_344, %dma_wait3A_345] : memref<2x64x128xf32, #tpu.memory_space<vmem>> -> memref<1x64x128xf32, #tpu.memory_space<vmem>>
    %dma_wait3A_347 = tpu.memref_squeeze %dma_wait3A_346 : memref<1x64x128xf32, #tpu.memory_space<vmem>> -> memref<64x128xf32, #tpu.memory_space<vmem>>
    tpu.wait_dma2 semaphore(%arg15 : memref<!tpu.dma_semaphore, #tpu.memory_space<semaphore_mem>>) src(%dma_wait3A_347 : memref<64x128xf32, #tpu.memory_space<vmem>>) dst(%dma_wait3A_343 : memref<64x128xf32, #tpu.memory_space<vmem_shared>>)
    %barrier3A = arith.constant 0 : index
    tpu.barrier barrier_id(%barrier3A)
    %get3A = arith.constant 0 : index
    %get3A_348 = tpu.vector_load %arg5[%get3A] {strides = array<i32>} : memref<5120xi32, #tpu.memory_space<vmem>>, vector<16xi32>,
    %and3A = arith.constant 65535 : i32
    %and3A_349 = vector.broadcast %and3A : i32 to vector<16xi32>
    %and3A_350 = arith.andi %get3A_348, %and3A_349 : vector<16xi32>
    %swap3A = arith.constant 0 : i32
    %swap3A_351 = arith.index_cast %swap3A : i32 to index
    %swap3A_352 = arith.constant 0 : index
    %swap3A_353 = tpu.vector_load %arg8[%swap3A_351, %swap3A_352] {strides = array<i32>} : memref<2x64xi32, #tpu.memory_space<vmem>>, vector<16xi32>,
    tpu.vector_store %arg8[%swap3A_351, %swap3A_352], %and3A_350 {strides = array<i32>} : memref<2x64xi32, #tpu.memory_space<vmem>>, vector<16xi32>,
    %shift_right_arithmetic3A = arith.constant 16 : i32
    %shift_right_arithmetic3A_354 = vector.broadcast %shift_right_arithmetic3A : i32 to vector<16xi32>
    %shift_right_arithmetic3A_355 = arith.shrsi %get3A_348, %shift_right_arithmetic3A_354 : vector<16xi32>
    %swap3A_356 = arith.constant 0 : i32
    %swap3A_357 = arith.index_cast %swap3A_356 : i32 to index
    %swap3A_358 = arith.constant 16 : index
    %swap3A_359 = tpu.vector_load %arg8[%swap3A_357, %swap3A_358] {strides = array<i32>} : memref<2x64xi32, #tpu.memory_space<vmem>>, vector<16xi32>,
    tpu.vector_store %arg8[%swap3A_357, %swap3A_358], %shift_right_arithmetic3A_355 {strides = array<i32>} : memref<2x64xi32, #tpu.memory_space<vmem>>, vector<16xi32>,
    %get3A_360 = arith.constant 16 : index
    %get3A_361 = tpu.vector_load %arg5[%get3A_360] {strides = array<i32>} : memref<5120xi32, #tpu.memory_space<vmem>>, vector<16xi32>,
    %and3A_362 = arith.constant 65535 : i32
    %and3A_363 = vector.broadcast %and3A_362 : i32 to vector<16xi32>
    %and3A_364 = arith.andi %get3A_361, %and3A_363 : vector<16xi32>
    %swap3A_365 = arith.constant 0 : i32
    %swap3A_366 = arith.index_cast %swap3A_365 : i32 to index
    %swap3A_367 = arith.constant 32 : index
    %swap3A_368 = tpu.vector_load %arg8[%swap3A_366, %swap3A_367] {strides = array<i32>} : memref<2x64xi32, #tpu.memory_space<vmem>>, vector<16xi32>,
    tpu.vector_store %arg8[%swap3A_366, %swap3A_367], %and3A_364 {strides = array<i32>} : memref<2x64xi32, #tpu.memory_space<vmem>>, vector<16xi32>,
    %shift_right_arithmetic3A_369 = arith.constant 16 : i32
    %shift_right_arithmetic3A_370 = vector.broadcast %shift_right_arithmetic3A_369 : i32 to vector<16xi32>
    %shift_right_arithmetic3A_371 = arith.shrsi %get3A_361, %shift_right_arithmetic3A_370 : vector<16xi32>
    %swap3A_372 = arith.constant 0 : i32
    %swap3A_373 = arith.index_cast %swap3A_372 : i32 to index
    %swap3A_374 = arith.constant 48 : index
    %swap3A_375 = tpu.vector_load %arg8[%swap3A_373, %swap3A_374] {strides = array<i32>} : memref<2x64xi32, #tpu.memory_space<vmem>>, vector<16xi32>,
    tpu.vector_store %arg8[%swap3A_373, %swap3A_374], %shift_right_arithmetic3A_371 {strides = array<i32>} : memref<2x64xi32, #tpu.memory_space<vmem>>, vector<16xi32>,
    %dma_start3A_376 = arith.constant 0 : i32
    %dma_start3A_377 = arith.constant 0 : i32
    %dma_start3A_378 = arith.constant 0 : i32
    %dma_start3A_379 = arith.constant 0 : i32
    %dma_start3A_380 = tpu.memref_slice %arg10[%dma_start3A_377, %dma_start3A_378, %dma_start3A_379] : memref<2x64x128xf32, #tpu.memory_space<vmem>> -> memref<1x32x128xf32, #tpu.memory_space<vmem>>
    %dma_start3A_381 = tpu.memref_squeeze %dma_start3A_380 : memref<1x32x128xf32, #tpu.memory_space<vmem>> -> memref<32x128xf32, #tpu.memory_space<vmem>>
    %dma_start3A_382 = arith.constant 0 : i32
    %dma_start3A_383 = tpu.memref_slice %arg8[%dma_start3A_376, %dma_start3A_382] : memref<2x64xi32, #tpu.memory_space<vmem>> -> memref<1x32xi32, #tpu.memory_space<vmem>>
    %dma_start3A_384 = tpu.memref_squeeze %dma_start3A_383 : memref<1x32xi32, #tpu.memory_space<vmem>> -> memref<32xi32, #tpu.memory_space<vmem>>
    %dma_start3A_385 = arith.constant 0 : i32
    %dma_start3A_386 = arith.constant 0 : i32
    %dma_start3A_387 = tpu.memref_slice %arg2[%dma_start3A_385, %dma_start3A_386] : memref<10000x128xf32, #tpu.memory_space<hbm>> -> memref<10000x128xf32, #tpu.memory_space<hbm>>
    tpu.enqueue_indirect_dma source(%dma_start3A_387 : memref<10000x128xf32, #tpu.memory_space<hbm>>) target(%dma_start3A_381 : memref<32x128xf32, #tpu.memory_space<vmem>>) offsets(%dma_start3A_384 : memref<32xi32, #tpu.memory_space<vmem>>) semaphore(%arg13 : memref<!tpu.dma_semaphore, #tpu.memory_space<semaphore_mem>>)
    %dma_start3A_388 = arith.constant 0 : i32
    %dma_start3A_389 = arith.constant 0 : i32
    %dma_start3A_390 = arith.constant 32 : i32
    %dma_start3A_391 = arith.constant 0 : i32
    %dma_start3A_392 = tpu.memref_slice %arg10[%dma_start3A_389, %dma_start3A_390, %dma_start3A_391] : memref<2x64x128xf32, #tpu.memory_space<vmem>> -> memref<1x32x128xf32, #tpu.memory_space<vmem>>
    %dma_start3A_393 = tpu.memref_squeeze %dma_start3A_392 : memref<1x32x128xf32, #tpu.memory_space<vmem>> -> memref<32x128xf32, #tpu.memory_space<vmem>>
    %dma_start3A_394 = arith.constant 32 : i32
    %dma_start3A_395 = tpu.memref_slice %arg8[%dma_start3A_388, %dma_start3A_394] : memref<2x64xi32, #tpu.memory_space<vmem>> -> memref<1x32xi32, #tpu.memory_space<vmem>>
    %dma_start3A_396 = tpu.memref_squeeze %dma_start3A_395 : memref<1x32xi32, #tpu.memory_space<vmem>> -> memref<32xi32, #tpu.memory_space<vmem>>
    %dma_start3A_397 = arith.constant 0 : i32
    %dma_start3A_398 = arith.constant 0 : i32
    %dma_start3A_399 = tpu.memref_slice %arg2[%dma_start3A_397, %dma_start3A_398] : memref<10000x128xf32, #tpu.memory_space<hbm>> -> memref<10000x128xf32, #tpu.memory_space<hbm>>
    tpu.enqueue_indirect_dma source(%dma_start3A_399 : memref<10000x128xf32, #tpu.memory_space<hbm>>) target(%dma_start3A_393 : memref<32x128xf32, #tpu.memory_space<vmem>>) offsets(%dma_start3A_396 : memref<32xi32, #tpu.memory_space<vmem>>) semaphore(%arg13 : memref<!tpu.dma_semaphore, #tpu.memory_space<semaphore_mem>>)
    %get3A_400 = arith.constant 32 : index
    %get3A_401 = tpu.vector_load %arg5[%get3A_400] {strides = array<i32>} : memref<5120xi32, #tpu.memory_space<vmem>>, vector<16xi32>,
    %and3A_402 = arith.constant 65535 : i32
    %and3A_403 = vector.broadcast %and3A_402 : i32 to vector<16xi32>
    %and3A_404 = arith.andi %get3A_401, %and3A_403 : vector<16xi32>
    %swap3A_405 = arith.constant 1 : i32
    %swap3A_406 = arith.index_cast %swap3A_405 : i32 to index
    %swap3A_407 = arith.constant 0 : index
    %swap3A_408 = tpu.vector_load %arg8[%swap3A_406, %swap3A_407] {strides = array<i32>} : memref<2x64xi32, #tpu.memory_space<vmem>>, vector<16xi32>,
    tpu.vector_store %arg8[%swap3A_406, %swap3A_407], %and3A_404 {strides = array<i32>} : memref<2x64xi32, #tpu.memory_space<vmem>>, vector<16xi32>,
    %shift_right_arithmetic3A_409 = arith.constant 16 : i32
    %shift_right_arithmetic3A_410 = vector.broadcast %shift_right_arithmetic3A_409 : i32 to vector<16xi32>
    %shift_right_arithmetic3A_411 = arith.shrsi %get3A_401, %shift_right_arithmetic3A_410 : vector<16xi32>
    %swap3A_412 = arith.constant 1 : i32
    %swap3A_413 = arith.index_cast %swap3A_412 : i32 to index
    %swap3A_414 = arith.constant 16 : index
    %swap3A_415 = tpu.vector_load %arg8[%swap3A_413, %swap3A_414] {strides = array<i32>} : memref<2x64xi32, #tpu.memory_space<vmem>>, vector<16xi32>,
    tpu.vector_store %arg8[%swap3A_413, %swap3A_414], %shift_right_arithmetic3A_411 {strides = array<i32>} : memref<2x64xi32, #tpu.memory_space<vmem>>, vector<16xi32>,
    %get3A_416 = arith.constant 48 : index
    %get3A_417 = tpu.vector_load %arg5[%get3A_416] {strides = array<i32>} : memref<5120xi32, #tpu.memory_space<vmem>>, vector<16xi32>,
    %and3A_418 = arith.constant 65535 : i32
    %and3A_419 = vector.broadcast %and3A_418 : i32 to vector<16xi32>
    %and3A_420 = arith.andi %get3A_417, %and3A_419 : vector<16xi32>
    %swap3A_421 = arith.constant 1 : i32
    %swap3A_422 = arith.index_cast %swap3A_421 : i32 to index
    %swap3A_423 = arith.constant 32 : index
    %swap3A_424 = tpu.vector_load %arg8[%swap3A_422, %swap3A_423] {strides = array<i32>} : memref<2x64xi32, #tpu.memory_space<vmem>>, vector<16xi32>,
    tpu.vector_store %arg8[%swap3A_422, %swap3A_423], %and3A_420 {strides = array<i32>} : memref<2x64xi32, #tpu.memory_space<vmem>>, vector<16xi32>,
    %shift_right_arithmetic3A_425 = arith.constant 16 : i32
    %shift_right_arithmetic3A_426 = vector.broadcast %shift_right_arithmetic3A_425 : i32 to vector<16xi32>
    %shift_right_arithmetic3A_427 = arith.shrsi %get3A_417, %shift_right_arithmetic3A_426 : vector<16xi32>
    %swap3A_428 = arith.constant 1 : i32
    %swap3A_429 = arith.index_cast %swap3A_428 : i32 to index
    %swap3A_430 = arith.constant 48 : index
    %swap3A_431 = tpu.vector_load %arg8[%swap3A_429, %swap3A_430] {strides = array<i32>} : memref<2x64xi32, #tpu.memory_space<vmem>>, vector<16xi32>,
    tpu.vector_store %arg8[%swap3A_429, %swap3A_430], %shift_right_arithmetic3A_427 {strides = array<i32>} : memref<2x64xi32, #tpu.memory_space<vmem>>, vector<16xi32>,
    %dma_start3A_432 = arith.constant 1 : i32
    %dma_start3A_433 = arith.constant 1 : i32
    %dma_start3A_434 = arith.constant 0 : i32
    %dma_start3A_435 = arith.constant 0 : i32
    %dma_start3A_436 = tpu.memref_slice %arg10[%dma_start3A_433, %dma_start3A_434, %dma_start3A_435] : memref<2x64x128xf32, #tpu.memory_space<vmem>> -> memref<1x32x128xf32, #tpu.memory_space<vmem>>
    %dma_start3A_437 = tpu.memref_squeeze %dma_start3A_436 : memref<1x32x128xf32, #tpu.memory_space<vmem>> -> memref<32x128xf32, #tpu.memory_space<vmem>>
    %dma_start3A_438 = arith.constant 0 : i32
    %dma_start3A_439 = tpu.memref_slice %arg8[%dma_start3A_432, %dma_start3A_438] : memref<2x64xi32, #tpu.memory_space<vmem>> -> memref<1x32xi32, #tpu.memory_space<vmem>>
    %dma_start3A_440 = tpu.memref_squeeze %dma_start3A_439 : memref<1x32xi32, #tpu.memory_space<vmem>> -> memref<32xi32, #tpu.memory_space<vmem>>
    %dma_start3A_441 = arith.constant 0 : i32
    %dma_start3A_442 = arith.constant 0 : i32
    %dma_start3A_443 = tpu.memref_slice %arg2[%dma_start3A_441, %dma_start3A_442] : memref<10000x128xf32, #tpu.memory_space<hbm>> -> memref<10000x128xf32, #tpu.memory_space<hbm>>
    tpu.enqueue_indirect_dma source(%dma_start3A_443 : memref<10000x128xf32, #tpu.memory_space<hbm>>) target(%dma_start3A_437 : memref<32x128xf32, #tpu.memory_space<vmem>>) offsets(%dma_start3A_440 : memref<32xi32, #tpu.memory_space<vmem>>) semaphore(%arg14 : memref<!tpu.dma_semaphore, #tpu.memory_space<semaphore_mem>>)
    %dma_start3A_444 = arith.constant 1 : i32
    %dma_start3A_445 = arith.constant 1 : i32
    %dma_start3A_446 = arith.constant 32 : i32
    %dma_start3A_447 = arith.constant 0 : i32
    %dma_start3A_448 = tpu.memref_slice %arg10[%dma_start3A_445, %dma_start3A_446, %dma_start3A_447] : memref<2x64x128xf32, #tpu.memory_space<vmem>> -> memref<1x32x128xf32, #tpu.memory_space<vmem>>
    %dma_start3A_449 = tpu.memref_squeeze %dma_start3A_448 : memref<1x32x128xf32, #tpu.memory_space<vmem>> -> memref<32x128xf32, #tpu.memory_space<vmem>>
    %dma_start3A_450 = arith.constant 32 : i32
    %dma_start3A_451 = tpu.memref_slice %arg8[%dma_start3A_444, %dma_start3A_450] : memref<2x64xi32, #tpu.memory_space<vmem>> -> memref<1x32xi32, #tpu.memory_space<vmem>>
    %dma_start3A_452 = tpu.memref_squeeze %dma_start3A_451 : memref<1x32xi32, #tpu.memory_space<vmem>> -> memref<32xi32, #tpu.memory_space<vmem>>
    %dma_start3A_453 = arith.constant 0 : i32
    %dma_start3A_454 = arith.constant 0 : i32
    %dma_start3A_455 = tpu.memref_slice %arg2[%dma_start3A_453, %dma_start3A_454] : memref<10000x128xf32, #tpu.memory_space<hbm>> -> memref<10000x128xf32, #tpu.memory_space<hbm>>
    tpu.enqueue_indirect_dma source(%dma_start3A_455 : memref<10000x128xf32, #tpu.memory_space<hbm>>) target(%dma_start3A_449 : memref<32x128xf32, #tpu.memory_space<vmem>>) offsets(%dma_start3A_452 : memref<32xi32, #tpu.memory_space<vmem>>) semaphore(%arg14 : memref<!tpu.dma_semaphore, #tpu.memory_space<semaphore_mem>>)
    %jit3A_456 = arith.constant 2 : i32
    %div3A = arith.divsi %select_n3A, %jit3A_456 : i32
    %sign3A = arith.constant 0 : i32
    %sign3A_457 = arith.cmpi sgt, %select_n3A, %sign3A : i32
    %sign3A_458 = arith.extui %sign3A_457 : i1 to i32
    %sign3A_459 = arith.constant 0 : i32
    %sign3A_460 = arith.cmpi slt, %select_n3A, %sign3A_459 : i32
    %sign3A_461 = arith.extui %sign3A_460 : i1 to i32
    %sign3A_462 = arith.subi %sign3A_458, %sign3A_461 : i32
    %sign3A_463 = arith.constant 0 : i32
    %sign3A_464 = arith.cmpi sgt, %jit3A_456, %sign3A_463 : i32
    %sign3A_465 = arith.extui %sign3A_464 : i1 to i32
    %sign3A_466 = arith.constant 0 : i32
    %sign3A_467 = arith.cmpi slt, %jit3A_456, %sign3A_466 : i32
    %sign3A_468 = arith.extui %sign3A_467 : i1 to i32
    %sign3A_469 = arith.subi %sign3A_465, %sign3A_468 : i32
    %ne3A = arith.cmpi ne, %sign3A_462, %sign3A_469 : i32
    %rem3A = arith.remsi %select_n3A, %jit3A_456 : i32
    %ne3A_470 = arith.constant 0 : i32
    %ne3A_471 = arith.cmpi ne, %rem3A, %ne3A_470 : i32
    %and3A_472 = arith.andi %ne3A, %ne3A_471 : i1
    %sub3A = arith.constant 1 : i32
    %sub3A_473 = arith.subi %div3A, %sub3A : i32
    %select_n3A_474 = arith.select %and3A_472, %sub3A_473, %div3A : i32
    %while3A = arith.constant 0 : i32
    %while3A_475 = arith.constant 0 : i32
    %while3A_476 = arith.subi %select_n3A_474, %while3A : i32
    %while3A_477 = arith.addi %while3A, %while3A_476 : i32
    %while3A_478 = arith.constant 1 : i32
    %while3A_479 = arith.divsi %while3A_476, %while3A_478 : i32
    %while3A_480 = arith.muli %while3A_479, %while3A_478 : i32
    %while3A_481 = arith.addi %while3A, %while3A_480 : i32
    %while3A_482 = arith.constant 1 : i32
    %while3A_483 = scf.for %while3A_651 = %while3A to %while3A_481 step %while3A_482 iter_args(%while3A_652 = %while3A_475) -> (i32)  : i32 {
      %mul3A_653 = arith.constant 2 : i32
      %mul3A_654 = arith.muli %mul3A_653, %while3A_651 : i32
      %add3A_655 = arith.constant 0 : i32
      %add3A_656 = arith.addi %mul3A_654, %add3A_655 : i32
      %dma_wait3A_657 = arith.constant 0 : i32
      %dma_wait3A_658 = arith.constant 0 : i32
      %dma_wait3A_659 = arith.constant 0 : i32
      %dma_wait3A_660 = arith.constant 0 : i32
      %dma_wait3A_661 = tpu.memref_slice %arg10[%dma_wait3A_658, %dma_wait3A_659, %dma_wait3A_660] : memref<2x64x128xf32, #tpu.memory_space<vmem>> -> memref<1x32x128xf32, #tpu.memory_space<vmem>>
      %dma_wait3A_662 = tpu.memref_squeeze %dma_wait3A_661 : memref<1x32x128xf32, #tpu.memory_space<vmem>> -> memref<32x128xf32, #tpu.memory_space<vmem>>
      %dma_wait3A_663 = arith.constant 0 : i32
      %dma_wait3A_664 = tpu.memref_slice %arg8[%dma_wait3A_657, %dma_wait3A_663] : memref<2x64xi32, #tpu.memory_space<vmem>> -> memref<1x32xi32, #tpu.memory_space<vmem>>
      %dma_wait3A_665 = tpu.memref_squeeze %dma_wait3A_664 : memref<1x32xi32, #tpu.memory_space<vmem>> -> memref<32xi32, #tpu.memory_space<vmem>>
      %dma_wait3A_666 = arith.constant 0 : i32
      %dma_wait3A_667 = arith.constant 0 : i32
      %dma_wait3A_668 = tpu.memref_slice %arg2[%dma_wait3A_666, %dma_wait3A_667] : memref<10000x128xf32, #tpu.memory_space<hbm>> -> memref<10000x128xf32, #tpu.memory_space<hbm>>
      tpu.wait_indirect_dma semaphore(%arg13 : memref<!tpu.dma_semaphore, #tpu.memory_space<semaphore_mem>>) src(%dma_wait3A_668 : memref<10000x128xf32, #tpu.memory_space<hbm>>) dst(%dma_wait3A_662 : memref<32x128xf32, #tpu.memory_space<vmem>>)
      %dma_wait3A_669 = arith.constant 0 : i32
      %dma_wait3A_670 = arith.constant 0 : i32
      %dma_wait3A_671 = arith.constant 32 : i32
      %dma_wait3A_672 = arith.constant 0 : i32
      %dma_wait3A_673 = tpu.memref_slice %arg10[%dma_wait3A_670, %dma_wait3A_671, %dma_wait3A_672] : memref<2x64x128xf32, #tpu.memory_space<vmem>> -> memref<1x32x128xf32, #tpu.memory_space<vmem>>
      %dma_wait3A_674 = tpu.memref_squeeze %dma_wait3A_673 : memref<1x32x128xf32, #tpu.memory_space<vmem>> -> memref<32x128xf32, #tpu.memory_space<vmem>>
      %dma_wait3A_675 = arith.constant 32 : i32
      %dma_wait3A_676 = tpu.memref_slice %arg8[%dma_wait3A_669, %dma_wait3A_675] : memref<2x64xi32, #tpu.memory_space<vmem>> -> memref<1x32xi32, #tpu.memory_space<vmem>>
      %dma_wait3A_677 = tpu.memref_squeeze %dma_wait3A_676 : memref<1x32xi32, #tpu.memory_space<vmem>> -> memref<32xi32, #tpu.memory_space<vmem>>
      %dma_wait3A_678 = arith.constant 0 : i32
      %dma_wait3A_679 = arith.constant 0 : i32
      %dma_wait3A_680 = tpu.memref_slice %arg2[%dma_wait3A_678, %dma_wait3A_679] : memref<10000x128xf32, #tpu.memory_space<hbm>> -> memref<10000x128xf32, #tpu.memory_space<hbm>>
      tpu.wait_indirect_dma semaphore(%arg13 : memref<!tpu.dma_semaphore, #tpu.memory_space<semaphore_mem>>) src(%dma_wait3A_680 : memref<10000x128xf32, #tpu.memory_space<hbm>>) dst(%dma_wait3A_674 : memref<32x128xf32, #tpu.memory_space<vmem>>)
      %gt3A = arith.constant 1 : i32
      %gt3A_681 = arith.cmpi sgt, %add3A_656, %gt3A : i32
      %convert_element_type3A = arith.extui %gt3A_681 : i1 to i32
      %cond3A = arith.constant 0 : i32
      %cond3A_682 = arith.cmpi ne, %convert_element_type3A, %cond3A : i32
      scf.if %cond3A_682 {
        %dma_wait3A_833 = arith.constant 0 : i32
        %dma_wait3A_834 = arith.constant 0 : i32
        %dma_wait3A_835 = arith.constant 0 : i32
        %dma_wait3A_836 = arith.constant 0 : i32
        %dma_wait3A_837 = tpu.memref_slice %arg11[%dma_wait3A_833, %dma_wait3A_835, %dma_wait3A_836] : memref<2x64x128xf32, #tpu.memory_space<vmem>> -> memref<1x64x128xf32, #tpu.memory_space<vmem>>
        %dma_wait3A_838 = tpu.memref_squeeze %dma_wait3A_837 : memref<1x64x128xf32, #tpu.memory_space<vmem>> -> memref<64x128xf32, #tpu.memory_space<vmem>>
        %dma_wait3A_839 = arith.constant 0 : i32
        %dma_wait3A_840 = tpu.memref_slice %arg9[%dma_wait3A_834, %dma_wait3A_839] : memref<2x64xi32, #tpu.memory_space<vmem>> -> memref<1x64xi32, #tpu.memory_space<vmem>>
        %dma_wait3A_841 = tpu.memref_squeeze %dma_wait3A_840 : memref<1x64xi32, #tpu.memory_space<vmem>> -> memref<64xi32, #tpu.memory_space<vmem>>
        %dma_wait3A_842 = arith.constant 0 : i32
        %dma_wait3A_843 = arith.constant 0 : i32
        %dma_wait3A_844 = tpu.memref_slice %arg12[%dma_wait3A_842, %dma_wait3A_843] : memref<10240x128xf32, #tpu.memory_space<vmem_shared>> -> memref<10240x128xf32, #tpu.memory_space<vmem_shared>>
        tpu.wait_indirect_dma semaphore(%arg15 : memref<!tpu.dma_semaphore, #tpu.memory_space<semaphore_mem>>) src(%dma_wait3A_838 : memref<64x128xf32, #tpu.memory_space<vmem>>) dst(%dma_wait3A_844 : memref<10240x128xf32, #tpu.memory_space<vmem_shared>>)
      } else {
      }
      %mul3A_683 = arith.constant 32 : i32
      %mul3A_684 = arith.muli %add3A_656, %mul3A_683 : i32
      %add3A_685 = arith.constant 0 : i32
      %add3A_686 = arith.addi %mul3A_684, %add3A_685 : i32
      %get3A_687 = arith.index_cast %add3A_686 : i32 to index
      %get3A_688 = tpu.vector_load %arg6[%get3A_687] {strides = array<i32>} : memref<5120xi32, #tpu.memory_space<vmem>>, vector<16xi32>,
      %and3A_689 = arith.constant 65535 : i32
      %and3A_690 = vector.broadcast %and3A_689 : i32 to vector<16xi32>
      %and3A_691 = arith.andi %get3A_688, %and3A_690 : vector<16xi32>
      %swap3A_692 = arith.constant 0 : i32
      %swap3A_693 = arith.index_cast %swap3A_692 : i32 to index
      %swap3A_694 = arith.constant 0 : index
      %swap3A_695 = tpu.vector_load %arg9[%swap3A_693, %swap3A_694] {strides = array<i32>} : memref<2x64xi32, #tpu.memory_space<vmem>>, vector<16xi32>,
      tpu.vector_store %arg9[%swap3A_693, %swap3A_694], %and3A_691 {strides = array<i32>} : memref<2x64xi32, #tpu.memory_space<vmem>>, vector<16xi32>,
      %shift_right_arithmetic3A_696 = arith.constant 16 : i32
      %shift_right_arithmetic3A_697 = vector.broadcast %shift_right_arithmetic3A_696 : i32 to vector<16xi32>
      %shift_right_arithmetic3A_698 = arith.shrsi %get3A_688, %shift_right_arithmetic3A_697 : vector<16xi32>
      %swap3A_699 = arith.constant 0 : i32
      %swap3A_700 = arith.index_cast %swap3A_699 : i32 to index
      %swap3A_701 = arith.constant 16 : index
      %swap3A_702 = tpu.vector_load %arg9[%swap3A_700, %swap3A_701] {strides = array<i32>} : memref<2x64xi32, #tpu.memory_space<vmem>>, vector<16xi32>,
      tpu.vector_store %arg9[%swap3A_700, %swap3A_701], %shift_right_arithmetic3A_698 {strides = array<i32>} : memref<2x64xi32, #tpu.memory_space<vmem>>, vector<16xi32>,
      %add3A_703 = arith.constant 16 : i32
      %add3A_704 = arith.addi %mul3A_684, %add3A_703 : i32
      %get3A_705 = arith.index_cast %add3A_704 : i32 to index
      %get3A_706 = tpu.vector_load %arg6[%get3A_705] {strides = array<i32>} : memref<5120xi32, #tpu.memory_space<vmem>>, vector<16xi32>,
      %and3A_707 = arith.constant 65535 : i32
      %and3A_708 = vector.broadcast %and3A_707 : i32 to vector<16xi32>
      %and3A_709 = arith.andi %get3A_706, %and3A_708 : vector<16xi32>
      %swap3A_710 = arith.constant 0 : i32
      %swap3A_711 = arith.index_cast %swap3A_710 : i32 to index
      %swap3A_712 = arith.constant 32 : index
      %swap3A_713 = tpu.vector_load %arg9[%swap3A_711, %swap3A_712] {strides = array<i32>} : memref<2x64xi32, #tpu.memory_space<vmem>>, vector<16xi32>,
      tpu.vector_store %arg9[%swap3A_711, %swap3A_712], %and3A_709 {strides = array<i32>} : memref<2x64xi32, #tpu.memory_space<vmem>>, vector<16xi32>,
      %shift_right_arithmetic3A_714 = arith.constant 16 : i32
      %shift_right_arithmetic3A_715 = vector.broadcast %shift_right_arithmetic3A_714 : i32 to vector<16xi32>
      %shift_right_arithmetic3A_716 = arith.shrsi %get3A_706, %shift_right_arithmetic3A_715 : vector<16xi32>
      %swap3A_717 = arith.constant 0 : i32
      %swap3A_718 = arith.index_cast %swap3A_717 : i32 to index
      %swap3A_719 = arith.constant 48 : index
      %swap3A_720 = tpu.vector_load %arg9[%swap3A_718, %swap3A_719] {strides = array<i32>} : memref<2x64xi32, #tpu.memory_space<vmem>>, vector<16xi32>,
      tpu.vector_store %arg9[%swap3A_718, %swap3A_719], %shift_right_arithmetic3A_716 {strides = array<i32>} : memref<2x64xi32, #tpu.memory_space<vmem>>, vector<16xi32>,
      %parallel_loop3A = arith.constant 0 : i32
      %parallel_loop3A_721 = arith.constant 32 : i32
      %parallel_loop3A_722 = arith.constant 1 : i32
      scf.for %parallel_loop3A_833 = %parallel_loop3A to %parallel_loop3A_721 step %parallel_loop3A_722  : i32 {
        %parallel_loop3A_834 = arith.constant 32 : i32
        %parallel_loop3A_835 = arith.muli %add3A_656, %parallel_loop3A_834 : i32
        %parallel_loop3A_836 = arith.addi %parallel_loop3A_835, %parallel_loop3A_833 : i32
        %parallel_loop3A_837 = vector.broadcast %parallel_loop3A_836 : i32 to vector<16xi32>
        %parallel_loop3A_838 = tpu.vector_load_idx %arg7[%parallel_loop3A_837] : memref<5120xi32, #tpu.memory_space<vmem>>[vector<16xi32>], vector<16xi32>,
        %parallel_loop3A_839 = arith.constant 16 : i32
        %parallel_loop3A_840 = vector.broadcast %parallel_loop3A_839 : i32 to vector<16xi32>
        %parallel_loop3A_841 = arith.shli %parallel_loop3A_838, %parallel_loop3A_840 : vector<16xi32>
        %parallel_loop3A_842 = vector.bitcast %parallel_loop3A_841 : vector<16xi32> to vector<16xf32>
        %parallel_loop3A_843 = arith.constant -65536 : i32
        %parallel_loop3A_844 = vector.broadcast %parallel_loop3A_843 : i32 to vector<16xi32>
        %parallel_loop3A_845 = arith.andi %parallel_loop3A_838, %parallel_loop3A_844 : vector<16xi32>
        %parallel_loop3A_846 = vector.bitcast %parallel_loop3A_845 : vector<16xi32> to vector<16xf32>
        %parallel_loop3A_847 = arith.constant 4 : i32
        %parallel_loop3A_848 = arith.shrsi %parallel_loop3A_833, %parallel_loop3A_847 : i32
        %parallel_loop3A_849 = arith.constant 5 : i32
        %parallel_loop3A_850 = arith.shli %parallel_loop3A_848, %parallel_loop3A_849 : i32
        %parallel_loop3A_851 = arith.constant 15 : i32
        %parallel_loop3A_852 = arith.andi %parallel_loop3A_833, %parallel_loop3A_851 : i32
        %parallel_loop3A_853 = arith.addi %parallel_loop3A_850, %parallel_loop3A_852 : i32
        %parallel_loop3A_854 = arith.constant 0 : i32
        %parallel_loop3A_855 = arith.index_cast %parallel_loop3A_854 : i32 to index
        %parallel_loop3A_856 = arith.index_cast %parallel_loop3A_853 : i32 to index
        %parallel_loop3A_857 = arith.constant 0 : index
        %parallel_loop3A_858 = tpu.vector_load %arg10[%parallel_loop3A_855, %parallel_loop3A_856, %parallel_loop3A_857] {strides = array<i32>} : memref<2x64x128xf32, #tpu.memory_space<vmem>>, vector<16xf32>,
        %parallel_loop3A_859 = arith.mulf %parallel_loop3A_858, %parallel_loop3A_842 : vector<16xf32>
        %parallel_loop3A_860 = arith.constant 0 : i32
        %parallel_loop3A_861 = arith.index_cast %parallel_loop3A_860 : i32 to index
        %parallel_loop3A_862 = arith.index_cast %parallel_loop3A_853 : i32 to index
        %parallel_loop3A_863 = arith.constant 0 : index
        %parallel_loop3A_864 = tpu.vector_load %arg11[%parallel_loop3A_861, %parallel_loop3A_862, %parallel_loop3A_863] {strides = array<i32>} : memref<2x64x128xf32, #tpu.memory_space<vmem>>, vector<16xf32>,
        tpu.vector_store %arg11[%parallel_loop3A_861, %parallel_loop3A_862, %parallel_loop3A_863], %parallel_loop3A_859 {strides = array<i32>} : memref<2x64x128xf32, #tpu.memory_space<vmem>>, vector<16xf32>,
        %parallel_loop3A_865 = arith.constant 0 : i32
        %parallel_loop3A_866 = arith.index_cast %parallel_loop3A_865 : i32 to index
        %parallel_loop3A_867 = arith.index_cast %parallel_loop3A_853 : i32 to index
        %parallel_loop3A_868 = arith.constant 16 : index
        %parallel_loop3A_869 = tpu.vector_load %arg10[%parallel_loop3A_866, %parallel_loop3A_867, %parallel_loop3A_868] {strides = array<i32>} : memref<2x64x128xf32, #tpu.memory_space<vmem>>, vector<16xf32>,
        %parallel_loop3A_870 = arith.mulf %parallel_loop3A_869, %parallel_loop3A_842 : vector<16xf32>
        %parallel_loop3A_871 = arith.constant 0 : i32
        %parallel_loop3A_872 = arith.index_cast %parallel_loop3A_871 : i32 to index
        %parallel_loop3A_873 = arith.index_cast %parallel_loop3A_853 : i32 to index
        %parallel_loop3A_874 = arith.constant 16 : index
        %parallel_loop3A_875 = tpu.vector_load %arg11[%parallel_loop3A_872, %parallel_loop3A_873, %parallel_loop3A_874] {strides = array<i32>} : memref<2x64x128xf32, #tpu.memory_space<vmem>>, vector<16xf32>,
        tpu.vector_store %arg11[%parallel_loop3A_872, %parallel_loop3A_873, %parallel_loop3A_874], %parallel_loop3A_870 {strides = array<i32>} : memref<2x64x128xf32, #tpu.memory_space<vmem>>, vector<16xf32>,
        %parallel_loop3A_876 = arith.constant 0 : i32
        %parallel_loop3A_877 = arith.index_cast %parallel_loop3A_876 : i32 to index
        %parallel_loop3A_878 = arith.index_cast %parallel_loop3A_853 : i32 to index
        %parallel_loop3A_879 = arith.constant 32 : index
        %parallel_loop3A_880 = tpu.vector_load %arg10[%parallel_loop3A_877, %parallel_loop3A_878, %parallel_loop3A_879] {strides = array<i32>} : memref<2x64x128xf32, #tpu.memory_space<vmem>>, vector<16xf32>,
        %parallel_loop3A_881 = arith.mulf %parallel_loop3A_880, %parallel_loop3A_842 : vector<16xf32>
        %parallel_loop3A_882 = arith.constant 0 : i32
        %parallel_loop3A_883 = arith.index_cast %parallel_loop3A_882 : i32 to index
        %parallel_loop3A_884 = arith.index_cast %parallel_loop3A_853 : i32 to index
        %parallel_loop3A_885 = arith.constant 32 : index
        %parallel_loop3A_886 = tpu.vector_load %arg11[%parallel_loop3A_883, %parallel_loop3A_884, %parallel_loop3A_885] {strides = array<i32>} : memref<2x64x128xf32, #tpu.memory_space<vmem>>, vector<16xf32>,
        tpu.vector_store %arg11[%parallel_loop3A_883, %parallel_loop3A_884, %parallel_loop3A_885], %parallel_loop3A_881 {strides = array<i32>} : memref<2x64x128xf32, #tpu.memory_space<vmem>>, vector<16xf32>,
        %parallel_loop3A_887 = arith.constant 0 : i32
        %parallel_loop3A_888 = arith.index_cast %parallel_loop3A_887 : i32 to index
        %parallel_loop3A_889 = arith.index_cast %parallel_loop3A_853 : i32 to index
        %parallel_loop3A_890 = arith.constant 48 : index
        %parallel_loop3A_891 = tpu.vector_load %arg10[%parallel_loop3A_888, %parallel_loop3A_889, %parallel_loop3A_890] {strides = array<i32>} : memref<2x64x128xf32, #tpu.memory_space<vmem>>, vector<16xf32>,
        %parallel_loop3A_892 = arith.mulf %parallel_loop3A_891, %parallel_loop3A_842 : vector<16xf32>
        %parallel_loop3A_893 = arith.constant 0 : i32
        %parallel_loop3A_894 = arith.index_cast %parallel_loop3A_893 : i32 to index
        %parallel_loop3A_895 = arith.index_cast %parallel_loop3A_853 : i32 to index
        %parallel_loop3A_896 = arith.constant 48 : index
        %parallel_loop3A_897 = tpu.vector_load %arg11[%parallel_loop3A_894, %parallel_loop3A_895, %parallel_loop3A_896] {strides = array<i32>} : memref<2x64x128xf32, #tpu.memory_space<vmem>>, vector<16xf32>,
        tpu.vector_store %arg11[%parallel_loop3A_894, %parallel_loop3A_895, %parallel_loop3A_896], %parallel_loop3A_892 {strides = array<i32>} : memref<2x64x128xf32, #tpu.memory_space<vmem>>, vector<16xf32>,
        %parallel_loop3A_898 = arith.constant 0 : i32
        %parallel_loop3A_899 = arith.index_cast %parallel_loop3A_898 : i32 to index
        %parallel_loop3A_900 = arith.index_cast %parallel_loop3A_853 : i32 to index
        %parallel_loop3A_901 = arith.constant 64 : index
        %parallel_loop3A_902 = tpu.vector_load %arg10[%parallel_loop3A_899, %parallel_loop3A_900, %parallel_loop3A_901] {strides = array<i32>} : memref<2x64x128xf32, #tpu.memory_space<vmem>>, vector<16xf32>,
        %parallel_loop3A_903 = arith.mulf %parallel_loop3A_902, %parallel_loop3A_842 : vector<16xf32>
        %parallel_loop3A_904 = arith.constant 0 : i32
        %parallel_loop3A_905 = arith.index_cast %parallel_loop3A_904 : i32 to index
        %parallel_loop3A_906 = arith.index_cast %parallel_loop3A_853 : i32 to index
        %parallel_loop3A_907 = arith.constant 64 : index
        %parallel_loop3A_908 = tpu.vector_load %arg11[%parallel_loop3A_905, %parallel_loop3A_906, %parallel_loop3A_907] {strides = array<i32>} : memref<2x64x128xf32, #tpu.memory_space<vmem>>, vector<16xf32>,
        tpu.vector_store %arg11[%parallel_loop3A_905, %parallel_loop3A_906, %parallel_loop3A_907], %parallel_loop3A_903 {strides = array<i32>} : memref<2x64x128xf32, #tpu.memory_space<vmem>>, vector<16xf32>,
        %parallel_loop3A_909 = arith.constant 0 : i32
        %parallel_loop3A_910 = arith.index_cast %parallel_loop3A_909 : i32 to index
        %parallel_loop3A_911 = arith.index_cast %parallel_loop3A_853 : i32 to index
        %parallel_loop3A_912 = arith.constant 80 : index
        %parallel_loop3A_913 = tpu.vector_load %arg10[%parallel_loop3A_910, %parallel_loop3A_911, %parallel_loop3A_912] {strides = array<i32>} : memref<2x64x128xf32, #tpu.memory_space<vmem>>, vector<16xf32>,
        %parallel_loop3A_914 = arith.mulf %parallel_loop3A_913, %parallel_loop3A_842 : vector<16xf32>
        %parallel_loop3A_915 = arith.constant 0 : i32
        %parallel_loop3A_916 = arith.index_cast %parallel_loop3A_915 : i32 to index
        %parallel_loop3A_917 = arith.index_cast %parallel_loop3A_853 : i32 to index
        %parallel_loop3A_918 = arith.constant 80 : index
        %parallel_loop3A_919 = tpu.vector_load %arg11[%parallel_loop3A_916, %parallel_loop3A_917, %parallel_loop3A_918] {strides = array<i32>} : memref<2x64x128xf32, #tpu.memory_space<vmem>>, vector<16xf32>,
        tpu.vector_store %arg11[%parallel_loop3A_916, %parallel_loop3A_917, %parallel_loop3A_918], %parallel_loop3A_914 {strides = array<i32>} : memref<2x64x128xf32, #tpu.memory_space<vmem>>, vector<16xf32>,
        %parallel_loop3A_920 = arith.constant 0 : i32
        %parallel_loop3A_921 = arith.index_cast %parallel_loop3A_920 : i32 to index
        %parallel_loop3A_922 = arith.index_cast %parallel_loop3A_853 : i32 to index
        %parallel_loop3A_923 = arith.constant 96 : index
        %parallel_loop3A_924 = tpu.vector_load %arg10[%parallel_loop3A_921, %parallel_loop3A_922, %parallel_loop3A_923] {strides = array<i32>} : memref<2x64x128xf32, #tpu.memory_space<vmem>>, vector<16xf32>,
        %parallel_loop3A_925 = arith.mulf %parallel_loop3A_924, %parallel_loop3A_842 : vector<16xf32>
        %parallel_loop3A_926 = arith.constant 0 : i32
        %parallel_loop3A_927 = arith.index_cast %parallel_loop3A_926 : i32 to index
        %parallel_loop3A_928 = arith.index_cast %parallel_loop3A_853 : i32 to index
        %parallel_loop3A_929 = arith.constant 96 : index
        %parallel_loop3A_930 = tpu.vector_load %arg11[%parallel_loop3A_927, %parallel_loop3A_928, %parallel_loop3A_929] {strides = array<i32>} : memref<2x64x128xf32, #tpu.memory_space<vmem>>, vector<16xf32>,
        tpu.vector_store %arg11[%parallel_loop3A_927, %parallel_loop3A_928, %parallel_loop3A_929], %parallel_loop3A_925 {strides = array<i32>} : memref<2x64x128xf32, #tpu.memory_space<vmem>>, vector<16xf32>,
        %parallel_loop3A_931 = arith.constant 0 : i32
        %parallel_loop3A_932 = arith.index_cast %parallel_loop3A_931 : i32 to index
        %parallel_loop3A_933 = arith.index_cast %parallel_loop3A_853 : i32 to index
        %parallel_loop3A_934 = arith.constant 112 : index
        %parallel_loop3A_935 = tpu.vector_load %arg10[%parallel_loop3A_932, %parallel_loop3A_933, %parallel_loop3A_934] {strides = array<i32>} : memref<2x64x128xf32, #tpu.memory_space<vmem>>, vector<16xf32>,
        %parallel_loop3A_936 = arith.mulf %parallel_loop3A_935, %parallel_loop3A_842 : vector<16xf32>
        %parallel_loop3A_937 = arith.constant 0 : i32
        %parallel_loop3A_938 = arith.index_cast %parallel_loop3A_937 : i32 to index
        %parallel_loop3A_939 = arith.index_cast %parallel_loop3A_853 : i32 to index
        %parallel_loop3A_940 = arith.constant 112 : index
        %parallel_loop3A_941 = tpu.vector_load %arg11[%parallel_loop3A_938, %parallel_loop3A_939, %parallel_loop3A_940] {strides = array<i32>} : memref<2x64x128xf32, #tpu.memory_space<vmem>>, vector<16xf32>,
        tpu.vector_store %arg11[%parallel_loop3A_938, %parallel_loop3A_939, %parallel_loop3A_940], %parallel_loop3A_936 {strides = array<i32>} : memref<2x64x128xf32, #tpu.memory_space<vmem>>, vector<16xf32>,
        %parallel_loop3A_942 = arith.constant 16 : i32
        %parallel_loop3A_943 = arith.addi %parallel_loop3A_853, %parallel_loop3A_942 : i32
        %parallel_loop3A_944 = arith.constant 0 : i32
        %parallel_loop3A_945 = arith.index_cast %parallel_loop3A_944 : i32 to index
        %parallel_loop3A_946 = arith.index_cast %parallel_loop3A_943 : i32 to index
        %parallel_loop3A_947 = arith.constant 0 : index
        %parallel_loop3A_948 = tpu.vector_load %arg10[%parallel_loop3A_945, %parallel_loop3A_946, %parallel_loop3A_947] {strides = array<i32>} : memref<2x64x128xf32, #tpu.memory_space<vmem>>, vector<16xf32>,
        %parallel_loop3A_949 = arith.mulf %parallel_loop3A_948, %parallel_loop3A_846 : vector<16xf32>
        %parallel_loop3A_950 = arith.constant 16 : i32
        %parallel_loop3A_951 = arith.addi %parallel_loop3A_853, %parallel_loop3A_950 : i32
        %parallel_loop3A_952 = arith.constant 0 : i32
        %parallel_loop3A_953 = arith.index_cast %parallel_loop3A_952 : i32 to index
        %parallel_loop3A_954 = arith.index_cast %parallel_loop3A_951 : i32 to index
        %parallel_loop3A_955 = arith.constant 0 : index
        %parallel_loop3A_956 = tpu.vector_load %arg11[%parallel_loop3A_953, %parallel_loop3A_954, %parallel_loop3A_955] {strides = array<i32>} : memref<2x64x128xf32, #tpu.memory_space<vmem>>, vector<16xf32>,
        tpu.vector_store %arg11[%parallel_loop3A_953, %parallel_loop3A_954, %parallel_loop3A_955], %parallel_loop3A_949 {strides = array<i32>} : memref<2x64x128xf32, #tpu.memory_space<vmem>>, vector<16xf32>,
        %parallel_loop3A_957 = arith.constant 16 : i32
        %parallel_loop3A_958 = arith.addi %parallel_loop3A_853, %parallel_loop3A_957 : i32
        %parallel_loop3A_959 = arith.constant 0 : i32
        %parallel_loop3A_960 = arith.index_cast %parallel_loop3A_959 : i32 to index
        %parallel_loop3A_961 = arith.index_cast %parallel_loop3A_958 : i32 to index
        %parallel_loop3A_962 = arith.constant 16 : index
        %parallel_loop3A_963 = tpu.vector_load %arg10[%parallel_loop3A_960, %parallel_loop3A_961, %parallel_loop3A_962] {strides = array<i32>} : memref<2x64x128xf32, #tpu.memory_space<vmem>>, vector<16xf32>,
        %parallel_loop3A_964 = arith.mulf %parallel_loop3A_963, %parallel_loop3A_846 : vector<16xf32>
        %parallel_loop3A_965 = arith.constant 16 : i32
        %parallel_loop3A_966 = arith.addi %parallel_loop3A_853, %parallel_loop3A_965 : i32
        %parallel_loop3A_967 = arith.constant 0 : i32
        %parallel_loop3A_968 = arith.index_cast %parallel_loop3A_967 : i32 to index
        %parallel_loop3A_969 = arith.index_cast %parallel_loop3A_966 : i32 to index
        %parallel_loop3A_970 = arith.constant 16 : index
        %parallel_loop3A_971 = tpu.vector_load %arg11[%parallel_loop3A_968, %parallel_loop3A_969, %parallel_loop3A_970] {strides = array<i32>} : memref<2x64x128xf32, #tpu.memory_space<vmem>>, vector<16xf32>,
        tpu.vector_store %arg11[%parallel_loop3A_968, %parallel_loop3A_969, %parallel_loop3A_970], %parallel_loop3A_964 {strides = array<i32>} : memref<2x64x128xf32, #tpu.memory_space<vmem>>, vector<16xf32>,
        %parallel_loop3A_972 = arith.constant 16 : i32
        %parallel_loop3A_973 = arith.addi %parallel_loop3A_853, %parallel_loop3A_972 : i32
        %parallel_loop3A_974 = arith.constant 0 : i32
        %parallel_loop3A_975 = arith.index_cast %parallel_loop3A_974 : i32 to index
        %parallel_loop3A_976 = arith.index_cast %parallel_loop3A_973 : i32 to index
        %parallel_loop3A_977 = arith.constant 32 : index
        %parallel_loop3A_978 = tpu.vector_load %arg10[%parallel_loop3A_975, %parallel_loop3A_976, %parallel_loop3A_977] {strides = array<i32>} : memref<2x64x128xf32, #tpu.memory_space<vmem>>, vector<16xf32>,
        %parallel_loop3A_979 = arith.mulf %parallel_loop3A_978, %parallel_loop3A_846 : vector<16xf32>
        %parallel_loop3A_980 = arith.constant 16 : i32
        %parallel_loop3A_981 = arith.addi %parallel_loop3A_853, %parallel_loop3A_980 : i32
        %parallel_loop3A_982 = arith.constant 0 : i32
        %parallel_loop3A_983 = arith.index_cast %parallel_loop3A_982 : i32 to index
        %parallel_loop3A_984 = arith.index_cast %parallel_loop3A_981 : i32 to index
        %parallel_loop3A_985 = arith.constant 32 : index
        %parallel_loop3A_986 = tpu.vector_load %arg11[%parallel_loop3A_983, %parallel_loop3A_984, %parallel_loop3A_985] {strides = array<i32>} : memref<2x64x128xf32, #tpu.memory_space<vmem>>, vector<16xf32>,
        tpu.vector_store %arg11[%parallel_loop3A_983, %parallel_loop3A_984, %parallel_loop3A_985], %parallel_loop3A_979 {strides = array<i32>} : memref<2x64x128xf32, #tpu.memory_space<vmem>>, vector<16xf32>,
        %parallel_loop3A_987 = arith.constant 16 : i32
        %parallel_loop3A_988 = arith.addi %parallel_loop3A_853, %parallel_loop3A_987 : i32
        %parallel_loop3A_989 = arith.constant 0 : i32
        %parallel_loop3A_990 = arith.index_cast %parallel_loop3A_989 : i32 to index
        %parallel_loop3A_991 = arith.index_cast %parallel_loop3A_988 : i32 to index
        %parallel_loop3A_992 = arith.constant 48 : index
        %parallel_loop3A_993 = tpu.vector_load %arg10[%parallel_loop3A_990, %parallel_loop3A_991, %parallel_loop3A_992] {strides = array<i32>} : memref<2x64x128xf32, #tpu.memory_space<vmem>>, vector<16xf32>,
        %parallel_loop3A_994 = arith.mulf %parallel_loop3A_993, %parallel_loop3A_846 : vector<16xf32>
        %parallel_loop3A_995 = arith.constant 16 : i32
        %parallel_loop3A_996 = arith.addi %parallel_loop3A_853, %parallel_loop3A_995 : i32
        %parallel_loop3A_997 = arith.constant 0 : i32
        %parallel_loop3A_998 = arith.index_cast %parallel_loop3A_997 : i32 to index
        %parallel_loop3A_999 = arith.index_cast %parallel_loop3A_996 : i32 to index
        %parallel_loop3A_1000 = arith.constant 48 : index
        %parallel_loop3A_1001 = tpu.vector_load %arg11[%parallel_loop3A_998, %parallel_loop3A_999, %parallel_loop3A_1000] {strides = array<i32>} : memref<2x64x128xf32, #tpu.memory_space<vmem>>, vector<16xf32>,
        tpu.vector_store %arg11[%parallel_loop3A_998, %parallel_loop3A_999, %parallel_loop3A_1000], %parallel_loop3A_994 {strides = array<i32>} : memref<2x64x128xf32, #tpu.memory_space<vmem>>, vector<16xf32>,
        %parallel_loop3A_1002 = arith.constant 16 : i32
        %parallel_loop3A_1003 = arith.addi %parallel_loop3A_853, %parallel_loop3A_1002 : i32
        %parallel_loop3A_1004 = arith.constant 0 : i32
        %parallel_loop3A_1005 = arith.index_cast %parallel_loop3A_1004 : i32 to index
        %parallel_loop3A_1006 = arith.index_cast %parallel_loop3A_1003 : i32 to index
        %parallel_loop3A_1007 = arith.constant 64 : index
        %parallel_loop3A_1008 = tpu.vector_load %arg10[%parallel_loop3A_1005, %parallel_loop3A_1006, %parallel_loop3A_1007] {strides = array<i32>} : memref<2x64x128xf32, #tpu.memory_space<vmem>>, vector<16xf32>,
        %parallel_loop3A_1009 = arith.mulf %parallel_loop3A_1008, %parallel_loop3A_846 : vector<16xf32>
        %parallel_loop3A_1010 = arith.constant 16 : i32
        %parallel_loop3A_1011 = arith.addi %parallel_loop3A_853, %parallel_loop3A_1010 : i32
        %parallel_loop3A_1012 = arith.constant 0 : i32
        %parallel_loop3A_1013 = arith.index_cast %parallel_loop3A_1012 : i32 to index
        %parallel_loop3A_1014 = arith.index_cast %parallel_loop3A_1011 : i32 to index
        %parallel_loop3A_1015 = arith.constant 64 : index
        %parallel_loop3A_1016 = tpu.vector_load %arg11[%parallel_loop3A_1013, %parallel_loop3A_1014, %parallel_loop3A_1015] {strides = array<i32>} : memref<2x64x128xf32, #tpu.memory_space<vmem>>, vector<16xf32>,
        tpu.vector_store %arg11[%parallel_loop3A_1013, %parallel_loop3A_1014, %parallel_loop3A_1015], %parallel_loop3A_1009 {strides = array<i32>} : memref<2x64x128xf32, #tpu.memory_space<vmem>>, vector<16xf32>,
        %parallel_loop3A_1017 = arith.constant 16 : i32
        %parallel_loop3A_1018 = arith.addi %parallel_loop3A_853, %parallel_loop3A_1017 : i32
        %parallel_loop3A_1019 = arith.constant 0 : i32
        %parallel_loop3A_1020 = arith.index_cast %parallel_loop3A_1019 : i32 to index
        %parallel_loop3A_1021 = arith.index_cast %parallel_loop3A_1018 : i32 to index
        %parallel_loop3A_1022 = arith.constant 80 : index
        %parallel_loop3A_1023 = tpu.vector_load %arg10[%parallel_loop3A_1020, %parallel_loop3A_1021, %parallel_loop3A_1022] {strides = array<i32>} : memref<2x64x128xf32, #tpu.memory_space<vmem>>, vector<16xf32>,
        %parallel_loop3A_1024 = arith.mulf %parallel_loop3A_1023, %parallel_loop3A_846 : vector<16xf32>
        %parallel_loop3A_1025 = arith.constant 16 : i32
        %parallel_loop3A_1026 = arith.addi %parallel_loop3A_853, %parallel_loop3A_1025 : i32
        %parallel_loop3A_1027 = arith.constant 0 : i32
        %parallel_loop3A_1028 = arith.index_cast %parallel_loop3A_1027 : i32 to index
        %parallel_loop3A_1029 = arith.index_cast %parallel_loop3A_1026 : i32 to index
        %parallel_loop3A_1030 = arith.constant 80 : index
        %parallel_loop3A_1031 = tpu.vector_load %arg11[%parallel_loop3A_1028, %parallel_loop3A_1029, %parallel_loop3A_1030] {strides = array<i32>} : memref<2x64x128xf32, #tpu.memory_space<vmem>>, vector<16xf32>,
        tpu.vector_store %arg11[%parallel_loop3A_1028, %parallel_loop3A_1029, %parallel_loop3A_1030], %parallel_loop3A_1024 {strides = array<i32>} : memref<2x64x128xf32, #tpu.memory_space<vmem>>, vector<16xf32>,
        %parallel_loop3A_1032 = arith.constant 16 : i32
        %parallel_loop3A_1033 = arith.addi %parallel_loop3A_853, %parallel_loop3A_1032 : i32
        %parallel_loop3A_1034 = arith.constant 0 : i32
        %parallel_loop3A_1035 = arith.index_cast %parallel_loop3A_1034 : i32 to index
        %parallel_loop3A_1036 = arith.index_cast %parallel_loop3A_1033 : i32 to index
        %parallel_loop3A_1037 = arith.constant 96 : index
        %parallel_loop3A_1038 = tpu.vector_load %arg10[%parallel_loop3A_1035, %parallel_loop3A_1036, %parallel_loop3A_1037] {strides = array<i32>} : memref<2x64x128xf32, #tpu.memory_space<vmem>>, vector<16xf32>,
        %parallel_loop3A_1039 = arith.mulf %parallel_loop3A_1038, %parallel_loop3A_846 : vector<16xf32>
        %parallel_loop3A_1040 = arith.constant 16 : i32
        %parallel_loop3A_1041 = arith.addi %parallel_loop3A_853, %parallel_loop3A_1040 : i32
        %parallel_loop3A_1042 = arith.constant 0 : i32
        %parallel_loop3A_1043 = arith.index_cast %parallel_loop3A_1042 : i32 to index
        %parallel_loop3A_1044 = arith.index_cast %parallel_loop3A_1041 : i32 to index
        %parallel_loop3A_1045 = arith.constant 96 : index
        %parallel_loop3A_1046 = tpu.vector_load %arg11[%parallel_loop3A_1043, %parallel_loop3A_1044, %parallel_loop3A_1045] {strides = array<i32>} : memref<2x64x128xf32, #tpu.memory_space<vmem>>, vector<16xf32>,
        tpu.vector_store %arg11[%parallel_loop3A_1043, %parallel_loop3A_1044, %parallel_loop3A_1045], %parallel_loop3A_1039 {strides = array<i32>} : memref<2x64x128xf32, #tpu.memory_space<vmem>>, vector<16xf32>,
        %parallel_loop3A_1047 = arith.constant 16 : i32
        %parallel_loop3A_1048 = arith.addi %parallel_loop3A_853, %parallel_loop3A_1047 : i32
        %parallel_loop3A_1049 = arith.constant 0 : i32
        %parallel_loop3A_1050 = arith.index_cast %parallel_loop3A_1049 : i32 to index
        %parallel_loop3A_1051 = arith.index_cast %parallel_loop3A_1048 : i32 to index
        %parallel_loop3A_1052 = arith.constant 112 : index
        %parallel_loop3A_1053 = tpu.vector_load %arg10[%parallel_loop3A_1050, %parallel_loop3A_1051, %parallel_loop3A_1052] {strides = array<i32>} : memref<2x64x128xf32, #tpu.memory_space<vmem>>, vector<16xf32>,
        %parallel_loop3A_1054 = arith.mulf %parallel_loop3A_1053, %parallel_loop3A_846 : vector<16xf32>
        %parallel_loop3A_1055 = arith.constant 16 : i32
        %parallel_loop3A_1056 = arith.addi %parallel_loop3A_853, %parallel_loop3A_1055 : i32
        %parallel_loop3A_1057 = arith.constant 0 : i32
        %parallel_loop3A_1058 = arith.index_cast %parallel_loop3A_1057 : i32 to index
        %parallel_loop3A_1059 = arith.index_cast %parallel_loop3A_1056 : i32 to index
        %parallel_loop3A_1060 = arith.constant 112 : index
        %parallel_loop3A_1061 = tpu.vector_load %arg11[%parallel_loop3A_1058, %parallel_loop3A_1059, %parallel_loop3A_1060] {strides = array<i32>} : memref<2x64x128xf32, #tpu.memory_space<vmem>>, vector<16xf32>,
        tpu.vector_store %arg11[%parallel_loop3A_1058, %parallel_loop3A_1059, %parallel_loop3A_1060], %parallel_loop3A_1054 {strides = array<i32>} : memref<2x64x128xf32, #tpu.memory_space<vmem>>, vector<16xf32>,
      } {sc.loop_unroll_factor = 2 : i64, sc.parallel_access}
      %dma_start3A_723 = arith.constant 0 : i32
      %dma_start3A_724 = arith.constant 0 : i32
      %dma_start3A_725 = arith.constant 0 : i32
      %dma_start3A_726 = arith.constant 0 : i32
      %dma_start3A_727 = tpu.memref_slice %arg11[%dma_start3A_723, %dma_start3A_725, %dma_start3A_726] : memref<2x64x128xf32, #tpu.memory_space<vmem>> -> memref<1x64x128xf32, #tpu.memory_space<vmem>>
      %dma_start3A_728 = tpu.memref_squeeze %dma_start3A_727 : memref<1x64x128xf32, #tpu.memory_space<vmem>> -> memref<64x128xf32, #tpu.memory_space<vmem>>
      %dma_start3A_729 = arith.constant 0 : i32
      %dma_start3A_730 = tpu.memref_slice %arg9[%dma_start3A_724, %dma_start3A_729] : memref<2x64xi32, #tpu.memory_space<vmem>> -> memref<1x64xi32, #tpu.memory_space<vmem>>
      %dma_start3A_731 = tpu.memref_squeeze %dma_start3A_730 : memref<1x64xi32, #tpu.memory_space<vmem>> -> memref<64xi32, #tpu.memory_space<vmem>>
      %dma_start3A_732 = arith.constant 0 : i32
      %dma_start3A_733 = arith.constant 0 : i32
      %dma_start3A_734 = tpu.memref_slice %arg12[%dma_start3A_732, %dma_start3A_733] : memref<10240x128xf32, #tpu.memory_space<vmem_shared>> -> memref<10240x128xf32, #tpu.memory_space<vmem_shared>>
      tpu.enqueue_indirect_dma source(%dma_start3A_728 : memref<64x128xf32, #tpu.memory_space<vmem>>) target(%dma_start3A_734 : memref<10240x128xf32, #tpu.memory_space<vmem_shared>>) offsets(%dma_start3A_731 : memref<64xi32, #tpu.memory_space<vmem>>) semaphore(%arg15 : memref<!tpu.dma_semaphore, #tpu.memory_space<semaphore_mem>>) {add = true}
      %add3A_735 = arith.constant 2 : i32
      %add3A_736 = arith.addi %add3A_656, %add3A_735 : i32
      %lt3A = arith.cmpi slt, %add3A_736, %select_n3A : i32
      %convert_element_type3A_737 = arith.extui %lt3A : i1 to i32
      %cond3A_738 = arith.constant 0 : i32
      %cond3A_739 = arith.cmpi ne, %convert_element_type3A_737, %cond3A_738 : i32
      scf.if %cond3A_739 {
        %add3A_833 = arith.constant 2 : i32
        %add3A_834 = arith.addi %add3A_656, %add3A_833 : i32
        %mul3A_835 = arith.constant 32 : i32
        %mul3A_836 = arith.muli %add3A_834, %mul3A_835 : i32
        %add3A_837 = arith.constant 0 : i32
        %add3A_838 = arith.addi %mul3A_836, %add3A_837 : i32
        %get3A_839 = arith.index_cast %add3A_838 : i32 to index
        %get3A_840 = tpu.vector_load %arg5[%get3A_839] {strides = array<i32>} : memref<5120xi32, #tpu.memory_space<vmem>>, vector<16xi32>,
        %and3A_841 = arith.constant 65535 : i32
        %and3A_842 = vector.broadcast %and3A_841 : i32 to vector<16xi32>
        %and3A_843 = arith.andi %get3A_840, %and3A_842 : vector<16xi32>
        %swap3A_844 = arith.constant 0 : i32
        %swap3A_845 = arith.index_cast %swap3A_844 : i32 to index
        %swap3A_846 = arith.constant 0 : index
        %swap3A_847 = tpu.vector_load %arg8[%swap3A_845, %swap3A_846] {strides = array<i32>} : memref<2x64xi32, #tpu.memory_space<vmem>>, vector<16xi32>,
        tpu.vector_store %arg8[%swap3A_845, %swap3A_846], %and3A_843 {strides = array<i32>} : memref<2x64xi32, #tpu.memory_space<vmem>>, vector<16xi32>,
        %shift_right_arithmetic3A_848 = arith.constant 16 : i32
        %shift_right_arithmetic3A_849 = vector.broadcast %shift_right_arithmetic3A_848 : i32 to vector<16xi32>
        %shift_right_arithmetic3A_850 = arith.shrsi %get3A_840, %shift_right_arithmetic3A_849 : vector<16xi32>
        %swap3A_851 = arith.constant 0 : i32
        %swap3A_852 = arith.index_cast %swap3A_851 : i32 to index
        %swap3A_853 = arith.constant 16 : index
        %swap3A_854 = tpu.vector_load %arg8[%swap3A_852, %swap3A_853] {strides = array<i32>} : memref<2x64xi32, #tpu.memory_space<vmem>>, vector<16xi32>,
        tpu.vector_store %arg8[%swap3A_852, %swap3A_853], %shift_right_arithmetic3A_850 {strides = array<i32>} : memref<2x64xi32, #tpu.memory_space<vmem>>, vector<16xi32>,
        %add3A_855 = arith.constant 16 : i32
        %add3A_856 = arith.addi %mul3A_836, %add3A_855 : i32
        %get3A_857 = arith.index_cast %add3A_856 : i32 to index
        %get3A_858 = tpu.vector_load %arg5[%get3A_857] {strides = array<i32>} : memref<5120xi32, #tpu.memory_space<vmem>>, vector<16xi32>,
        %and3A_859 = arith.constant 65535 : i32
        %and3A_860 = vector.broadcast %and3A_859 : i32 to vector<16xi32>
        %and3A_861 = arith.andi %get3A_858, %and3A_860 : vector<16xi32>
        %swap3A_862 = arith.constant 0 : i32
        %swap3A_863 = arith.index_cast %swap3A_862 : i32 to index
        %swap3A_864 = arith.constant 32 : index
        %swap3A_865 = tpu.vector_load %arg8[%swap3A_863, %swap3A_864] {strides = array<i32>} : memref<2x64xi32, #tpu.memory_space<vmem>>, vector<16xi32>,
        tpu.vector_store %arg8[%swap3A_863, %swap3A_864], %and3A_861 {strides = array<i32>} : memref<2x64xi32, #tpu.memory_space<vmem>>, vector<16xi32>,
        %shift_right_arithmetic3A_866 = arith.constant 16 : i32
        %shift_right_arithmetic3A_867 = vector.broadcast %shift_right_arithmetic3A_866 : i32 to vector<16xi32>
        %shift_right_arithmetic3A_868 = arith.shrsi %get3A_858, %shift_right_arithmetic3A_867 : vector<16xi32>
        %swap3A_869 = arith.constant 0 : i32
        %swap3A_870 = arith.index_cast %swap3A_869 : i32 to index
        %swap3A_871 = arith.constant 48 : index
        %swap3A_872 = tpu.vector_load %arg8[%swap3A_870, %swap3A_871] {strides = array<i32>} : memref<2x64xi32, #tpu.memory_space<vmem>>, vector<16xi32>,
        tpu.vector_store %arg8[%swap3A_870, %swap3A_871], %shift_right_arithmetic3A_868 {strides = array<i32>} : memref<2x64xi32, #tpu.memory_space<vmem>>, vector<16xi32>,
        %dma_start3A_873 = arith.constant 0 : i32
        %dma_start3A_874 = arith.constant 0 : i32
        %dma_start3A_875 = arith.constant 0 : i32
        %dma_start3A_876 = arith.constant 0 : i32
        %dma_start3A_877 = tpu.memref_slice %arg10[%dma_start3A_874, %dma_start3A_875, %dma_start3A_876] : memref<2x64x128xf32, #tpu.memory_space<vmem>> -> memref<1x32x128xf32, #tpu.memory_space<vmem>>
        %dma_start3A_878 = tpu.memref_squeeze %dma_start3A_877 : memref<1x32x128xf32, #tpu.memory_space<vmem>> -> memref<32x128xf32, #tpu.memory_space<vmem>>
        %dma_start3A_879 = arith.constant 0 : i32
        %dma_start3A_880 = tpu.memref_slice %arg8[%dma_start3A_873, %dma_start3A_879] : memref<2x64xi32, #tpu.memory_space<vmem>> -> memref<1x32xi32, #tpu.memory_space<vmem>>
        %dma_start3A_881 = tpu.memref_squeeze %dma_start3A_880 : memref<1x32xi32, #tpu.memory_space<vmem>> -> memref<32xi32, #tpu.memory_space<vmem>>
        %dma_start3A_882 = arith.constant 0 : i32
        %dma_start3A_883 = arith.constant 0 : i32
        %dma_start3A_884 = tpu.memref_slice %arg2[%dma_start3A_882, %dma_start3A_883] : memref<10000x128xf32, #tpu.memory_space<hbm>> -> memref<10000x128xf32, #tpu.memory_space<hbm>>
        tpu.enqueue_indirect_dma source(%dma_start3A_884 : memref<10000x128xf32, #tpu.memory_space<hbm>>) target(%dma_start3A_878 : memref<32x128xf32, #tpu.memory_space<vmem>>) offsets(%dma_start3A_881 : memref<32xi32, #tpu.memory_space<vmem>>) semaphore(%arg13 : memref<!tpu.dma_semaphore, #tpu.memory_space<semaphore_mem>>)
        %dma_start3A_885 = arith.constant 0 : i32
        %dma_start3A_886 = arith.constant 0 : i32
        %dma_start3A_887 = arith.constant 32 : i32
        %dma_start3A_888 = arith.constant 0 : i32
        %dma_start3A_889 = tpu.memref_slice %arg10[%dma_start3A_886, %dma_start3A_887, %dma_start3A_888] : memref<2x64x128xf32, #tpu.memory_space<vmem>> -> memref<1x32x128xf32, #tpu.memory_space<vmem>>
        %dma_start3A_890 = tpu.memref_squeeze %dma_start3A_889 : memref<1x32x128xf32, #tpu.memory_space<vmem>> -> memref<32x128xf32, #tpu.memory_space<vmem>>
        %dma_start3A_891 = arith.constant 32 : i32
        %dma_start3A_892 = tpu.memref_slice %arg8[%dma_start3A_885, %dma_start3A_891] : memref<2x64xi32, #tpu.memory_space<vmem>> -> memref<1x32xi32, #tpu.memory_space<vmem>>
        %dma_start3A_893 = tpu.memref_squeeze %dma_start3A_892 : memref<1x32xi32, #tpu.memory_space<vmem>> -> memref<32xi32, #tpu.memory_space<vmem>>
        %dma_start3A_894 = arith.constant 0 : i32
        %dma_start3A_895 = arith.constant 0 : i32
        %dma_start3A_896 = tpu.memref_slice %arg2[%dma_start3A_894, %dma_start3A_895] : memref<10000x128xf32, #tpu.memory_space<hbm>> -> memref<10000x128xf32, #tpu.memory_space<hbm>>
        tpu.enqueue_indirect_dma source(%dma_start3A_896 : memref<10000x128xf32, #tpu.memory_space<hbm>>) target(%dma_start3A_890 : memref<32x128xf32, #tpu.memory_space<vmem>>) offsets(%dma_start3A_893 : memref<32xi32, #tpu.memory_space<vmem>>) semaphore(%arg13 : memref<!tpu.dma_semaphore, #tpu.memory_space<semaphore_mem>>)
      } else {
      }
      %mul3A_740 = arith.constant 2 : i32
      %mul3A_741 = arith.muli %mul3A_740, %while3A_651 : i32
      %add3A_742 = arith.constant 1 : i32
      %add3A_743 = arith.addi %mul3A_741, %add3A_742 : i32
      %dma_wait3A_744 = arith.constant 1 : i32
      %dma_wait3A_745 = arith.constant 1 : i32
      %dma_wait3A_746 = arith.constant 0 : i32
      %dma_wait3A_747 = arith.constant 0 : i32
      %dma_wait3A_748 = tpu.memref_slice %arg10[%dma_wait3A_745, %dma_wait3A_746, %dma_wait3A_747] : memref<2x64x128xf32, #tpu.memory_space<vmem>> -> memref<1x32x128xf32, #tpu.memory_space<vmem>>
      %dma_wait3A_749 = tpu.memref_squeeze %dma_wait3A_748 : memref<1x32x128xf32, #tpu.memory_space<vmem>> -> memref<32x128xf32, #tpu.memory_space<vmem>>
      %dma_wait3A_750 = arith.constant 0 : i32
      %dma_wait3A_751 = tpu.memref_slice %arg8[%dma_wait3A_744, %dma_wait3A_750] : memref<2x64xi32, #tpu.memory_space<vmem>> -> memref<1x32xi32, #tpu.memory_space<vmem>>
      %dma_wait3A_752 = tpu.memref_squeeze %dma_wait3A_751 : memref<1x32xi32, #tpu.memory_space<vmem>> -> memref<32xi32, #tpu.memory_space<vmem>>
      %dma_wait3A_753 = arith.constant 0 : i32
      %dma_wait3A_754 = arith.constant 0 : i32
      %dma_wait3A_755 = tpu.memref_slice %arg2[%dma_wait3A_753, %dma_wait3A_754] : memref<10000x128xf32, #tpu.memory_space<hbm>> -> memref<10000x128xf32, #tpu.memory_space<hbm>>
      tpu.wait_indirect_dma semaphore(%arg14 : memref<!tpu.dma_semaphore, #tpu.memory_space<semaphore_mem>>) src(%dma_wait3A_755 : memref<10000x128xf32, #tpu.memory_space<hbm>>) dst(%dma_wait3A_749 : memref<32x128xf32, #tpu.memory_space<vmem>>)
      %dma_wait3A_756 = arith.constant 1 : i32
      %dma_wait3A_757 = arith.constant 1 : i32
      %dma_wait3A_758 = arith.constant 32 : i32
      %dma_wait3A_759 = arith.constant 0 : i32
      %dma_wait3A_760 = tpu.memref_slice %arg10[%dma_wait3A_757, %dma_wait3A_758, %dma_wait3A_759] : memref<2x64x128xf32, #tpu.memory_space<vmem>> -> memref<1x32x128xf32, #tpu.memory_space<vmem>>
      %dma_wait3A_761 = tpu.memref_squeeze %dma_wait3A_760 : memref<1x32x128xf32, #tpu.memory_space<vmem>> -> memref<32x128xf32, #tpu.memory_space<vmem>>
      %dma_wait3A_762 = arith.constant 32 : i32
      %dma_wait3A_763 = tpu.memref_slice %arg8[%dma_wait3A_756, %dma_wait3A_762] : memref<2x64xi32, #tpu.memory_space<vmem>> -> memref<1x32xi32, #tpu.memory_space<vmem>>
      %dma_wait3A_764 = tpu.memref_squeeze %dma_wait3A_763 : memref<1x32xi32, #tpu.memory_space<vmem>> -> memref<32xi32, #tpu.memory_space<vmem>>
      %dma_wait3A_765 = arith.constant 0 : i32
      %dma_wait3A_766 = arith.constant 0 : i32
      %dma_wait3A_767 = tpu.memref_slice %arg2[%dma_wait3A_765, %dma_wait3A_766] : memref<10000x128xf32, #tpu.memory_space<hbm>> -> memref<10000x128xf32, #tpu.memory_space<hbm>>
      tpu.wait_indirect_dma semaphore(%arg14 : memref<!tpu.dma_semaphore, #tpu.memory_space<semaphore_mem>>) src(%dma_wait3A_767 : memref<10000x128xf32, #tpu.memory_space<hbm>>) dst(%dma_wait3A_761 : memref<32x128xf32, #tpu.memory_space<vmem>>)
      %gt3A_768 = arith.constant 1 : i32
      %gt3A_769 = arith.cmpi sgt, %add3A_743, %gt3A_768 : i32
      %convert_element_type3A_770 = arith.extui %gt3A_769 : i1 to i32
      %cond3A_771 = arith.constant 0 : i32
      %cond3A_772 = arith.cmpi ne, %convert_element_type3A_770, %cond3A_771 : i32
      scf.if %cond3A_772 {
        %dma_wait3A_833 = arith.constant 1 : i32
        %dma_wait3A_834 = arith.constant 1 : i32
        %dma_wait3A_835 = arith.constant 0 : i32
        %dma_wait3A_836 = arith.constant 0 : i32
        %dma_wait3A_837 = tpu.memref_slice %arg11[%dma_wait3A_833, %dma_wait3A_835, %dma_wait3A_836] : memref<2x64x128xf32, #tpu.memory_space<vmem>> -> memref<1x64x128xf32, #tpu.memory_space<vmem>>
        %dma_wait3A_838 = tpu.memref_squeeze %dma_wait3A_837 : memref<1x64x128xf32, #tpu.memory_space<vmem>> -> memref<64x128xf32, #tpu.memory_space<vmem>>
        %dma_wait3A_839 = arith.constant 0 : i32
        %dma_wait3A_840 = tpu.memref_slice %arg9[%dma_wait3A_834, %dma_wait3A_839] : memref<2x64xi32, #tpu.memory_space<vmem>> -> memref<1x64xi32, #tpu.memory_space<vmem>>
        %dma_wait3A_841 = tpu.memref_squeeze %dma_wait3A_840 : memref<1x64xi32, #tpu.memory_space<vmem>> -> memref<64xi32, #tpu.memory_space<vmem>>
        %dma_wait3A_842 = arith.constant 0 : i32
        %dma_wait3A_843 = arith.constant 0 : i32
        %dma_wait3A_844 = tpu.memref_slice %arg12[%dma_wait3A_842, %dma_wait3A_843] : memref<10240x128xf32, #tpu.memory_space<vmem_shared>> -> memref<10240x128xf32, #tpu.memory_space<vmem_shared>>
        tpu.wait_indirect_dma semaphore(%arg16 : memref<!tpu.dma_semaphore, #tpu.memory_space<semaphore_mem>>) src(%dma_wait3A_838 : memref<64x128xf32, #tpu.memory_space<vmem>>) dst(%dma_wait3A_844 : memref<10240x128xf32, #tpu.memory_space<vmem_shared>>)
      } else {
      }
      %mul3A_773 = arith.constant 32 : i32
      %mul3A_774 = arith.muli %add3A_743, %mul3A_773 : i32
      %add3A_775 = arith.constant 0 : i32
      %add3A_776 = arith.addi %mul3A_774, %add3A_775 : i32
      %get3A_777 = arith.index_cast %add3A_776 : i32 to index
      %get3A_778 = tpu.vector_load %arg6[%get3A_777] {strides = array<i32>} : memref<5120xi32, #tpu.memory_space<vmem>>, vector<16xi32>,
      %and3A_779 = arith.constant 65535 : i32
      %and3A_780 = vector.broadcast %and3A_779 : i32 to vector<16xi32>
      %and3A_781 = arith.andi %get3A_778, %and3A_780 : vector<16xi32>
      %swap3A_782 = arith.constant 1 : i32
      %swap3A_783 = arith.index_cast %swap3A_782 : i32 to index
      %swap3A_784 = arith.constant 0 : index
      %swap3A_785 = tpu.vector_load %arg9[%swap3A_783, %swap3A_784] {strides = array<i32>} : memref<2x64xi32, #tpu.memory_space<vmem>>, vector<16xi32>,
      tpu.vector_store %arg9[%swap3A_783, %swap3A_784], %and3A_781 {strides = array<i32>} : memref<2x64xi32, #tpu.memory_space<vmem>>, vector<16xi32>,
      %shift_right_arithmetic3A_786 = arith.constant 16 : i32
      %shift_right_arithmetic3A_787 = vector.broadcast %shift_right_arithmetic3A_786 : i32 to vector<16xi32>
      %shift_right_arithmetic3A_788 = arith.shrsi %get3A_778, %shift_right_arithmetic3A_787 : vector<16xi32>
      %swap3A_789 = arith.constant 1 : i32
      %swap3A_790 = arith.index_cast %swap3A_789 : i32 to index
      %swap3A_791 = arith.constant 16 : index
      %swap3A_792 = tpu.vector_load %arg9[%swap3A_790, %swap3A_791] {strides = array<i32>} : memref<2x64xi32, #tpu.memory_space<vmem>>, vector<16xi32>,
      tpu.vector_store %arg9[%swap3A_790, %swap3A_791], %shift_right_arithmetic3A_788 {strides = array<i32>} : memref<2x64xi32, #tpu.memory_space<vmem>>, vector<16xi32>,
      %add3A_793 = arith.constant 16 : i32
      %add3A_794 = arith.addi %mul3A_774, %add3A_793 : i32
      %get3A_795 = arith.index_cast %add3A_794 : i32 to index
      %get3A_796 = tpu.vector_load %arg6[%get3A_795] {strides = array<i32>} : memref<5120xi32, #tpu.memory_space<vmem>>, vector<16xi32>,
      %and3A_797 = arith.constant 65535 : i32
      %and3A_798 = vector.broadcast %and3A_797 : i32 to vector<16xi32>
      %and3A_799 = arith.andi %get3A_796, %and3A_798 : vector<16xi32>
      %swap3A_800 = arith.constant 1 : i32
      %swap3A_801 = arith.index_cast %swap3A_800 : i32 to index
      %swap3A_802 = arith.constant 32 : index
      %swap3A_803 = tpu.vector_load %arg9[%swap3A_801, %swap3A_802] {strides = array<i32>} : memref<2x64xi32, #tpu.memory_space<vmem>>, vector<16xi32>,
      tpu.vector_store %arg9[%swap3A_801, %swap3A_802], %and3A_799 {strides = array<i32>} : memref<2x64xi32, #tpu.memory_space<vmem>>, vector<16xi32>,
      %shift_right_arithmetic3A_804 = arith.constant 16 : i32
      %shift_right_arithmetic3A_805 = vector.broadcast %shift_right_arithmetic3A_804 : i32 to vector<16xi32>
      %shift_right_arithmetic3A_806 = arith.shrsi %get3A_796, %shift_right_arithmetic3A_805 : vector<16xi32>
      %swap3A_807 = arith.constant 1 : i32
      %swap3A_808 = arith.index_cast %swap3A_807 : i32 to index
      %swap3A_809 = arith.constant 48 : index
      %swap3A_810 = tpu.vector_load %arg9[%swap3A_808, %swap3A_809] {strides = array<i32>} : memref<2x64xi32, #tpu.memory_space<vmem>>, vector<16xi32>,
      tpu.vector_store %arg9[%swap3A_808, %swap3A_809], %shift_right_arithmetic3A_806 {strides = array<i32>} : memref<2x64xi32, #tpu.memory_space<vmem>>, vector<16xi32>,
      %parallel_loop3A_811 = arith.constant 0 : i32
      %parallel_loop3A_812 = arith.constant 32 : i32
      %parallel_loop3A_813 = arith.constant 1 : i32
      scf.for %parallel_loop3A_833 = %parallel_loop3A_811 to %parallel_loop3A_812 step %parallel_loop3A_813  : i32 {
        %parallel_loop3A_834 = arith.constant 32 : i32
        %parallel_loop3A_835 = arith.muli %add3A_743, %parallel_loop3A_834 : i32
        %parallel_loop3A_836 = arith.addi %parallel_loop3A_835, %parallel_loop3A_833 : i32
        %parallel_loop3A_837 = vector.broadcast %parallel_loop3A_836 : i32 to vector<16xi32>
        %parallel_loop3A_838 = tpu.vector_load_idx %arg7[%parallel_loop3A_837] : memref<5120xi32, #tpu.memory_space<vmem>>[vector<16xi32>], vector<16xi32>,
        %parallel_loop3A_839 = arith.constant 16 : i32
        %parallel_loop3A_840 = vector.broadcast %parallel_loop3A_839 : i32 to vector<16xi32>
        %parallel_loop3A_841 = arith.shli %parallel_loop3A_838, %parallel_loop3A_840 : vector<16xi32>
        %parallel_loop3A_842 = vector.bitcast %parallel_loop3A_841 : vector<16xi32> to vector<16xf32>
        %parallel_loop3A_843 = arith.constant -65536 : i32
        %parallel_loop3A_844 = vector.broadcast %parallel_loop3A_843 : i32 to vector<16xi32>
        %parallel_loop3A_845 = arith.andi %parallel_loop3A_838, %parallel_loop3A_844 : vector<16xi32>
        %parallel_loop3A_846 = vector.bitcast %parallel_loop3A_845 : vector<16xi32> to vector<16xf32>
        %parallel_loop3A_847 = arith.constant 4 : i32
        %parallel_loop3A_848 = arith.shrsi %parallel_loop3A_833, %parallel_loop3A_847 : i32
        %parallel_loop3A_849 = arith.constant 5 : i32
        %parallel_loop3A_850 = arith.shli %parallel_loop3A_848, %parallel_loop3A_849 : i32
        %parallel_loop3A_851 = arith.constant 15 : i32
        %parallel_loop3A_852 = arith.andi %parallel_loop3A_833, %parallel_loop3A_851 : i32
        %parallel_loop3A_853 = arith.addi %parallel_loop3A_850, %parallel_loop3A_852 : i32
        %parallel_loop3A_854 = arith.constant 1 : i32
        %parallel_loop3A_855 = arith.index_cast %parallel_loop3A_854 : i32 to index
        %parallel_loop3A_856 = arith.index_cast %parallel_loop3A_853 : i32 to index
        %parallel_loop3A_857 = arith.constant 0 : index
        %parallel_loop3A_858 = tpu.vector_load %arg10[%parallel_loop3A_855, %parallel_loop3A_856, %parallel_loop3A_857] {strides = array<i32>} : memref<2x64x128xf32, #tpu.memory_space<vmem>>, vector<16xf32>,
        %parallel_loop3A_859 = arith.mulf %parallel_loop3A_858, %parallel_loop3A_842 : vector<16xf32>
        %parallel_loop3A_860 = arith.constant 1 : i32
        %parallel_loop3A_861 = arith.index_cast %parallel_loop3A_860 : i32 to index
        %parallel_loop3A_862 = arith.index_cast %parallel_loop3A_853 : i32 to index
        %parallel_loop3A_863 = arith.constant 0 : index
        %parallel_loop3A_864 = tpu.vector_load %arg11[%parallel_loop3A_861, %parallel_loop3A_862, %parallel_loop3A_863] {strides = array<i32>} : memref<2x64x128xf32, #tpu.memory_space<vmem>>, vector<16xf32>,
        tpu.vector_store %arg11[%parallel_loop3A_861, %parallel_loop3A_862, %parallel_loop3A_863], %parallel_loop3A_859 {strides = array<i32>} : memref<2x64x128xf32, #tpu.memory_space<vmem>>, vector<16xf32>,
        %parallel_loop3A_865 = arith.constant 1 : i32
        %parallel_loop3A_866 = arith.index_cast %parallel_loop3A_865 : i32 to index
        %parallel_loop3A_867 = arith.index_cast %parallel_loop3A_853 : i32 to index
        %parallel_loop3A_868 = arith.constant 16 : index
        %parallel_loop3A_869 = tpu.vector_load %arg10[%parallel_loop3A_866, %parallel_loop3A_867, %parallel_loop3A_868] {strides = array<i32>} : memref<2x64x128xf32, #tpu.memory_space<vmem>>, vector<16xf32>,
        %parallel_loop3A_870 = arith.mulf %parallel_loop3A_869, %parallel_loop3A_842 : vector<16xf32>
        %parallel_loop3A_871 = arith.constant 1 : i32
        %parallel_loop3A_872 = arith.index_cast %parallel_loop3A_871 : i32 to index
        %parallel_loop3A_873 = arith.index_cast %parallel_loop3A_853 : i32 to index
        %parallel_loop3A_874 = arith.constant 16 : index
        %parallel_loop3A_875 = tpu.vector_load %arg11[%parallel_loop3A_872, %parallel_loop3A_873, %parallel_loop3A_874] {strides = array<i32>} : memref<2x64x128xf32, #tpu.memory_space<vmem>>, vector<16xf32>,
        tpu.vector_store %arg11[%parallel_loop3A_872, %parallel_loop3A_873, %parallel_loop3A_874], %parallel_loop3A_870 {strides = array<i32>} : memref<2x64x128xf32, #tpu.memory_space<vmem>>, vector<16xf32>,
        %parallel_loop3A_876 = arith.constant 1 : i32
        %parallel_loop3A_877 = arith.index_cast %parallel_loop3A_876 : i32 to index
        %parallel_loop3A_878 = arith.index_cast %parallel_loop3A_853 : i32 to index
        %parallel_loop3A_879 = arith.constant 32 : index
        %parallel_loop3A_880 = tpu.vector_load %arg10[%parallel_loop3A_877, %parallel_loop3A_878, %parallel_loop3A_879] {strides = array<i32>} : memref<2x64x128xf32, #tpu.memory_space<vmem>>, vector<16xf32>,
        %parallel_loop3A_881 = arith.mulf %parallel_loop3A_880, %parallel_loop3A_842 : vector<16xf32>
        %parallel_loop3A_882 = arith.constant 1 : i32
        %parallel_loop3A_883 = arith.index_cast %parallel_loop3A_882 : i32 to index
        %parallel_loop3A_884 = arith.index_cast %parallel_loop3A_853 : i32 to index
        %parallel_loop3A_885 = arith.constant 32 : index
        %parallel_loop3A_886 = tpu.vector_load %arg11[%parallel_loop3A_883, %parallel_loop3A_884, %parallel_loop3A_885] {strides = array<i32>} : memref<2x64x128xf32, #tpu.memory_space<vmem>>, vector<16xf32>,
        tpu.vector_store %arg11[%parallel_loop3A_883, %parallel_loop3A_884, %parallel_loop3A_885], %parallel_loop3A_881 {strides = array<i32>} : memref<2x64x128xf32, #tpu.memory_space<vmem>>, vector<16xf32>,
        %parallel_loop3A_887 = arith.constant 1 : i32
        %parallel_loop3A_888 = arith.index_cast %parallel_loop3A_887 : i32 to index
        %parallel_loop3A_889 = arith.index_cast %parallel_loop3A_853 : i32 to index
        %parallel_loop3A_890 = arith.constant 48 : index
        %parallel_loop3A_891 = tpu.vector_load %arg10[%parallel_loop3A_888, %parallel_loop3A_889, %parallel_loop3A_890] {strides = array<i32>} : memref<2x64x128xf32, #tpu.memory_space<vmem>>, vector<16xf32>,
        %parallel_loop3A_892 = arith.mulf %parallel_loop3A_891, %parallel_loop3A_842 : vector<16xf32>
        %parallel_loop3A_893 = arith.constant 1 : i32
        %parallel_loop3A_894 = arith.index_cast %parallel_loop3A_893 : i32 to index
        %parallel_loop3A_895 = arith.index_cast %parallel_loop3A_853 : i32 to index
        %parallel_loop3A_896 = arith.constant 48 : index
        %parallel_loop3A_897 = tpu.vector_load %arg11[%parallel_loop3A_894, %parallel_loop3A_895, %parallel_loop3A_896] {strides = array<i32>} : memref<2x64x128xf32, #tpu.memory_space<vmem>>, vector<16xf32>,
        tpu.vector_store %arg11[%parallel_loop3A_894, %parallel_loop3A_895, %parallel_loop3A_896], %parallel_loop3A_892 {strides = array<i32>} : memref<2x64x128xf32, #tpu.memory_space<vmem>>, vector<16xf32>,
        %parallel_loop3A_898 = arith.constant 1 : i32
        %parallel_loop3A_899 = arith.index_cast %parallel_loop3A_898 : i32 to index
        %parallel_loop3A_900 = arith.index_cast %parallel_loop3A_853 : i32 to index
        %parallel_loop3A_901 = arith.constant 64 : index
        %parallel_loop3A_902 = tpu.vector_load %arg10[%parallel_loop3A_899, %parallel_loop3A_900, %parallel_loop3A_901] {strides = array<i32>} : memref<2x64x128xf32, #tpu.memory_space<vmem>>, vector<16xf32>,
        %parallel_loop3A_903 = arith.mulf %parallel_loop3A_902, %parallel_loop3A_842 : vector<16xf32>
        %parallel_loop3A_904 = arith.constant 1 : i32
        %parallel_loop3A_905 = arith.index_cast %parallel_loop3A_904 : i32 to index
        %parallel_loop3A_906 = arith.index_cast %parallel_loop3A_853 : i32 to index
        %parallel_loop3A_907 = arith.constant 64 : index
        %parallel_loop3A_908 = tpu.vector_load %arg11[%parallel_loop3A_905, %parallel_loop3A_906, %parallel_loop3A_907] {strides = array<i32>} : memref<2x64x128xf32, #tpu.memory_space<vmem>>, vector<16xf32>,
        tpu.vector_store %arg11[%parallel_loop3A_905, %parallel_loop3A_906, %parallel_loop3A_907], %parallel_loop3A_903 {strides = array<i32>} : memref<2x64x128xf32, #tpu.memory_space<vmem>>, vector<16xf32>,
        %parallel_loop3A_909 = arith.constant 1 : i32
        %parallel_loop3A_910 = arith.index_cast %parallel_loop3A_909 : i32 to index
        %parallel_loop3A_911 = arith.index_cast %parallel_loop3A_853 : i32 to index
        %parallel_loop3A_912 = arith.constant 80 : index
        %parallel_loop3A_913 = tpu.vector_load %arg10[%parallel_loop3A_910, %parallel_loop3A_911, %parallel_loop3A_912] {strides = array<i32>} : memref<2x64x128xf32, #tpu.memory_space<vmem>>, vector<16xf32>,
        %parallel_loop3A_914 = arith.mulf %parallel_loop3A_913, %parallel_loop3A_842 : vector<16xf32>
        %parallel_loop3A_915 = arith.constant 1 : i32
        %parallel_loop3A_916 = arith.index_cast %parallel_loop3A_915 : i32 to index
        %parallel_loop3A_917 = arith.index_cast %parallel_loop3A_853 : i32 to index
        %parallel_loop3A_918 = arith.constant 80 : index
        %parallel_loop3A_919 = tpu.vector_load %arg11[%parallel_loop3A_916, %parallel_loop3A_917, %parallel_loop3A_918] {strides = array<i32>} : memref<2x64x128xf32, #tpu.memory_space<vmem>>, vector<16xf32>,
        tpu.vector_store %arg11[%parallel_loop3A_916, %parallel_loop3A_917, %parallel_loop3A_918], %parallel_loop3A_914 {strides = array<i32>} : memref<2x64x128xf32, #tpu.memory_space<vmem>>, vector<16xf32>,
        %parallel_loop3A_920 = arith.constant 1 : i32
        %parallel_loop3A_921 = arith.index_cast %parallel_loop3A_920 : i32 to index
        %parallel_loop3A_922 = arith.index_cast %parallel_loop3A_853 : i32 to index
        %parallel_loop3A_923 = arith.constant 96 : index
        %parallel_loop3A_924 = tpu.vector_load %arg10[%parallel_loop3A_921, %parallel_loop3A_922, %parallel_loop3A_923] {strides = array<i32>} : memref<2x64x128xf32, #tpu.memory_space<vmem>>, vector<16xf32>,
        %parallel_loop3A_925 = arith.mulf %parallel_loop3A_924, %parallel_loop3A_842 : vector<16xf32>
        %parallel_loop3A_926 = arith.constant 1 : i32
        %parallel_loop3A_927 = arith.index_cast %parallel_loop3A_926 : i32 to index
        %parallel_loop3A_928 = arith.index_cast %parallel_loop3A_853 : i32 to index
        %parallel_loop3A_929 = arith.constant 96 : index
        %parallel_loop3A_930 = tpu.vector_load %arg11[%parallel_loop3A_927, %parallel_loop3A_928, %parallel_loop3A_929] {strides = array<i32>} : memref<2x64x128xf32, #tpu.memory_space<vmem>>, vector<16xf32>,
        tpu.vector_store %arg11[%parallel_loop3A_927, %parallel_loop3A_928, %parallel_loop3A_929], %parallel_loop3A_925 {strides = array<i32>} : memref<2x64x128xf32, #tpu.memory_space<vmem>>, vector<16xf32>,
        %parallel_loop3A_931 = arith.constant 1 : i32
        %parallel_loop3A_932 = arith.index_cast %parallel_loop3A_931 : i32 to index
        %parallel_loop3A_933 = arith.index_cast %parallel_loop3A_853 : i32 to index
        %parallel_loop3A_934 = arith.constant 112 : index
        %parallel_loop3A_935 = tpu.vector_load %arg10[%parallel_loop3A_932, %parallel_loop3A_933, %parallel_loop3A_934] {strides = array<i32>} : memref<2x64x128xf32, #tpu.memory_space<vmem>>, vector<16xf32>,
        %parallel_loop3A_936 = arith.mulf %parallel_loop3A_935, %parallel_loop3A_842 : vector<16xf32>
        %parallel_loop3A_937 = arith.constant 1 : i32
        %parallel_loop3A_938 = arith.index_cast %parallel_loop3A_937 : i32 to index
        %parallel_loop3A_939 = arith.index_cast %parallel_loop3A_853 : i32 to index
        %parallel_loop3A_940 = arith.constant 112 : index
        %parallel_loop3A_941 = tpu.vector_load %arg11[%parallel_loop3A_938, %parallel_loop3A_939, %parallel_loop3A_940] {strides = array<i32>} : memref<2x64x128xf32, #tpu.memory_space<vmem>>, vector<16xf32>,
        tpu.vector_store %arg11[%parallel_loop3A_938, %parallel_loop3A_939, %parallel_loop3A_940], %parallel_loop3A_936 {strides = array<i32>} : memref<2x64x128xf32, #tpu.memory_space<vmem>>, vector<16xf32>,
        %parallel_loop3A_942 = arith.constant 16 : i32
        %parallel_loop3A_943 = arith.addi %parallel_loop3A_853, %parallel_loop3A_942 : i32
        %parallel_loop3A_944 = arith.constant 1 : i32
        %parallel_loop3A_945 = arith.index_cast %parallel_loop3A_944 : i32 to index
        %parallel_loop3A_946 = arith.index_cast %parallel_loop3A_943 : i32 to index
        %parallel_loop3A_947 = arith.constant 0 : index
        %parallel_loop3A_948 = tpu.vector_load %arg10[%parallel_loop3A_945, %parallel_loop3A_946, %parallel_loop3A_947] {strides = array<i32>} : memref<2x64x128xf32, #tpu.memory_space<vmem>>, vector<16xf32>,
        %parallel_loop3A_949 = arith.mulf %parallel_loop3A_948, %parallel_loop3A_846 : vector<16xf32>
        %parallel_loop3A_950 = arith.constant 16 : i32
        %parallel_loop3A_951 = arith.addi %parallel_loop3A_853, %parallel_loop3A_950 : i32
        %parallel_loop3A_952 = arith.constant 1 : i32
        %parallel_loop3A_953 = arith.index_cast %parallel_loop3A_952 : i32 to index
        %parallel_loop3A_954 = arith.index_cast %parallel_loop3A_951 : i32 to index
        %parallel_loop3A_955 = arith.constant 0 : index
        %parallel_loop3A_956 = tpu.vector_load %arg11[%parallel_loop3A_953, %parallel_loop3A_954, %parallel_loop3A_955] {strides = array<i32>} : memref<2x64x128xf32, #tpu.memory_space<vmem>>, vector<16xf32>,
        tpu.vector_store %arg11[%parallel_loop3A_953, %parallel_loop3A_954, %parallel_loop3A_955], %parallel_loop3A_949 {strides = array<i32>} : memref<2x64x128xf32, #tpu.memory_space<vmem>>, vector<16xf32>,
        %parallel_loop3A_957 = arith.constant 16 : i32
        %parallel_loop3A_958 = arith.addi %parallel_loop3A_853, %parallel_loop3A_957 : i32
        %parallel_loop3A_959 = arith.constant 1 : i32
        %parallel_loop3A_960 = arith.index_cast %parallel_loop3A_959 : i32 to index
        %parallel_loop3A_961 = arith.index_cast %parallel_loop3A_958 : i32 to index
        %parallel_loop3A_962 = arith.constant 16 : index
        %parallel_loop3A_963 = tpu.vector_load %arg10[%parallel_loop3A_960, %parallel_loop3A_961, %parallel_loop3A_962] {strides = array<i32>} : memref<2x64x128xf32, #tpu.memory_space<vmem>>, vector<16xf32>,
        %parallel_loop3A_964 = arith.mulf %parallel_loop3A_963, %parallel_loop3A_846 : vector<16xf32>
        %parallel_loop3A_965 = arith.constant 16 : i32
        %parallel_loop3A_966 = arith.addi %parallel_loop3A_853, %parallel_loop3A_965 : i32
        %parallel_loop3A_967 = arith.constant 1 : i32
        %parallel_loop3A_968 = arith.index_cast %parallel_loop3A_967 : i32 to index
        %parallel_loop3A_969 = arith.index_cast %parallel_loop3A_966 : i32 to index
        %parallel_loop3A_970 = arith.constant 16 : index
        %parallel_loop3A_971 = tpu.vector_load %arg11[%parallel_loop3A_968, %parallel_loop3A_969, %parallel_loop3A_970] {strides = array<i32>} : memref<2x64x128xf32, #tpu.memory_space<vmem>>, vector<16xf32>,
        tpu.vector_store %arg11[%parallel_loop3A_968, %parallel_loop3A_969, %parallel_loop3A_970], %parallel_loop3A_964 {strides = array<i32>} : memref<2x64x128xf32, #tpu.memory_space<vmem>>, vector<16xf32>,
        %parallel_loop3A_972 = arith.constant 16 : i32
        %parallel_loop3A_973 = arith.addi %parallel_loop3A_853, %parallel_loop3A_972 : i32
        %parallel_loop3A_974 = arith.constant 1 : i32
        %parallel_loop3A_975 = arith.index_cast %parallel_loop3A_974 : i32 to index
        %parallel_loop3A_976 = arith.index_cast %parallel_loop3A_973 : i32 to index
        %parallel_loop3A_977 = arith.constant 32 : index
        %parallel_loop3A_978 = tpu.vector_load %arg10[%parallel_loop3A_975, %parallel_loop3A_976, %parallel_loop3A_977] {strides = array<i32>} : memref<2x64x128xf32, #tpu.memory_space<vmem>>, vector<16xf32>,
        %parallel_loop3A_979 = arith.mulf %parallel_loop3A_978, %parallel_loop3A_846 : vector<16xf32>
        %parallel_loop3A_980 = arith.constant 16 : i32
        %parallel_loop3A_981 = arith.addi %parallel_loop3A_853, %parallel_loop3A_980 : i32
        %parallel_loop3A_982 = arith.constant 1 : i32
        %parallel_loop3A_983 = arith.index_cast %parallel_loop3A_982 : i32 to index
        %parallel_loop3A_984 = arith.index_cast %parallel_loop3A_981 : i32 to index
        %parallel_loop3A_985 = arith.constant 32 : index
        %parallel_loop3A_986 = tpu.vector_load %arg11[%parallel_loop3A_983, %parallel_loop3A_984, %parallel_loop3A_985] {strides = array<i32>} : memref<2x64x128xf32, #tpu.memory_space<vmem>>, vector<16xf32>,
        tpu.vector_store %arg11[%parallel_loop3A_983, %parallel_loop3A_984, %parallel_loop3A_985], %parallel_loop3A_979 {strides = array<i32>} : memref<2x64x128xf32, #tpu.memory_space<vmem>>, vector<16xf32>,
        %parallel_loop3A_987 = arith.constant 16 : i32
        %parallel_loop3A_988 = arith.addi %parallel_loop3A_853, %parallel_loop3A_987 : i32
        %parallel_loop3A_989 = arith.constant 1 : i32
        %parallel_loop3A_990 = arith.index_cast %parallel_loop3A_989 : i32 to index
        %parallel_loop3A_991 = arith.index_cast %parallel_loop3A_988 : i32 to index
        %parallel_loop3A_992 = arith.constant 48 : index
        %parallel_loop3A_993 = tpu.vector_load %arg10[%parallel_loop3A_990, %parallel_loop3A_991, %parallel_loop3A_992] {strides = array<i32>} : memref<2x64x128xf32, #tpu.memory_space<vmem>>, vector<16xf32>,
        %parallel_loop3A_994 = arith.mulf %parallel_loop3A_993, %parallel_loop3A_846 : vector<16xf32>
        %parallel_loop3A_995 = arith.constant 16 : i32
        %parallel_loop3A_996 = arith.addi %parallel_loop3A_853, %parallel_loop3A_995 : i32
        %parallel_loop3A_997 = arith.constant 1 : i32
        %parallel_loop3A_998 = arith.index_cast %parallel_loop3A_997 : i32 to index
        %parallel_loop3A_999 = arith.index_cast %parallel_loop3A_996 : i32 to index
        %parallel_loop3A_1000 = arith.constant 48 : index
        %parallel_loop3A_1001 = tpu.vector_load %arg11[%parallel_loop3A_998, %parallel_loop3A_999, %parallel_loop3A_1000] {strides = array<i32>} : memref<2x64x128xf32, #tpu.memory_space<vmem>>, vector<16xf32>,
        tpu.vector_store %arg11[%parallel_loop3A_998, %parallel_loop3A_999, %parallel_loop3A_1000], %parallel_loop3A_994 {strides = array<i32>} : memref<2x64x128xf32, #tpu.memory_space<vmem>>, vector<16xf32>,
        %parallel_loop3A_1002 = arith.constant 16 : i32
        %parallel_loop3A_1003 = arith.addi %parallel_loop3A_853, %parallel_loop3A_1002 : i32
        %parallel_loop3A_1004 = arith.constant 1 : i32
        %parallel_loop3A_1005 = arith.index_cast %parallel_loop3A_1004 : i32 to index
        %parallel_loop3A_1006 = arith.index_cast %parallel_loop3A_1003 : i32 to index
        %parallel_loop3A_1007 = arith.constant 64 : index
        %parallel_loop3A_1008 = tpu.vector_load %arg10[%parallel_loop3A_1005, %parallel_loop3A_1006, %parallel_loop3A_1007] {strides = array<i32>} : memref<2x64x128xf32, #tpu.memory_space<vmem>>, vector<16xf32>,
        %parallel_loop3A_1009 = arith.mulf %parallel_loop3A_1008, %parallel_loop3A_846 : vector<16xf32>
        %parallel_loop3A_1010 = arith.constant 16 : i32
        %parallel_loop3A_1011 = arith.addi %parallel_loop3A_853, %parallel_loop3A_1010 : i32
        %parallel_loop3A_1012 = arith.constant 1 : i32
        %parallel_loop3A_1013 = arith.index_cast %parallel_loop3A_1012 : i32 to index
        %parallel_loop3A_1014 = arith.index_cast %parallel_loop3A_1011 : i32 to index
        %parallel_loop3A_1015 = arith.constant 64 : index
        %parallel_loop3A_1016 = tpu.vector_load %arg11[%parallel_loop3A_1013, %parallel_loop3A_1014, %parallel_loop3A_1015] {strides = array<i32>} : memref<2x64x128xf32, #tpu.memory_space<vmem>>, vector<16xf32>,
        tpu.vector_store %arg11[%parallel_loop3A_1013, %parallel_loop3A_1014, %parallel_loop3A_1015], %parallel_loop3A_1009 {strides = array<i32>} : memref<2x64x128xf32, #tpu.memory_space<vmem>>, vector<16xf32>,
        %parallel_loop3A_1017 = arith.constant 16 : i32
        %parallel_loop3A_1018 = arith.addi %parallel_loop3A_853, %parallel_loop3A_1017 : i32
        %parallel_loop3A_1019 = arith.constant 1 : i32
        %parallel_loop3A_1020 = arith.index_cast %parallel_loop3A_1019 : i32 to index
        %parallel_loop3A_1021 = arith.index_cast %parallel_loop3A_1018 : i32 to index
        %parallel_loop3A_1022 = arith.constant 80 : index
        %parallel_loop3A_1023 = tpu.vector_load %arg10[%parallel_loop3A_1020, %parallel_loop3A_1021, %parallel_loop3A_1022] {strides = array<i32>} : memref<2x64x128xf32, #tpu.memory_space<vmem>>, vector<16xf32>,
        %parallel_loop3A_1024 = arith.mulf %parallel_loop3A_1023, %parallel_loop3A_846 : vector<16xf32>
        %parallel_loop3A_1025 = arith.constant 16 : i32
        %parallel_loop3A_1026 = arith.addi %parallel_loop3A_853, %parallel_loop3A_1025 : i32
        %parallel_loop3A_1027 = arith.constant 1 : i32
        %parallel_loop3A_1028 = arith.index_cast %parallel_loop3A_1027 : i32 to index
        %parallel_loop3A_1029 = arith.index_cast %parallel_loop3A_1026 : i32 to index
        %parallel_loop3A_1030 = arith.constant 80 : index
        %parallel_loop3A_1031 = tpu.vector_load %arg11[%parallel_loop3A_1028, %parallel_loop3A_1029, %parallel_loop3A_1030] {strides = array<i32>} : memref<2x64x128xf32, #tpu.memory_space<vmem>>, vector<16xf32>,
        tpu.vector_store %arg11[%parallel_loop3A_1028, %parallel_loop3A_1029, %parallel_loop3A_1030], %parallel_loop3A_1024 {strides = array<i32>} : memref<2x64x128xf32, #tpu.memory_space<vmem>>, vector<16xf32>,
        %parallel_loop3A_1032 = arith.constant 16 : i32
        %parallel_loop3A_1033 = arith.addi %parallel_loop3A_853, %parallel_loop3A_1032 : i32
        %parallel_loop3A_1034 = arith.constant 1 : i32
        %parallel_loop3A_1035 = arith.index_cast %parallel_loop3A_1034 : i32 to index
        %parallel_loop3A_1036 = arith.index_cast %parallel_loop3A_1033 : i32 to index
        %parallel_loop3A_1037 = arith.constant 96 : index
        %parallel_loop3A_1038 = tpu.vector_load %arg10[%parallel_loop3A_1035, %parallel_loop3A_1036, %parallel_loop3A_1037] {strides = array<i32>} : memref<2x64x128xf32, #tpu.memory_space<vmem>>, vector<16xf32>,
        %parallel_loop3A_1039 = arith.mulf %parallel_loop3A_1038, %parallel_loop3A_846 : vector<16xf32>
        %parallel_loop3A_1040 = arith.constant 16 : i32
        %parallel_loop3A_1041 = arith.addi %parallel_loop3A_853, %parallel_loop3A_1040 : i32
        %parallel_loop3A_1042 = arith.constant 1 : i32
        %parallel_loop3A_1043 = arith.index_cast %parallel_loop3A_1042 : i32 to index
        %parallel_loop3A_1044 = arith.index_cast %parallel_loop3A_1041 : i32 to index
        %parallel_loop3A_1045 = arith.constant 96 : index
        %parallel_loop3A_1046 = tpu.vector_load %arg11[%parallel_loop3A_1043, %parallel_loop3A_1044, %parallel_loop3A_1045] {strides = array<i32>} : memref<2x64x128xf32, #tpu.memory_space<vmem>>, vector<16xf32>,
        tpu.vector_store %arg11[%parallel_loop3A_1043, %parallel_loop3A_1044, %parallel_loop3A_1045], %parallel_loop3A_1039 {strides = array<i32>} : memref<2x64x128xf32, #tpu.memory_space<vmem>>, vector<16xf32>,
        %parallel_loop3A_1047 = arith.constant 16 : i32
        %parallel_loop3A_1048 = arith.addi %parallel_loop3A_853, %parallel_loop3A_1047 : i32
        %parallel_loop3A_1049 = arith.constant 1 : i32
        %parallel_loop3A_1050 = arith.index_cast %parallel_loop3A_1049 : i32 to index
        %parallel_loop3A_1051 = arith.index_cast %parallel_loop3A_1048 : i32 to index
        %parallel_loop3A_1052 = arith.constant 112 : index
        %parallel_loop3A_1053 = tpu.vector_load %arg10[%parallel_loop3A_1050, %parallel_loop3A_1051, %parallel_loop3A_1052] {strides = array<i32>} : memref<2x64x128xf32, #tpu.memory_space<vmem>>, vector<16xf32>,
        %parallel_loop3A_1054 = arith.mulf %parallel_loop3A_1053, %parallel_loop3A_846 : vector<16xf32>
        %parallel_loop3A_1055 = arith.constant 16 : i32
        %parallel_loop3A_1056 = arith.addi %parallel_loop3A_853, %parallel_loop3A_1055 : i32
        %parallel_loop3A_1057 = arith.constant 1 : i32
        %parallel_loop3A_1058 = arith.index_cast %parallel_loop3A_1057 : i32 to index
        %parallel_loop3A_1059 = arith.index_cast %parallel_loop3A_1056 : i32 to index
        %parallel_loop3A_1060 = arith.constant 112 : index
        %parallel_loop3A_1061 = tpu.vector_load %arg11[%parallel_loop3A_1058, %parallel_loop3A_1059, %parallel_loop3A_1060] {strides = array<i32>} : memref<2x64x128xf32, #tpu.memory_space<vmem>>, vector<16xf32>,
        tpu.vector_store %arg11[%parallel_loop3A_1058, %parallel_loop3A_1059, %parallel_loop3A_1060], %parallel_loop3A_1054 {strides = array<i32>} : memref<2x64x128xf32, #tpu.memory_space<vmem>>, vector<16xf32>,
      } {sc.loop_unroll_factor = 2 : i64, sc.parallel_access}
      %dma_start3A_814 = arith.constant 1 : i32
      %dma_start3A_815 = arith.constant 1 : i32
      %dma_start3A_816 = arith.constant 0 : i32
      %dma_start3A_817 = arith.constant 0 : i32
      %dma_start3A_818 = tpu.memref_slice %arg11[%dma_start3A_814, %dma_start3A_816, %dma_start3A_817] : memref<2x64x128xf32, #tpu.memory_space<vmem>> -> memref<1x64x128xf32, #tpu.memory_space<vmem>>
      %dma_start3A_819 = tpu.memref_squeeze %dma_start3A_818 : memref<1x64x128xf32, #tpu.memory_space<vmem>> -> memref<64x128xf32, #tpu.memory_space<vmem>>
      %dma_start3A_820 = arith.constant 0 : i32
      %dma_start3A_821 = tpu.memref_slice %arg9[%dma_start3A_815, %dma_start3A_820] : memref<2x64xi32, #tpu.memory_space<vmem>> -> memref<1x64xi32, #tpu.memory_space<vmem>>
      %dma_start3A_822 = tpu.memref_squeeze %dma_start3A_821 : memref<1x64xi32, #tpu.memory_space<vmem>> -> memref<64xi32, #tpu.memory_space<vmem>>
      %dma_start3A_823 = arith.constant 0 : i32
      %dma_start3A_824 = arith.constant 0 : i32
      %dma_start3A_825 = tpu.memref_slice %arg12[%dma_start3A_823, %dma_start3A_824] : memref<10240x128xf32, #tpu.memory_space<vmem_shared>> -> memref<10240x128xf32, #tpu.memory_space<vmem_shared>>
      tpu.enqueue_indirect_dma source(%dma_start3A_819 : memref<64x128xf32, #tpu.memory_space<vmem>>) target(%dma_start3A_825 : memref<10240x128xf32, #tpu.memory_space<vmem_shared>>) offsets(%dma_start3A_822 : memref<64xi32, #tpu.memory_space<vmem>>) semaphore(%arg16 : memref<!tpu.dma_semaphore, #tpu.memory_space<semaphore_mem>>) {add = true}
      %add3A_826 = arith.constant 2 : i32
      %add3A_827 = arith.addi %add3A_743, %add3A_826 : i32
      %lt3A_828 = arith.cmpi slt, %add3A_827, %select_n3A : i32
      %convert_element_type3A_829 = arith.extui %lt3A_828 : i1 to i32
      %cond3A_830 = arith.constant 0 : i32
      %cond3A_831 = arith.cmpi ne, %convert_element_type3A_829, %cond3A_830 : i32
      scf.if %cond3A_831 {
        %add3A_833 = arith.constant 2 : i32
        %add3A_834 = arith.addi %add3A_743, %add3A_833 : i32
        %mul3A_835 = arith.constant 32 : i32
        %mul3A_836 = arith.muli %add3A_834, %mul3A_835 : i32
        %add3A_837 = arith.constant 0 : i32
        %add3A_838 = arith.addi %mul3A_836, %add3A_837 : i32
        %get3A_839 = arith.index_cast %add3A_838 : i32 to index
        %get3A_840 = tpu.vector_load %arg5[%get3A_839] {strides = array<i32>} : memref<5120xi32, #tpu.memory_space<vmem>>, vector<16xi32>,
        %and3A_841 = arith.constant 65535 : i32
        %and3A_842 = vector.broadcast %and3A_841 : i32 to vector<16xi32>
        %and3A_843 = arith.andi %get3A_840, %and3A_842 : vector<16xi32>
        %swap3A_844 = arith.constant 1 : i32
        %swap3A_845 = arith.index_cast %swap3A_844 : i32 to index
        %swap3A_846 = arith.constant 0 : index
        %swap3A_847 = tpu.vector_load %arg8[%swap3A_845, %swap3A_846] {strides = array<i32>} : memref<2x64xi32, #tpu.memory_space<vmem>>, vector<16xi32>,
        tpu.vector_store %arg8[%swap3A_845, %swap3A_846], %and3A_843 {strides = array<i32>} : memref<2x64xi32, #tpu.memory_space<vmem>>, vector<16xi32>,
        %shift_right_arithmetic3A_848 = arith.constant 16 : i32
        %shift_right_arithmetic3A_849 = vector.broadcast %shift_right_arithmetic3A_848 : i32 to vector<16xi32>
        %shift_right_arithmetic3A_850 = arith.shrsi %get3A_840, %shift_right_arithmetic3A_849 : vector<16xi32>
        %swap3A_851 = arith.constant 1 : i32
        %swap3A_852 = arith.index_cast %swap3A_851 : i32 to index
        %swap3A_853 = arith.constant 16 : index
        %swap3A_854 = tpu.vector_load %arg8[%swap3A_852, %swap3A_853] {strides = array<i32>} : memref<2x64xi32, #tpu.memory_space<vmem>>, vector<16xi32>,
        tpu.vector_store %arg8[%swap3A_852, %swap3A_853], %shift_right_arithmetic3A_850 {strides = array<i32>} : memref<2x64xi32, #tpu.memory_space<vmem>>, vector<16xi32>,
        %add3A_855 = arith.constant 16 : i32
        %add3A_856 = arith.addi %mul3A_836, %add3A_855 : i32
        %get3A_857 = arith.index_cast %add3A_856 : i32 to index
        %get3A_858 = tpu.vector_load %arg5[%get3A_857] {strides = array<i32>} : memref<5120xi32, #tpu.memory_space<vmem>>, vector<16xi32>,
        %and3A_859 = arith.constant 65535 : i32
        %and3A_860 = vector.broadcast %and3A_859 : i32 to vector<16xi32>
        %and3A_861 = arith.andi %get3A_858, %and3A_860 : vector<16xi32>
        %swap3A_862 = arith.constant 1 : i32
        %swap3A_863 = arith.index_cast %swap3A_862 : i32 to index
        %swap3A_864 = arith.constant 32 : index
        %swap3A_865 = tpu.vector_load %arg8[%swap3A_863, %swap3A_864] {strides = array<i32>} : memref<2x64xi32, #tpu.memory_space<vmem>>, vector<16xi32>,
        tpu.vector_store %arg8[%swap3A_863, %swap3A_864], %and3A_861 {strides = array<i32>} : memref<2x64xi32, #tpu.memory_space<vmem>>, vector<16xi32>,
        %shift_right_arithmetic3A_866 = arith.constant 16 : i32
        %shift_right_arithmetic3A_867 = vector.broadcast %shift_right_arithmetic3A_866 : i32 to vector<16xi32>
        %shift_right_arithmetic3A_868 = arith.shrsi %get3A_858, %shift_right_arithmetic3A_867 : vector<16xi32>
        %swap3A_869 = arith.constant 1 : i32
        %swap3A_870 = arith.index_cast %swap3A_869 : i32 to index
        %swap3A_871 = arith.constant 48 : index
        %swap3A_872 = tpu.vector_load %arg8[%swap3A_870, %swap3A_871] {strides = array<i32>} : memref<2x64xi32, #tpu.memory_space<vmem>>, vector<16xi32>,
        tpu.vector_store %arg8[%swap3A_870, %swap3A_871], %shift_right_arithmetic3A_868 {strides = array<i32>} : memref<2x64xi32, #tpu.memory_space<vmem>>, vector<16xi32>,
        %dma_start3A_873 = arith.constant 1 : i32
        %dma_start3A_874 = arith.constant 1 : i32
        %dma_start3A_875 = arith.constant 0 : i32
        %dma_start3A_876 = arith.constant 0 : i32
        %dma_start3A_877 = tpu.memref_slice %arg10[%dma_start3A_874, %dma_start3A_875, %dma_start3A_876] : memref<2x64x128xf32, #tpu.memory_space<vmem>> -> memref<1x32x128xf32, #tpu.memory_space<vmem>>
        %dma_start3A_878 = tpu.memref_squeeze %dma_start3A_877 : memref<1x32x128xf32, #tpu.memory_space<vmem>> -> memref<32x128xf32, #tpu.memory_space<vmem>>
        %dma_start3A_879 = arith.constant 0 : i32
        %dma_start3A_880 = tpu.memref_slice %arg8[%dma_start3A_873, %dma_start3A_879] : memref<2x64xi32, #tpu.memory_space<vmem>> -> memref<1x32xi32, #tpu.memory_space<vmem>>
        %dma_start3A_881 = tpu.memref_squeeze %dma_start3A_880 : memref<1x32xi32, #tpu.memory_space<vmem>> -> memref<32xi32, #tpu.memory_space<vmem>>
        %dma_start3A_882 = arith.constant 0 : i32
        %dma_start3A_883 = arith.constant 0 : i32
        %dma_start3A_884 = tpu.memref_slice %arg2[%dma_start3A_882, %dma_start3A_883] : memref<10000x128xf32, #tpu.memory_space<hbm>> -> memref<10000x128xf32, #tpu.memory_space<hbm>>
        tpu.enqueue_indirect_dma source(%dma_start3A_884 : memref<10000x128xf32, #tpu.memory_space<hbm>>) target(%dma_start3A_878 : memref<32x128xf32, #tpu.memory_space<vmem>>) offsets(%dma_start3A_881 : memref<32xi32, #tpu.memory_space<vmem>>) semaphore(%arg14 : memref<!tpu.dma_semaphore, #tpu.memory_space<semaphore_mem>>)
        %dma_start3A_885 = arith.constant 1 : i32
        %dma_start3A_886 = arith.constant 1 : i32
        %dma_start3A_887 = arith.constant 32 : i32
        %dma_start3A_888 = arith.constant 0 : i32
        %dma_start3A_889 = tpu.memref_slice %arg10[%dma_start3A_886, %dma_start3A_887, %dma_start3A_888] : memref<2x64x128xf32, #tpu.memory_space<vmem>> -> memref<1x32x128xf32, #tpu.memory_space<vmem>>
        %dma_start3A_890 = tpu.memref_squeeze %dma_start3A_889 : memref<1x32x128xf32, #tpu.memory_space<vmem>> -> memref<32x128xf32, #tpu.memory_space<vmem>>
        %dma_start3A_891 = arith.constant 32 : i32
        %dma_start3A_892 = tpu.memref_slice %arg8[%dma_start3A_885, %dma_start3A_891] : memref<2x64xi32, #tpu.memory_space<vmem>> -> memref<1x32xi32, #tpu.memory_space<vmem>>
        %dma_start3A_893 = tpu.memref_squeeze %dma_start3A_892 : memref<1x32xi32, #tpu.memory_space<vmem>> -> memref<32xi32, #tpu.memory_space<vmem>>
        %dma_start3A_894 = arith.constant 0 : i32
        %dma_start3A_895 = arith.constant 0 : i32
        %dma_start3A_896 = tpu.memref_slice %arg2[%dma_start3A_894, %dma_start3A_895] : memref<10000x128xf32, #tpu.memory_space<hbm>> -> memref<10000x128xf32, #tpu.memory_space<hbm>>
        tpu.enqueue_indirect_dma source(%dma_start3A_896 : memref<10000x128xf32, #tpu.memory_space<hbm>>) target(%dma_start3A_890 : memref<32x128xf32, #tpu.memory_space<vmem>>) offsets(%dma_start3A_893 : memref<32xi32, #tpu.memory_space<vmem>>) semaphore(%arg14 : memref<!tpu.dma_semaphore, #tpu.memory_space<semaphore_mem>>)
      } else {
      }
      %while3A_832 = arith.constant 0 : i32
      scf.yield %while3A_832 : i32
    }
    %while3A_484 = arith.constant 1 : i32
    %while3A_485 = scf.for %while3A_651 = %while3A_481 to %while3A_477 step %while3A_484 iter_args(%while3A_652 = %while3A_483) -> (i32)  : i32 {
      %mul3A_653 = arith.constant 2 : i32
      %mul3A_654 = arith.muli %mul3A_653, %while3A_651 : i32
      %add3A_655 = arith.constant 0 : i32
      %add3A_656 = arith.addi %mul3A_654, %add3A_655 : i32
      %dma_wait3A_657 = arith.constant 0 : i32
      %dma_wait3A_658 = arith.constant 0 : i32
      %dma_wait3A_659 = arith.constant 0 : i32
      %dma_wait3A_660 = arith.constant 0 : i32
      %dma_wait3A_661 = tpu.memref_slice %arg10[%dma_wait3A_658, %dma_wait3A_659, %dma_wait3A_660] : memref<2x64x128xf32, #tpu.memory_space<vmem>> -> memref<1x32x128xf32, #tpu.memory_space<vmem>>
      %dma_wait3A_662 = tpu.memref_squeeze %dma_wait3A_661 : memref<1x32x128xf32, #tpu.memory_space<vmem>> -> memref<32x128xf32, #tpu.memory_space<vmem>>
      %dma_wait3A_663 = arith.constant 0 : i32
      %dma_wait3A_664 = tpu.memref_slice %arg8[%dma_wait3A_657, %dma_wait3A_663] : memref<2x64xi32, #tpu.memory_space<vmem>> -> memref<1x32xi32, #tpu.memory_space<vmem>>
      %dma_wait3A_665 = tpu.memref_squeeze %dma_wait3A_664 : memref<1x32xi32, #tpu.memory_space<vmem>> -> memref<32xi32, #tpu.memory_space<vmem>>
      %dma_wait3A_666 = arith.constant 0 : i32
      %dma_wait3A_667 = arith.constant 0 : i32
      %dma_wait3A_668 = tpu.memref_slice %arg2[%dma_wait3A_666, %dma_wait3A_667] : memref<10000x128xf32, #tpu.memory_space<hbm>> -> memref<10000x128xf32, #tpu.memory_space<hbm>>
      tpu.wait_indirect_dma semaphore(%arg13 : memref<!tpu.dma_semaphore, #tpu.memory_space<semaphore_mem>>) src(%dma_wait3A_668 : memref<10000x128xf32, #tpu.memory_space<hbm>>) dst(%dma_wait3A_662 : memref<32x128xf32, #tpu.memory_space<vmem>>)
      %dma_wait3A_669 = arith.constant 0 : i32
      %dma_wait3A_670 = arith.constant 0 : i32
      %dma_wait3A_671 = arith.constant 32 : i32
      %dma_wait3A_672 = arith.constant 0 : i32
      %dma_wait3A_673 = tpu.memref_slice %arg10[%dma_wait3A_670, %dma_wait3A_671, %dma_wait3A_672] : memref<2x64x128xf32, #tpu.memory_space<vmem>> -> memref<1x32x128xf32, #tpu.memory_space<vmem>>
      %dma_wait3A_674 = tpu.memref_squeeze %dma_wait3A_673 : memref<1x32x128xf32, #tpu.memory_space<vmem>> -> memref<32x128xf32, #tpu.memory_space<vmem>>
      %dma_wait3A_675 = arith.constant 32 : i32
      %dma_wait3A_676 = tpu.memref_slice %arg8[%dma_wait3A_669, %dma_wait3A_675] : memref<2x64xi32, #tpu.memory_space<vmem>> -> memref<1x32xi32, #tpu.memory_space<vmem>>
      %dma_wait3A_677 = tpu.memref_squeeze %dma_wait3A_676 : memref<1x32xi32, #tpu.memory_space<vmem>> -> memref<32xi32, #tpu.memory_space<vmem>>
      %dma_wait3A_678 = arith.constant 0 : i32
      %dma_wait3A_679 = arith.constant 0 : i32
      %dma_wait3A_680 = tpu.memref_slice %arg2[%dma_wait3A_678, %dma_wait3A_679] : memref<10000x128xf32, #tpu.memory_space<hbm>> -> memref<10000x128xf32, #tpu.memory_space<hbm>>
      tpu.wait_indirect_dma semaphore(%arg13 : memref<!tpu.dma_semaphore, #tpu.memory_space<semaphore_mem>>) src(%dma_wait3A_680 : memref<10000x128xf32, #tpu.memory_space<hbm>>) dst(%dma_wait3A_674 : memref<32x128xf32, #tpu.memory_space<vmem>>)
      %gt3A = arith.constant 1 : i32
      %gt3A_681 = arith.cmpi sgt, %add3A_656, %gt3A : i32
      %convert_element_type3A = arith.extui %gt3A_681 : i1 to i32
      %cond3A = arith.constant 0 : i32
      %cond3A_682 = arith.cmpi ne, %convert_element_type3A, %cond3A : i32
      scf.if %cond3A_682 {
        %dma_wait3A_833 = arith.constant 0 : i32
        %dma_wait3A_834 = arith.constant 0 : i32
        %dma_wait3A_835 = arith.constant 0 : i32
        %dma_wait3A_836 = arith.constant 0 : i32
        %dma_wait3A_837 = tpu.memref_slice %arg11[%dma_wait3A_833, %dma_wait3A_835, %dma_wait3A_836] : memref<2x64x128xf32, #tpu.memory_space<vmem>> -> memref<1x64x128xf32, #tpu.memory_space<vmem>>
        %dma_wait3A_838 = tpu.memref_squeeze %dma_wait3A_837 : memref<1x64x128xf32, #tpu.memory_space<vmem>> -> memref<64x128xf32, #tpu.memory_space<vmem>>
        %dma_wait3A_839 = arith.constant 0 : i32
        %dma_wait3A_840 = tpu.memref_slice %arg9[%dma_wait3A_834, %dma_wait3A_839] : memref<2x64xi32, #tpu.memory_space<vmem>> -> memref<1x64xi32, #tpu.memory_space<vmem>>
        %dma_wait3A_841 = tpu.memref_squeeze %dma_wait3A_840 : memref<1x64xi32, #tpu.memory_space<vmem>> -> memref<64xi32, #tpu.memory_space<vmem>>
        %dma_wait3A_842 = arith.constant 0 : i32
        %dma_wait3A_843 = arith.constant 0 : i32
        %dma_wait3A_844 = tpu.memref_slice %arg12[%dma_wait3A_842, %dma_wait3A_843] : memref<10240x128xf32, #tpu.memory_space<vmem_shared>> -> memref<10240x128xf32, #tpu.memory_space<vmem_shared>>
        tpu.wait_indirect_dma semaphore(%arg15 : memref<!tpu.dma_semaphore, #tpu.memory_space<semaphore_mem>>) src(%dma_wait3A_838 : memref<64x128xf32, #tpu.memory_space<vmem>>) dst(%dma_wait3A_844 : memref<10240x128xf32, #tpu.memory_space<vmem_shared>>)
      } else {
      }
      %mul3A_683 = arith.constant 32 : i32
      %mul3A_684 = arith.muli %add3A_656, %mul3A_683 : i32
      %add3A_685 = arith.constant 0 : i32
      %add3A_686 = arith.addi %mul3A_684, %add3A_685 : i32
      %get3A_687 = arith.index_cast %add3A_686 : i32 to index
      %get3A_688 = tpu.vector_load %arg6[%get3A_687] {strides = array<i32>} : memref<5120xi32, #tpu.memory_space<vmem>>, vector<16xi32>,
      %and3A_689 = arith.constant 65535 : i32
      %and3A_690 = vector.broadcast %and3A_689 : i32 to vector<16xi32>
      %and3A_691 = arith.andi %get3A_688, %and3A_690 : vector<16xi32>
      %swap3A_692 = arith.constant 0 : i32
      %swap3A_693 = arith.index_cast %swap3A_692 : i32 to index
      %swap3A_694 = arith.constant 0 : index
      %swap3A_695 = tpu.vector_load %arg9[%swap3A_693, %swap3A_694] {strides = array<i32>} : memref<2x64xi32, #tpu.memory_space<vmem>>, vector<16xi32>,
      tpu.vector_store %arg9[%swap3A_693, %swap3A_694], %and3A_691 {strides = array<i32>} : memref<2x64xi32, #tpu.memory_space<vmem>>, vector<16xi32>,
      %shift_right_arithmetic3A_696 = arith.constant 16 : i32
      %shift_right_arithmetic3A_697 = vector.broadcast %shift_right_arithmetic3A_696 : i32 to vector<16xi32>
      %shift_right_arithmetic3A_698 = arith.shrsi %get3A_688, %shift_right_arithmetic3A_697 : vector<16xi32>
      %swap3A_699 = arith.constant 0 : i32
      %swap3A_700 = arith.index_cast %swap3A_699 : i32 to index
      %swap3A_701 = arith.constant 16 : index
      %swap3A_702 = tpu.vector_load %arg9[%swap3A_700, %swap3A_701] {strides = array<i32>} : memref<2x64xi32, #tpu.memory_space<vmem>>, vector<16xi32>,
      tpu.vector_store %arg9[%swap3A_700, %swap3A_701], %shift_right_arithmetic3A_698 {strides = array<i32>} : memref<2x64xi32, #tpu.memory_space<vmem>>, vector<16xi32>,
      %add3A_703 = arith.constant 16 : i32
      %add3A_704 = arith.addi %mul3A_684, %add3A_703 : i32
      %get3A_705 = arith.index_cast %add3A_704 : i32 to index
      %get3A_706 = tpu.vector_load %arg6[%get3A_705] {strides = array<i32>} : memref<5120xi32, #tpu.memory_space<vmem>>, vector<16xi32>,
      %and3A_707 = arith.constant 65535 : i32
      %and3A_708 = vector.broadcast %and3A_707 : i32 to vector<16xi32>
      %and3A_709 = arith.andi %get3A_706, %and3A_708 : vector<16xi32>
      %swap3A_710 = arith.constant 0 : i32
      %swap3A_711 = arith.index_cast %swap3A_710 : i32 to index
      %swap3A_712 = arith.constant 32 : index
      %swap3A_713 = tpu.vector_load %arg9[%swap3A_711, %swap3A_712] {strides = array<i32>} : memref<2x64xi32, #tpu.memory_space<vmem>>, vector<16xi32>,
      tpu.vector_store %arg9[%swap3A_711, %swap3A_712], %and3A_709 {strides = array<i32>} : memref<2x64xi32, #tpu.memory_space<vmem>>, vector<16xi32>,
      %shift_right_arithmetic3A_714 = arith.constant 16 : i32
      %shift_right_arithmetic3A_715 = vector.broadcast %shift_right_arithmetic3A_714 : i32 to vector<16xi32>
      %shift_right_arithmetic3A_716 = arith.shrsi %get3A_706, %shift_right_arithmetic3A_715 : vector<16xi32>
      %swap3A_717 = arith.constant 0 : i32
      %swap3A_718 = arith.index_cast %swap3A_717 : i32 to index
      %swap3A_719 = arith.constant 48 : index
      %swap3A_720 = tpu.vector_load %arg9[%swap3A_718, %swap3A_719] {strides = array<i32>} : memref<2x64xi32, #tpu.memory_space<vmem>>, vector<16xi32>,
      tpu.vector_store %arg9[%swap3A_718, %swap3A_719], %shift_right_arithmetic3A_716 {strides = array<i32>} : memref<2x64xi32, #tpu.memory_space<vmem>>, vector<16xi32>,
      %parallel_loop3A = arith.constant 0 : i32
      %parallel_loop3A_721 = arith.constant 32 : i32
      %parallel_loop3A_722 = arith.constant 1 : i32
      scf.for %parallel_loop3A_833 = %parallel_loop3A to %parallel_loop3A_721 step %parallel_loop3A_722  : i32 {
        %parallel_loop3A_834 = arith.constant 32 : i32
        %parallel_loop3A_835 = arith.muli %add3A_656, %parallel_loop3A_834 : i32
        %parallel_loop3A_836 = arith.addi %parallel_loop3A_835, %parallel_loop3A_833 : i32
        %parallel_loop3A_837 = vector.broadcast %parallel_loop3A_836 : i32 to vector<16xi32>
        %parallel_loop3A_838 = tpu.vector_load_idx %arg7[%parallel_loop3A_837] : memref<5120xi32, #tpu.memory_space<vmem>>[vector<16xi32>], vector<16xi32>,
        %parallel_loop3A_839 = arith.constant 16 : i32
        %parallel_loop3A_840 = vector.broadcast %parallel_loop3A_839 : i32 to vector<16xi32>
        %parallel_loop3A_841 = arith.shli %parallel_loop3A_838, %parallel_loop3A_840 : vector<16xi32>
        %parallel_loop3A_842 = vector.bitcast %parallel_loop3A_841 : vector<16xi32> to vector<16xf32>
        %parallel_loop3A_843 = arith.constant -65536 : i32
        %parallel_loop3A_844 = vector.broadcast %parallel_loop3A_843 : i32 to vector<16xi32>
        %parallel_loop3A_845 = arith.andi %parallel_loop3A_838, %parallel_loop3A_844 : vector<16xi32>
        %parallel_loop3A_846 = vector.bitcast %parallel_loop3A_845 : vector<16xi32> to vector<16xf32>
        %parallel_loop3A_847 = arith.constant 4 : i32
        %parallel_loop3A_848 = arith.shrsi %parallel_loop3A_833, %parallel_loop3A_847 : i32
        %parallel_loop3A_849 = arith.constant 5 : i32
        %parallel_loop3A_850 = arith.shli %parallel_loop3A_848, %parallel_loop3A_849 : i32
        %parallel_loop3A_851 = arith.constant 15 : i32
        %parallel_loop3A_852 = arith.andi %parallel_loop3A_833, %parallel_loop3A_851 : i32
        %parallel_loop3A_853 = arith.addi %parallel_loop3A_850, %parallel_loop3A_852 : i32
        %parallel_loop3A_854 = arith.constant 0 : i32
        %parallel_loop3A_855 = arith.index_cast %parallel_loop3A_854 : i32 to index
        %parallel_loop3A_856 = arith.index_cast %parallel_loop3A_853 : i32 to index
        %parallel_loop3A_857 = arith.constant 0 : index
        %parallel_loop3A_858 = tpu.vector_load %arg10[%parallel_loop3A_855, %parallel_loop3A_856, %parallel_loop3A_857] {strides = array<i32>} : memref<2x64x128xf32, #tpu.memory_space<vmem>>, vector<16xf32>,
        %parallel_loop3A_859 = arith.mulf %parallel_loop3A_858, %parallel_loop3A_842 : vector<16xf32>
        %parallel_loop3A_860 = arith.constant 0 : i32
        %parallel_loop3A_861 = arith.index_cast %parallel_loop3A_860 : i32 to index
        %parallel_loop3A_862 = arith.index_cast %parallel_loop3A_853 : i32 to index
        %parallel_loop3A_863 = arith.constant 0 : index
        %parallel_loop3A_864 = tpu.vector_load %arg11[%parallel_loop3A_861, %parallel_loop3A_862, %parallel_loop3A_863] {strides = array<i32>} : memref<2x64x128xf32, #tpu.memory_space<vmem>>, vector<16xf32>,
        tpu.vector_store %arg11[%parallel_loop3A_861, %parallel_loop3A_862, %parallel_loop3A_863], %parallel_loop3A_859 {strides = array<i32>} : memref<2x64x128xf32, #tpu.memory_space<vmem>>, vector<16xf32>,
        %parallel_loop3A_865 = arith.constant 0 : i32
        %parallel_loop3A_866 = arith.index_cast %parallel_loop3A_865 : i32 to index
        %parallel_loop3A_867 = arith.index_cast %parallel_loop3A_853 : i32 to index
        %parallel_loop3A_868 = arith.constant 16 : index
        %parallel_loop3A_869 = tpu.vector_load %arg10[%parallel_loop3A_866, %parallel_loop3A_867, %parallel_loop3A_868] {strides = array<i32>} : memref<2x64x128xf32, #tpu.memory_space<vmem>>, vector<16xf32>,
        %parallel_loop3A_870 = arith.mulf %parallel_loop3A_869, %parallel_loop3A_842 : vector<16xf32>
        %parallel_loop3A_871 = arith.constant 0 : i32
        %parallel_loop3A_872 = arith.index_cast %parallel_loop3A_871 : i32 to index
        %parallel_loop3A_873 = arith.index_cast %parallel_loop3A_853 : i32 to index
        %parallel_loop3A_874 = arith.constant 16 : index
        %parallel_loop3A_875 = tpu.vector_load %arg11[%parallel_loop3A_872, %parallel_loop3A_873, %parallel_loop3A_874] {strides = array<i32>} : memref<2x64x128xf32, #tpu.memory_space<vmem>>, vector<16xf32>,
        tpu.vector_store %arg11[%parallel_loop3A_872, %parallel_loop3A_873, %parallel_loop3A_874], %parallel_loop3A_870 {strides = array<i32>} : memref<2x64x128xf32, #tpu.memory_space<vmem>>, vector<16xf32>,
        %parallel_loop3A_876 = arith.constant 0 : i32
        %parallel_loop3A_877 = arith.index_cast %parallel_loop3A_876 : i32 to index
        %parallel_loop3A_878 = arith.index_cast %parallel_loop3A_853 : i32 to index
        %parallel_loop3A_879 = arith.constant 32 : index
        %parallel_loop3A_880 = tpu.vector_load %arg10[%parallel_loop3A_877, %parallel_loop3A_878, %parallel_loop3A_879] {strides = array<i32>} : memref<2x64x128xf32, #tpu.memory_space<vmem>>, vector<16xf32>,
        %parallel_loop3A_881 = arith.mulf %parallel_loop3A_880, %parallel_loop3A_842 : vector<16xf32>
        %parallel_loop3A_882 = arith.constant 0 : i32
        %parallel_loop3A_883 = arith.index_cast %parallel_loop3A_882 : i32 to index
        %parallel_loop3A_884 = arith.index_cast %parallel_loop3A_853 : i32 to index
        %parallel_loop3A_885 = arith.constant 32 : index
        %parallel_loop3A_886 = tpu.vector_load %arg11[%parallel_loop3A_883, %parallel_loop3A_884, %parallel_loop3A_885] {strides = array<i32>} : memref<2x64x128xf32, #tpu.memory_space<vmem>>, vector<16xf32>,
        tpu.vector_store %arg11[%parallel_loop3A_883, %parallel_loop3A_884, %parallel_loop3A_885], %parallel_loop3A_881 {strides = array<i32>} : memref<2x64x128xf32, #tpu.memory_space<vmem>>, vector<16xf32>,
        %parallel_loop3A_887 = arith.constant 0 : i32
        %parallel_loop3A_888 = arith.index_cast %parallel_loop3A_887 : i32 to index
        %parallel_loop3A_889 = arith.index_cast %parallel_loop3A_853 : i32 to index
        %parallel_loop3A_890 = arith.constant 48 : index
        %parallel_loop3A_891 = tpu.vector_load %arg10[%parallel_loop3A_888, %parallel_loop3A_889, %parallel_loop3A_890] {strides = array<i32>} : memref<2x64x128xf32, #tpu.memory_space<vmem>>, vector<16xf32>,
        %parallel_loop3A_892 = arith.mulf %parallel_loop3A_891, %parallel_loop3A_842 : vector<16xf32>
        %parallel_loop3A_893 = arith.constant 0 : i32
        %parallel_loop3A_894 = arith.index_cast %parallel_loop3A_893 : i32 to index
        %parallel_loop3A_895 = arith.index_cast %parallel_loop3A_853 : i32 to index
        %parallel_loop3A_896 = arith.constant 48 : index
        %parallel_loop3A_897 = tpu.vector_load %arg11[%parallel_loop3A_894, %parallel_loop3A_895, %parallel_loop3A_896] {strides = array<i32>} : memref<2x64x128xf32, #tpu.memory_space<vmem>>, vector<16xf32>,
        tpu.vector_store %arg11[%parallel_loop3A_894, %parallel_loop3A_895, %parallel_loop3A_896], %parallel_loop3A_892 {strides = array<i32>} : memref<2x64x128xf32, #tpu.memory_space<vmem>>, vector<16xf32>,
        %parallel_loop3A_898 = arith.constant 0 : i32
        %parallel_loop3A_899 = arith.index_cast %parallel_loop3A_898 : i32 to index
        %parallel_loop3A_900 = arith.index_cast %parallel_loop3A_853 : i32 to index
        %parallel_loop3A_901 = arith.constant 64 : index
        %parallel_loop3A_902 = tpu.vector_load %arg10[%parallel_loop3A_899, %parallel_loop3A_900, %parallel_loop3A_901] {strides = array<i32>} : memref<2x64x128xf32, #tpu.memory_space<vmem>>, vector<16xf32>,
        %parallel_loop3A_903 = arith.mulf %parallel_loop3A_902, %parallel_loop3A_842 : vector<16xf32>
        %parallel_loop3A_904 = arith.constant 0 : i32
        %parallel_loop3A_905 = arith.index_cast %parallel_loop3A_904 : i32 to index
        %parallel_loop3A_906 = arith.index_cast %parallel_loop3A_853 : i32 to index
        %parallel_loop3A_907 = arith.constant 64 : index
        %parallel_loop3A_908 = tpu.vector_load %arg11[%parallel_loop3A_905, %parallel_loop3A_906, %parallel_loop3A_907] {strides = array<i32>} : memref<2x64x128xf32, #tpu.memory_space<vmem>>, vector<16xf32>,
        tpu.vector_store %arg11[%parallel_loop3A_905, %parallel_loop3A_906, %parallel_loop3A_907], %parallel_loop3A_903 {strides = array<i32>} : memref<2x64x128xf32, #tpu.memory_space<vmem>>, vector<16xf32>,
        %parallel_loop3A_909 = arith.constant 0 : i32
        %parallel_loop3A_910 = arith.index_cast %parallel_loop3A_909 : i32 to index
        %parallel_loop3A_911 = arith.index_cast %parallel_loop3A_853 : i32 to index
        %parallel_loop3A_912 = arith.constant 80 : index
        %parallel_loop3A_913 = tpu.vector_load %arg10[%parallel_loop3A_910, %parallel_loop3A_911, %parallel_loop3A_912] {strides = array<i32>} : memref<2x64x128xf32, #tpu.memory_space<vmem>>, vector<16xf32>,
        %parallel_loop3A_914 = arith.mulf %parallel_loop3A_913, %parallel_loop3A_842 : vector<16xf32>
        %parallel_loop3A_915 = arith.constant 0 : i32
        %parallel_loop3A_916 = arith.index_cast %parallel_loop3A_915 : i32 to index
        %parallel_loop3A_917 = arith.index_cast %parallel_loop3A_853 : i32 to index
        %parallel_loop3A_918 = arith.constant 80 : index
        %parallel_loop3A_919 = tpu.vector_load %arg11[%parallel_loop3A_916, %parallel_loop3A_917, %parallel_loop3A_918] {strides = array<i32>} : memref<2x64x128xf32, #tpu.memory_space<vmem>>, vector<16xf32>,
        tpu.vector_store %arg11[%parallel_loop3A_916, %parallel_loop3A_917, %parallel_loop3A_918], %parallel_loop3A_914 {strides = array<i32>} : memref<2x64x128xf32, #tpu.memory_space<vmem>>, vector<16xf32>,
        %parallel_loop3A_920 = arith.constant 0 : i32
        %parallel_loop3A_921 = arith.index_cast %parallel_loop3A_920 : i32 to index
        %parallel_loop3A_922 = arith.index_cast %parallel_loop3A_853 : i32 to index
        %parallel_loop3A_923 = arith.constant 96 : index
        %parallel_loop3A_924 = tpu.vector_load %arg10[%parallel_loop3A_921, %parallel_loop3A_922, %parallel_loop3A_923] {strides = array<i32>} : memref<2x64x128xf32, #tpu.memory_space<vmem>>, vector<16xf32>,
        %parallel_loop3A_925 = arith.mulf %parallel_loop3A_924, %parallel_loop3A_842 : vector<16xf32>
        %parallel_loop3A_926 = arith.constant 0 : i32
        %parallel_loop3A_927 = arith.index_cast %parallel_loop3A_926 : i32 to index
        %parallel_loop3A_928 = arith.index_cast %parallel_loop3A_853 : i32 to index
        %parallel_loop3A_929 = arith.constant 96 : index
        %parallel_loop3A_930 = tpu.vector_load %arg11[%parallel_loop3A_927, %parallel_loop3A_928, %parallel_loop3A_929] {strides = array<i32>} : memref<2x64x128xf32, #tpu.memory_space<vmem>>, vector<16xf32>,
        tpu.vector_store %arg11[%parallel_loop3A_927, %parallel_loop3A_928, %parallel_loop3A_929], %parallel_loop3A_925 {strides = array<i32>} : memref<2x64x128xf32, #tpu.memory_space<vmem>>, vector<16xf32>,
        %parallel_loop3A_931 = arith.constant 0 : i32
        %parallel_loop3A_932 = arith.index_cast %parallel_loop3A_931 : i32 to index
        %parallel_loop3A_933 = arith.index_cast %parallel_loop3A_853 : i32 to index
        %parallel_loop3A_934 = arith.constant 112 : index
        %parallel_loop3A_935 = tpu.vector_load %arg10[%parallel_loop3A_932, %parallel_loop3A_933, %parallel_loop3A_934] {strides = array<i32>} : memref<2x64x128xf32, #tpu.memory_space<vmem>>, vector<16xf32>,
        %parallel_loop3A_936 = arith.mulf %parallel_loop3A_935, %parallel_loop3A_842 : vector<16xf32>
        %parallel_loop3A_937 = arith.constant 0 : i32
        %parallel_loop3A_938 = arith.index_cast %parallel_loop3A_937 : i32 to index
        %parallel_loop3A_939 = arith.index_cast %parallel_loop3A_853 : i32 to index
        %parallel_loop3A_940 = arith.constant 112 : index
        %parallel_loop3A_941 = tpu.vector_load %arg11[%parallel_loop3A_938, %parallel_loop3A_939, %parallel_loop3A_940] {strides = array<i32>} : memref<2x64x128xf32, #tpu.memory_space<vmem>>, vector<16xf32>,
        tpu.vector_store %arg11[%parallel_loop3A_938, %parallel_loop3A_939, %parallel_loop3A_940], %parallel_loop3A_936 {strides = array<i32>} : memref<2x64x128xf32, #tpu.memory_space<vmem>>, vector<16xf32>,
        %parallel_loop3A_942 = arith.constant 16 : i32
        %parallel_loop3A_943 = arith.addi %parallel_loop3A_853, %parallel_loop3A_942 : i32
        %parallel_loop3A_944 = arith.constant 0 : i32
        %parallel_loop3A_945 = arith.index_cast %parallel_loop3A_944 : i32 to index
        %parallel_loop3A_946 = arith.index_cast %parallel_loop3A_943 : i32 to index
        %parallel_loop3A_947 = arith.constant 0 : index
        %parallel_loop3A_948 = tpu.vector_load %arg10[%parallel_loop3A_945, %parallel_loop3A_946, %parallel_loop3A_947] {strides = array<i32>} : memref<2x64x128xf32, #tpu.memory_space<vmem>>, vector<16xf32>,
        %parallel_loop3A_949 = arith.mulf %parallel_loop3A_948, %parallel_loop3A_846 : vector<16xf32>
        %parallel_loop3A_950 = arith.constant 16 : i32
        %parallel_loop3A_951 = arith.addi %parallel_loop3A_853, %parallel_loop3A_950 : i32
        %parallel_loop3A_952 = arith.constant 0 : i32
        %parallel_loop3A_953 = arith.index_cast %parallel_loop3A_952 : i32 to index
        %parallel_loop3A_954 = arith.index_cast %parallel_loop3A_951 : i32 to index
        %parallel_loop3A_955 = arith.constant 0 : index
        %parallel_loop3A_956 = tpu.vector_load %arg11[%parallel_loop3A_953, %parallel_loop3A_954, %parallel_loop3A_955] {strides = array<i32>} : memref<2x64x128xf32, #tpu.memory_space<vmem>>, vector<16xf32>,
        tpu.vector_store %arg11[%parallel_loop3A_953, %parallel_loop3A_954, %parallel_loop3A_955], %parallel_loop3A_949 {strides = array<i32>} : memref<2x64x128xf32, #tpu.memory_space<vmem>>, vector<16xf32>,
        %parallel_loop3A_957 = arith.constant 16 : i32
        %parallel_loop3A_958 = arith.addi %parallel_loop3A_853, %parallel_loop3A_957 : i32
        %parallel_loop3A_959 = arith.constant 0 : i32
        %parallel_loop3A_960 = arith.index_cast %parallel_loop3A_959 : i32 to index
        %parallel_loop3A_961 = arith.index_cast %parallel_loop3A_958 : i32 to index
        %parallel_loop3A_962 = arith.constant 16 : index
        %parallel_loop3A_963 = tpu.vector_load %arg10[%parallel_loop3A_960, %parallel_loop3A_961, %parallel_loop3A_962] {strides = array<i32>} : memref<2x64x128xf32, #tpu.memory_space<vmem>>, vector<16xf32>,
        %parallel_loop3A_964 = arith.mulf %parallel_loop3A_963, %parallel_loop3A_846 : vector<16xf32>
        %parallel_loop3A_965 = arith.constant 16 : i32
        %parallel_loop3A_966 = arith.addi %parallel_loop3A_853, %parallel_loop3A_965 : i32
        %parallel_loop3A_967 = arith.constant 0 : i32
        %parallel_loop3A_968 = arith.index_cast %parallel_loop3A_967 : i32 to index
        %parallel_loop3A_969 = arith.index_cast %parallel_loop3A_966 : i32 to index
        %parallel_loop3A_970 = arith.constant 16 : index
        %parallel_loop3A_971 = tpu.vector_load %arg11[%parallel_loop3A_968, %parallel_loop3A_969, %parallel_loop3A_970] {strides = array<i32>} : memref<2x64x128xf32, #tpu.memory_space<vmem>>, vector<16xf32>,
        tpu.vector_store %arg11[%parallel_loop3A_968, %parallel_loop3A_969, %parallel_loop3A_970], %parallel_loop3A_964 {strides = array<i32>} : memref<2x64x128xf32, #tpu.memory_space<vmem>>, vector<16xf32>,
        %parallel_loop3A_972 = arith.constant 16 : i32
        %parallel_loop3A_973 = arith.addi %parallel_loop3A_853, %parallel_loop3A_972 : i32
        %parallel_loop3A_974 = arith.constant 0 : i32
        %parallel_loop3A_975 = arith.index_cast %parallel_loop3A_974 : i32 to index
        %parallel_loop3A_976 = arith.index_cast %parallel_loop3A_973 : i32 to index
        %parallel_loop3A_977 = arith.constant 32 : index
        %parallel_loop3A_978 = tpu.vector_load %arg10[%parallel_loop3A_975, %parallel_loop3A_976, %parallel_loop3A_977] {strides = array<i32>} : memref<2x64x128xf32, #tpu.memory_space<vmem>>, vector<16xf32>,
        %parallel_loop3A_979 = arith.mulf %parallel_loop3A_978, %parallel_loop3A_846 : vector<16xf32>
        %parallel_loop3A_980 = arith.constant 16 : i32
        %parallel_loop3A_981 = arith.addi %parallel_loop3A_853, %parallel_loop3A_980 : i32
        %parallel_loop3A_982 = arith.constant 0 : i32
        %parallel_loop3A_983 = arith.index_cast %parallel_loop3A_982 : i32 to index
        %parallel_loop3A_984 = arith.index_cast %parallel_loop3A_981 : i32 to index
        %parallel_loop3A_985 = arith.constant 32 : index
        %parallel_loop3A_986 = tpu.vector_load %arg11[%parallel_loop3A_983, %parallel_loop3A_984, %parallel_loop3A_985] {strides = array<i32>} : memref<2x64x128xf32, #tpu.memory_space<vmem>>, vector<16xf32>,
        tpu.vector_store %arg11[%parallel_loop3A_983, %parallel_loop3A_984, %parallel_loop3A_985], %parallel_loop3A_979 {strides = array<i32>} : memref<2x64x128xf32, #tpu.memory_space<vmem>>, vector<16xf32>,
        %parallel_loop3A_987 = arith.constant 16 : i32
        %parallel_loop3A_988 = arith.addi %parallel_loop3A_853, %parallel_loop3A_987 : i32
        %parallel_loop3A_989 = arith.constant 0 : i32
        %parallel_loop3A_990 = arith.index_cast %parallel_loop3A_989 : i32 to index
        %parallel_loop3A_991 = arith.index_cast %parallel_loop3A_988 : i32 to index
        %parallel_loop3A_992 = arith.constant 48 : index
        %parallel_loop3A_993 = tpu.vector_load %arg10[%parallel_loop3A_990, %parallel_loop3A_991, %parallel_loop3A_992] {strides = array<i32>} : memref<2x64x128xf32, #tpu.memory_space<vmem>>, vector<16xf32>,
        %parallel_loop3A_994 = arith.mulf %parallel_loop3A_993, %parallel_loop3A_846 : vector<16xf32>
        %parallel_loop3A_995 = arith.constant 16 : i32
        %parallel_loop3A_996 = arith.addi %parallel_loop3A_853, %parallel_loop3A_995 : i32
        %parallel_loop3A_997 = arith.constant 0 : i32
        %parallel_loop3A_998 = arith.index_cast %parallel_loop3A_997 : i32 to index
        %parallel_loop3A_999 = arith.index_cast %parallel_loop3A_996 : i32 to index
        %parallel_loop3A_1000 = arith.constant 48 : index
        %parallel_loop3A_1001 = tpu.vector_load %arg11[%parallel_loop3A_998, %parallel_loop3A_999, %parallel_loop3A_1000] {strides = array<i32>} : memref<2x64x128xf32, #tpu.memory_space<vmem>>, vector<16xf32>,
        tpu.vector_store %arg11[%parallel_loop3A_998, %parallel_loop3A_999, %parallel_loop3A_1000], %parallel_loop3A_994 {strides = array<i32>} : memref<2x64x128xf32, #tpu.memory_space<vmem>>, vector<16xf32>,
        %parallel_loop3A_1002 = arith.constant 16 : i32
        %parallel_loop3A_1003 = arith.addi %parallel_loop3A_853, %parallel_loop3A_1002 : i32
        %parallel_loop3A_1004 = arith.constant 0 : i32
        %parallel_loop3A_1005 = arith.index_cast %parallel_loop3A_1004 : i32 to index
        %parallel_loop3A_1006 = arith.index_cast %parallel_loop3A_1003 : i32 to index
        %parallel_loop3A_1007 = arith.constant 64 : index
        %parallel_loop3A_1008 = tpu.vector_load %arg10[%parallel_loop3A_1005, %parallel_loop3A_1006, %parallel_loop3A_1007] {strides = array<i32>} : memref<2x64x128xf32, #tpu.memory_space<vmem>>, vector<16xf32>,
        %parallel_loop3A_1009 = arith.mulf %parallel_loop3A_1008, %parallel_loop3A_846 : vector<16xf32>
        %parallel_loop3A_1010 = arith.constant 16 : i32
        %parallel_loop3A_1011 = arith.addi %parallel_loop3A_853, %parallel_loop3A_1010 : i32
        %parallel_loop3A_1012 = arith.constant 0 : i32
        %parallel_loop3A_1013 = arith.index_cast %parallel_loop3A_1012 : i32 to index
        %parallel_loop3A_1014 = arith.index_cast %parallel_loop3A_1011 : i32 to index
        %parallel_loop3A_1015 = arith.constant 64 : index
        %parallel_loop3A_1016 = tpu.vector_load %arg11[%parallel_loop3A_1013, %parallel_loop3A_1014, %parallel_loop3A_1015] {strides = array<i32>} : memref<2x64x128xf32, #tpu.memory_space<vmem>>, vector<16xf32>,
        tpu.vector_store %arg11[%parallel_loop3A_1013, %parallel_loop3A_1014, %parallel_loop3A_1015], %parallel_loop3A_1009 {strides = array<i32>} : memref<2x64x128xf32, #tpu.memory_space<vmem>>, vector<16xf32>,
        %parallel_loop3A_1017 = arith.constant 16 : i32
        %parallel_loop3A_1018 = arith.addi %parallel_loop3A_853, %parallel_loop3A_1017 : i32
        %parallel_loop3A_1019 = arith.constant 0 : i32
        %parallel_loop3A_1020 = arith.index_cast %parallel_loop3A_1019 : i32 to index
        %parallel_loop3A_1021 = arith.index_cast %parallel_loop3A_1018 : i32 to index
        %parallel_loop3A_1022 = arith.constant 80 : index
        %parallel_loop3A_1023 = tpu.vector_load %arg10[%parallel_loop3A_1020, %parallel_loop3A_1021, %parallel_loop3A_1022] {strides = array<i32>} : memref<2x64x128xf32, #tpu.memory_space<vmem>>, vector<16xf32>,
        %parallel_loop3A_1024 = arith.mulf %parallel_loop3A_1023, %parallel_loop3A_846 : vector<16xf32>
        %parallel_loop3A_1025 = arith.constant 16 : i32
        %parallel_loop3A_1026 = arith.addi %parallel_loop3A_853, %parallel_loop3A_1025 : i32
        %parallel_loop3A_1027 = arith.constant 0 : i32
        %parallel_loop3A_1028 = arith.index_cast %parallel_loop3A_1027 : i32 to index
        %parallel_loop3A_1029 = arith.index_cast %parallel_loop3A_1026 : i32 to index
        %parallel_loop3A_1030 = arith.constant 80 : index
        %parallel_loop3A_1031 = tpu.vector_load %arg11[%parallel_loop3A_1028, %parallel_loop3A_1029, %parallel_loop3A_1030] {strides = array<i32>} : memref<2x64x128xf32, #tpu.memory_space<vmem>>, vector<16xf32>,
        tpu.vector_store %arg11[%parallel_loop3A_1028, %parallel_loop3A_1029, %parallel_loop3A_1030], %parallel_loop3A_1024 {strides = array<i32>} : memref<2x64x128xf32, #tpu.memory_space<vmem>>, vector<16xf32>,
        %parallel_loop3A_1032 = arith.constant 16 : i32
        %parallel_loop3A_1033 = arith.addi %parallel_loop3A_853, %parallel_loop3A_1032 : i32
        %parallel_loop3A_1034 = arith.constant 0 : i32
        %parallel_loop3A_1035 = arith.index_cast %parallel_loop3A_1034 : i32 to index
        %parallel_loop3A_1036 = arith.index_cast %parallel_loop3A_1033 : i32 to index
        %parallel_loop3A_1037 = arith.constant 96 : index
        %parallel_loop3A_1038 = tpu.vector_load %arg10[%parallel_loop3A_1035, %parallel_loop3A_1036, %parallel_loop3A_1037] {strides = array<i32>} : memref<2x64x128xf32, #tpu.memory_space<vmem>>, vector<16xf32>,
        %parallel_loop3A_1039 = arith.mulf %parallel_loop3A_1038, %parallel_loop3A_846 : vector<16xf32>
        %parallel_loop3A_1040 = arith.constant 16 : i32
        %parallel_loop3A_1041 = arith.addi %parallel_loop3A_853, %parallel_loop3A_1040 : i32
        %parallel_loop3A_1042 = arith.constant 0 : i32
        %parallel_loop3A_1043 = arith.index_cast %parallel_loop3A_1042 : i32 to index
        %parallel_loop3A_1044 = arith.index_cast %parallel_loop3A_1041 : i32 to index
        %parallel_loop3A_1045 = arith.constant 96 : index
        %parallel_loop3A_1046 = tpu.vector_load %arg11[%parallel_loop3A_1043, %parallel_loop3A_1044, %parallel_loop3A_1045] {strides = array<i32>} : memref<2x64x128xf32, #tpu.memory_space<vmem>>, vector<16xf32>,
        tpu.vector_store %arg11[%parallel_loop3A_1043, %parallel_loop3A_1044, %parallel_loop3A_1045], %parallel_loop3A_1039 {strides = array<i32>} : memref<2x64x128xf32, #tpu.memory_space<vmem>>, vector<16xf32>,
        %parallel_loop3A_1047 = arith.constant 16 : i32
        %parallel_loop3A_1048 = arith.addi %parallel_loop3A_853, %parallel_loop3A_1047 : i32
        %parallel_loop3A_1049 = arith.constant 0 : i32
        %parallel_loop3A_1050 = arith.index_cast %parallel_loop3A_1049 : i32 to index
        %parallel_loop3A_1051 = arith.index_cast %parallel_loop3A_1048 : i32 to index
        %parallel_loop3A_1052 = arith.constant 112 : index
        %parallel_loop3A_1053 = tpu.vector_load %arg10[%parallel_loop3A_1050, %parallel_loop3A_1051, %parallel_loop3A_1052] {strides = array<i32>} : memref<2x64x128xf32, #tpu.memory_space<vmem>>, vector<16xf32>,
        %parallel_loop3A_1054 = arith.mulf %parallel_loop3A_1053, %parallel_loop3A_846 : vector<16xf32>
        %parallel_loop3A_1055 = arith.constant 16 : i32
        %parallel_loop3A_1056 = arith.addi %parallel_loop3A_853, %parallel_loop3A_1055 : i32
        %parallel_loop3A_1057 = arith.constant 0 : i32
        %parallel_loop3A_1058 = arith.index_cast %parallel_loop3A_1057 : i32 to index
        %parallel_loop3A_1059 = arith.index_cast %parallel_loop3A_1056 : i32 to index
        %parallel_loop3A_1060 = arith.constant 112 : index
        %parallel_loop3A_1061 = tpu.vector_load %arg11[%parallel_loop3A_1058, %parallel_loop3A_1059, %parallel_loop3A_1060] {strides = array<i32>} : memref<2x64x128xf32, #tpu.memory_space<vmem>>, vector<16xf32>,
        tpu.vector_store %arg11[%parallel_loop3A_1058, %parallel_loop3A_1059, %parallel_loop3A_1060], %parallel_loop3A_1054 {strides = array<i32>} : memref<2x64x128xf32, #tpu.memory_space<vmem>>, vector<16xf32>,
      } {sc.loop_unroll_factor = 2 : i64, sc.parallel_access}
      %dma_start3A_723 = arith.constant 0 : i32
      %dma_start3A_724 = arith.constant 0 : i32
      %dma_start3A_725 = arith.constant 0 : i32
      %dma_start3A_726 = arith.constant 0 : i32
      %dma_start3A_727 = tpu.memref_slice %arg11[%dma_start3A_723, %dma_start3A_725, %dma_start3A_726] : memref<2x64x128xf32, #tpu.memory_space<vmem>> -> memref<1x64x128xf32, #tpu.memory_space<vmem>>
      %dma_start3A_728 = tpu.memref_squeeze %dma_start3A_727 : memref<1x64x128xf32, #tpu.memory_space<vmem>> -> memref<64x128xf32, #tpu.memory_space<vmem>>
      %dma_start3A_729 = arith.constant 0 : i32
      %dma_start3A_730 = tpu.memref_slice %arg9[%dma_start3A_724, %dma_start3A_729] : memref<2x64xi32, #tpu.memory_space<vmem>> -> memref<1x64xi32, #tpu.memory_space<vmem>>
      %dma_start3A_731 = tpu.memref_squeeze %dma_start3A_730 : memref<1x64xi32, #tpu.memory_space<vmem>> -> memref<64xi32, #tpu.memory_space<vmem>>
      %dma_start3A_732 = arith.constant 0 : i32
      %dma_start3A_733 = arith.constant 0 : i32
      %dma_start3A_734 = tpu.memref_slice %arg12[%dma_start3A_732, %dma_start3A_733] : memref<10240x128xf32, #tpu.memory_space<vmem_shared>> -> memref<10240x128xf32, #tpu.memory_space<vmem_shared>>
      tpu.enqueue_indirect_dma source(%dma_start3A_728 : memref<64x128xf32, #tpu.memory_space<vmem>>) target(%dma_start3A_734 : memref<10240x128xf32, #tpu.memory_space<vmem_shared>>) offsets(%dma_start3A_731 : memref<64xi32, #tpu.memory_space<vmem>>) semaphore(%arg15 : memref<!tpu.dma_semaphore, #tpu.memory_space<semaphore_mem>>) {add = true}
      %add3A_735 = arith.constant 2 : i32
      %add3A_736 = arith.addi %add3A_656, %add3A_735 : i32
      %lt3A = arith.cmpi slt, %add3A_736, %select_n3A : i32
      %convert_element_type3A_737 = arith.extui %lt3A : i1 to i32
      %cond3A_738 = arith.constant 0 : i32
      %cond3A_739 = arith.cmpi ne, %convert_element_type3A_737, %cond3A_738 : i32
      scf.if %cond3A_739 {
        %add3A_833 = arith.constant 2 : i32
        %add3A_834 = arith.addi %add3A_656, %add3A_833 : i32
        %mul3A_835 = arith.constant 32 : i32
        %mul3A_836 = arith.muli %add3A_834, %mul3A_835 : i32
        %add3A_837 = arith.constant 0 : i32
        %add3A_838 = arith.addi %mul3A_836, %add3A_837 : i32
        %get3A_839 = arith.index_cast %add3A_838 : i32 to index
        %get3A_840 = tpu.vector_load %arg5[%get3A_839] {strides = array<i32>} : memref<5120xi32, #tpu.memory_space<vmem>>, vector<16xi32>,
        %and3A_841 = arith.constant 65535 : i32
        %and3A_842 = vector.broadcast %and3A_841 : i32 to vector<16xi32>
        %and3A_843 = arith.andi %get3A_840, %and3A_842 : vector<16xi32>
        %swap3A_844 = arith.constant 0 : i32
        %swap3A_845 = arith.index_cast %swap3A_844 : i32 to index
        %swap3A_846 = arith.constant 0 : index
        %swap3A_847 = tpu.vector_load %arg8[%swap3A_845, %swap3A_846] {strides = array<i32>} : memref<2x64xi32, #tpu.memory_space<vmem>>, vector<16xi32>,
        tpu.vector_store %arg8[%swap3A_845, %swap3A_846], %and3A_843 {strides = array<i32>} : memref<2x64xi32, #tpu.memory_space<vmem>>, vector<16xi32>,
        %shift_right_arithmetic3A_848 = arith.constant 16 : i32
        %shift_right_arithmetic3A_849 = vector.broadcast %shift_right_arithmetic3A_848 : i32 to vector<16xi32>
        %shift_right_arithmetic3A_850 = arith.shrsi %get3A_840, %shift_right_arithmetic3A_849 : vector<16xi32>
        %swap3A_851 = arith.constant 0 : i32
        %swap3A_852 = arith.index_cast %swap3A_851 : i32 to index
        %swap3A_853 = arith.constant 16 : index
        %swap3A_854 = tpu.vector_load %arg8[%swap3A_852, %swap3A_853] {strides = array<i32>} : memref<2x64xi32, #tpu.memory_space<vmem>>, vector<16xi32>,
        tpu.vector_store %arg8[%swap3A_852, %swap3A_853], %shift_right_arithmetic3A_850 {strides = array<i32>} : memref<2x64xi32, #tpu.memory_space<vmem>>, vector<16xi32>,
        %add3A_855 = arith.constant 16 : i32
        %add3A_856 = arith.addi %mul3A_836, %add3A_855 : i32
        %get3A_857 = arith.index_cast %add3A_856 : i32 to index
        %get3A_858 = tpu.vector_load %arg5[%get3A_857] {strides = array<i32>} : memref<5120xi32, #tpu.memory_space<vmem>>, vector<16xi32>,
        %and3A_859 = arith.constant 65535 : i32
        %and3A_860 = vector.broadcast %and3A_859 : i32 to vector<16xi32>
        %and3A_861 = arith.andi %get3A_858, %and3A_860 : vector<16xi32>
        %swap3A_862 = arith.constant 0 : i32
        %swap3A_863 = arith.index_cast %swap3A_862 : i32 to index
        %swap3A_864 = arith.constant 32 : index
        %swap3A_865 = tpu.vector_load %arg8[%swap3A_863, %swap3A_864] {strides = array<i32>} : memref<2x64xi32, #tpu.memory_space<vmem>>, vector<16xi32>,
        tpu.vector_store %arg8[%swap3A_863, %swap3A_864], %and3A_861 {strides = array<i32>} : memref<2x64xi32, #tpu.memory_space<vmem>>, vector<16xi32>,
        %shift_right_arithmetic3A_866 = arith.constant 16 : i32
        %shift_right_arithmetic3A_867 = vector.broadcast %shift_right_arithmetic3A_866 : i32 to vector<16xi32>
        %shift_right_arithmetic3A_868 = arith.shrsi %get3A_858, %shift_right_arithmetic3A_867 : vector<16xi32>
        %swap3A_869 = arith.constant 0 : i32
        %swap3A_870 = arith.index_cast %swap3A_869 : i32 to index
        %swap3A_871 = arith.constant 48 : index
        %swap3A_872 = tpu.vector_load %arg8[%swap3A_870, %swap3A_871] {strides = array<i32>} : memref<2x64xi32, #tpu.memory_space<vmem>>, vector<16xi32>,
        tpu.vector_store %arg8[%swap3A_870, %swap3A_871], %shift_right_arithmetic3A_868 {strides = array<i32>} : memref<2x64xi32, #tpu.memory_space<vmem>>, vector<16xi32>,
        %dma_start3A_873 = arith.constant 0 : i32
        %dma_start3A_874 = arith.constant 0 : i32
        %dma_start3A_875 = arith.constant 0 : i32
        %dma_start3A_876 = arith.constant 0 : i32
        %dma_start3A_877 = tpu.memref_slice %arg10[%dma_start3A_874, %dma_start3A_875, %dma_start3A_876] : memref<2x64x128xf32, #tpu.memory_space<vmem>> -> memref<1x32x128xf32, #tpu.memory_space<vmem>>
        %dma_start3A_878 = tpu.memref_squeeze %dma_start3A_877 : memref<1x32x128xf32, #tpu.memory_space<vmem>> -> memref<32x128xf32, #tpu.memory_space<vmem>>
        %dma_start3A_879 = arith.constant 0 : i32
        %dma_start3A_880 = tpu.memref_slice %arg8[%dma_start3A_873, %dma_start3A_879] : memref<2x64xi32, #tpu.memory_space<vmem>> -> memref<1x32xi32, #tpu.memory_space<vmem>>
        %dma_start3A_881 = tpu.memref_squeeze %dma_start3A_880 : memref<1x32xi32, #tpu.memory_space<vmem>> -> memref<32xi32, #tpu.memory_space<vmem>>
        %dma_start3A_882 = arith.constant 0 : i32
        %dma_start3A_883 = arith.constant 0 : i32
        %dma_start3A_884 = tpu.memref_slice %arg2[%dma_start3A_882, %dma_start3A_883] : memref<10000x128xf32, #tpu.memory_space<hbm>> -> memref<10000x128xf32, #tpu.memory_space<hbm>>
        tpu.enqueue_indirect_dma source(%dma_start3A_884 : memref<10000x128xf32, #tpu.memory_space<hbm>>) target(%dma_start3A_878 : memref<32x128xf32, #tpu.memory_space<vmem>>) offsets(%dma_start3A_881 : memref<32xi32, #tpu.memory_space<vmem>>) semaphore(%arg13 : memref<!tpu.dma_semaphore, #tpu.memory_space<semaphore_mem>>)
        %dma_start3A_885 = arith.constant 0 : i32
        %dma_start3A_886 = arith.constant 0 : i32
        %dma_start3A_887 = arith.constant 32 : i32
        %dma_start3A_888 = arith.constant 0 : i32
        %dma_start3A_889 = tpu.memref_slice %arg10[%dma_start3A_886, %dma_start3A_887, %dma_start3A_888] : memref<2x64x128xf32, #tpu.memory_space<vmem>> -> memref<1x32x128xf32, #tpu.memory_space<vmem>>
        %dma_start3A_890 = tpu.memref_squeeze %dma_start3A_889 : memref<1x32x128xf32, #tpu.memory_space<vmem>> -> memref<32x128xf32, #tpu.memory_space<vmem>>
        %dma_start3A_891 = arith.constant 32 : i32
        %dma_start3A_892 = tpu.memref_slice %arg8[%dma_start3A_885, %dma_start3A_891] : memref<2x64xi32, #tpu.memory_space<vmem>> -> memref<1x32xi32, #tpu.memory_space<vmem>>
        %dma_start3A_893 = tpu.memref_squeeze %dma_start3A_892 : memref<1x32xi32, #tpu.memory_space<vmem>> -> memref<32xi32, #tpu.memory_space<vmem>>
        %dma_start3A_894 = arith.constant 0 : i32
        %dma_start3A_895 = arith.constant 0 : i32
        %dma_start3A_896 = tpu.memref_slice %arg2[%dma_start3A_894, %dma_start3A_895] : memref<10000x128xf32, #tpu.memory_space<hbm>> -> memref<10000x128xf32, #tpu.memory_space<hbm>>
        tpu.enqueue_indirect_dma source(%dma_start3A_896 : memref<10000x128xf32, #tpu.memory_space<hbm>>) target(%dma_start3A_890 : memref<32x128xf32, #tpu.memory_space<vmem>>) offsets(%dma_start3A_893 : memref<32xi32, #tpu.memory_space<vmem>>) semaphore(%arg13 : memref<!tpu.dma_semaphore, #tpu.memory_space<semaphore_mem>>)
      } else {
      }
      %mul3A_740 = arith.constant 2 : i32
      %mul3A_741 = arith.muli %mul3A_740, %while3A_651 : i32
      %add3A_742 = arith.constant 1 : i32
      %add3A_743 = arith.addi %mul3A_741, %add3A_742 : i32
      %dma_wait3A_744 = arith.constant 1 : i32
      %dma_wait3A_745 = arith.constant 1 : i32
      %dma_wait3A_746 = arith.constant 0 : i32
      %dma_wait3A_747 = arith.constant 0 : i32
      %dma_wait3A_748 = tpu.memref_slice %arg10[%dma_wait3A_745, %dma_wait3A_746, %dma_wait3A_747] : memref<2x64x128xf32, #tpu.memory_space<vmem>> -> memref<1x32x128xf32, #tpu.memory_space<vmem>>
      %dma_wait3A_749 = tpu.memref_squeeze %dma_wait3A_748 : memref<1x32x128xf32, #tpu.memory_space<vmem>> -> memref<32x128xf32, #tpu.memory_space<vmem>>
      %dma_wait3A_750 = arith.constant 0 : i32
      %dma_wait3A_751 = tpu.memref_slice %arg8[%dma_wait3A_744, %dma_wait3A_750] : memref<2x64xi32, #tpu.memory_space<vmem>> -> memref<1x32xi32, #tpu.memory_space<vmem>>
      %dma_wait3A_752 = tpu.memref_squeeze %dma_wait3A_751 : memref<1x32xi32, #tpu.memory_space<vmem>> -> memref<32xi32, #tpu.memory_space<vmem>>
      %dma_wait3A_753 = arith.constant 0 : i32
      %dma_wait3A_754 = arith.constant 0 : i32
      %dma_wait3A_755 = tpu.memref_slice %arg2[%dma_wait3A_753, %dma_wait3A_754] : memref<10000x128xf32, #tpu.memory_space<hbm>> -> memref<10000x128xf32, #tpu.memory_space<hbm>>
      tpu.wait_indirect_dma semaphore(%arg14 : memref<!tpu.dma_semaphore, #tpu.memory_space<semaphore_mem>>) src(%dma_wait3A_755 : memref<10000x128xf32, #tpu.memory_space<hbm>>) dst(%dma_wait3A_749 : memref<32x128xf32, #tpu.memory_space<vmem>>)
      %dma_wait3A_756 = arith.constant 1 : i32
      %dma_wait3A_757 = arith.constant 1 : i32
      %dma_wait3A_758 = arith.constant 32 : i32
      %dma_wait3A_759 = arith.constant 0 : i32
      %dma_wait3A_760 = tpu.memref_slice %arg10[%dma_wait3A_757, %dma_wait3A_758, %dma_wait3A_759] : memref<2x64x128xf32, #tpu.memory_space<vmem>> -> memref<1x32x128xf32, #tpu.memory_space<vmem>>
      %dma_wait3A_761 = tpu.memref_squeeze %dma_wait3A_760 : memref<1x32x128xf32, #tpu.memory_space<vmem>> -> memref<32x128xf32, #tpu.memory_space<vmem>>
      %dma_wait3A_762 = arith.constant 32 : i32
      %dma_wait3A_763 = tpu.memref_slice %arg8[%dma_wait3A_756, %dma_wait3A_762] : memref<2x64xi32, #tpu.memory_space<vmem>> -> memref<1x32xi32, #tpu.memory_space<vmem>>
      %dma_wait3A_764 = tpu.memref_squeeze %dma_wait3A_763 : memref<1x32xi32, #tpu.memory_space<vmem>> -> memref<32xi32, #tpu.memory_space<vmem>>
      %dma_wait3A_765 = arith.constant 0 : i32
      %dma_wait3A_766 = arith.constant 0 : i32
      %dma_wait3A_767 = tpu.memref_slice %arg2[%dma_wait3A_765, %dma_wait3A_766] : memref<10000x128xf32, #tpu.memory_space<hbm>> -> memref<10000x128xf32, #tpu.memory_space<hbm>>
      tpu.wait_indirect_dma semaphore(%arg14 : memref<!tpu.dma_semaphore, #tpu.memory_space<semaphore_mem>>) src(%dma_wait3A_767 : memref<10000x128xf32, #tpu.memory_space<hbm>>) dst(%dma_wait3A_761 : memref<32x128xf32, #tpu.memory_space<vmem>>)
      %gt3A_768 = arith.constant 1 : i32
      %gt3A_769 = arith.cmpi sgt, %add3A_743, %gt3A_768 : i32
      %convert_element_type3A_770 = arith.extui %gt3A_769 : i1 to i32
      %cond3A_771 = arith.constant 0 : i32
      %cond3A_772 = arith.cmpi ne, %convert_element_type3A_770, %cond3A_771 : i32
      scf.if %cond3A_772 {
        %dma_wait3A_833 = arith.constant 1 : i32
        %dma_wait3A_834 = arith.constant 1 : i32
        %dma_wait3A_835 = arith.constant 0 : i32
        %dma_wait3A_836 = arith.constant 0 : i32
        %dma_wait3A_837 = tpu.memref_slice %arg11[%dma_wait3A_833, %dma_wait3A_835, %dma_wait3A_836] : memref<2x64x128xf32, #tpu.memory_space<vmem>> -> memref<1x64x128xf32, #tpu.memory_space<vmem>>
        %dma_wait3A_838 = tpu.memref_squeeze %dma_wait3A_837 : memref<1x64x128xf32, #tpu.memory_space<vmem>> -> memref<64x128xf32, #tpu.memory_space<vmem>>
        %dma_wait3A_839 = arith.constant 0 : i32
        %dma_wait3A_840 = tpu.memref_slice %arg9[%dma_wait3A_834, %dma_wait3A_839] : memref<2x64xi32, #tpu.memory_space<vmem>> -> memref<1x64xi32, #tpu.memory_space<vmem>>
        %dma_wait3A_841 = tpu.memref_squeeze %dma_wait3A_840 : memref<1x64xi32, #tpu.memory_space<vmem>> -> memref<64xi32, #tpu.memory_space<vmem>>
        %dma_wait3A_842 = arith.constant 0 : i32
        %dma_wait3A_843 = arith.constant 0 : i32
        %dma_wait3A_844 = tpu.memref_slice %arg12[%dma_wait3A_842, %dma_wait3A_843] : memref<10240x128xf32, #tpu.memory_space<vmem_shared>> -> memref<10240x128xf32, #tpu.memory_space<vmem_shared>>
        tpu.wait_indirect_dma semaphore(%arg16 : memref<!tpu.dma_semaphore, #tpu.memory_space<semaphore_mem>>) src(%dma_wait3A_838 : memref<64x128xf32, #tpu.memory_space<vmem>>) dst(%dma_wait3A_844 : memref<10240x128xf32, #tpu.memory_space<vmem_shared>>)
      } else {
      }
      %mul3A_773 = arith.constant 32 : i32
      %mul3A_774 = arith.muli %add3A_743, %mul3A_773 : i32
      %add3A_775 = arith.constant 0 : i32
      %add3A_776 = arith.addi %mul3A_774, %add3A_775 : i32
      %get3A_777 = arith.index_cast %add3A_776 : i32 to index
      %get3A_778 = tpu.vector_load %arg6[%get3A_777] {strides = array<i32>} : memref<5120xi32, #tpu.memory_space<vmem>>, vector<16xi32>,
      %and3A_779 = arith.constant 65535 : i32
      %and3A_780 = vector.broadcast %and3A_779 : i32 to vector<16xi32>
      %and3A_781 = arith.andi %get3A_778, %and3A_780 : vector<16xi32>
      %swap3A_782 = arith.constant 1 : i32
      %swap3A_783 = arith.index_cast %swap3A_782 : i32 to index
      %swap3A_784 = arith.constant 0 : index
      %swap3A_785 = tpu.vector_load %arg9[%swap3A_783, %swap3A_784] {strides = array<i32>} : memref<2x64xi32, #tpu.memory_space<vmem>>, vector<16xi32>,
      tpu.vector_store %arg9[%swap3A_783, %swap3A_784], %and3A_781 {strides = array<i32>} : memref<2x64xi32, #tpu.memory_space<vmem>>, vector<16xi32>,
      %shift_right_arithmetic3A_786 = arith.constant 16 : i32
      %shift_right_arithmetic3A_787 = vector.broadcast %shift_right_arithmetic3A_786 : i32 to vector<16xi32>
      %shift_right_arithmetic3A_788 = arith.shrsi %get3A_778, %shift_right_arithmetic3A_787 : vector<16xi32>
      %swap3A_789 = arith.constant 1 : i32
      %swap3A_790 = arith.index_cast %swap3A_789 : i32 to index
      %swap3A_791 = arith.constant 16 : index
      %swap3A_792 = tpu.vector_load %arg9[%swap3A_790, %swap3A_791] {strides = array<i32>} : memref<2x64xi32, #tpu.memory_space<vmem>>, vector<16xi32>,
      tpu.vector_store %arg9[%swap3A_790, %swap3A_791], %shift_right_arithmetic3A_788 {strides = array<i32>} : memref<2x64xi32, #tpu.memory_space<vmem>>, vector<16xi32>,
      %add3A_793 = arith.constant 16 : i32
      %add3A_794 = arith.addi %mul3A_774, %add3A_793 : i32
      %get3A_795 = arith.index_cast %add3A_794 : i32 to index
      %get3A_796 = tpu.vector_load %arg6[%get3A_795] {strides = array<i32>} : memref<5120xi32, #tpu.memory_space<vmem>>, vector<16xi32>,
      %and3A_797 = arith.constant 65535 : i32
      %and3A_798 = vector.broadcast %and3A_797 : i32 to vector<16xi32>
      %and3A_799 = arith.andi %get3A_796, %and3A_798 : vector<16xi32>
      %swap3A_800 = arith.constant 1 : i32
      %swap3A_801 = arith.index_cast %swap3A_800 : i32 to index
      %swap3A_802 = arith.constant 32 : index
      %swap3A_803 = tpu.vector_load %arg9[%swap3A_801, %swap3A_802] {strides = array<i32>} : memref<2x64xi32, #tpu.memory_space<vmem>>, vector<16xi32>,
      tpu.vector_store %arg9[%swap3A_801, %swap3A_802], %and3A_799 {strides = array<i32>} : memref<2x64xi32, #tpu.memory_space<vmem>>, vector<16xi32>,
      %shift_right_arithmetic3A_804 = arith.constant 16 : i32
      %shift_right_arithmetic3A_805 = vector.broadcast %shift_right_arithmetic3A_804 : i32 to vector<16xi32>
      %shift_right_arithmetic3A_806 = arith.shrsi %get3A_796, %shift_right_arithmetic3A_805 : vector<16xi32>
      %swap3A_807 = arith.constant 1 : i32
      %swap3A_808 = arith.index_cast %swap3A_807 : i32 to index
      %swap3A_809 = arith.constant 48 : index
      %swap3A_810 = tpu.vector_load %arg9[%swap3A_808, %swap3A_809] {strides = array<i32>} : memref<2x64xi32, #tpu.memory_space<vmem>>, vector<16xi32>,
      tpu.vector_store %arg9[%swap3A_808, %swap3A_809], %shift_right_arithmetic3A_806 {strides = array<i32>} : memref<2x64xi32, #tpu.memory_space<vmem>>, vector<16xi32>,
      %parallel_loop3A_811 = arith.constant 0 : i32
      %parallel_loop3A_812 = arith.constant 32 : i32
      %parallel_loop3A_813 = arith.constant 1 : i32
      scf.for %parallel_loop3A_833 = %parallel_loop3A_811 to %parallel_loop3A_812 step %parallel_loop3A_813  : i32 {
        %parallel_loop3A_834 = arith.constant 32 : i32
        %parallel_loop3A_835 = arith.muli %add3A_743, %parallel_loop3A_834 : i32
        %parallel_loop3A_836 = arith.addi %parallel_loop3A_835, %parallel_loop3A_833 : i32
        %parallel_loop3A_837 = vector.broadcast %parallel_loop3A_836 : i32 to vector<16xi32>
        %parallel_loop3A_838 = tpu.vector_load_idx %arg7[%parallel_loop3A_837] : memref<5120xi32, #tpu.memory_space<vmem>>[vector<16xi32>], vector<16xi32>,
        %parallel_loop3A_839 = arith.constant 16 : i32
        %parallel_loop3A_840 = vector.broadcast %parallel_loop3A_839 : i32 to vector<16xi32>
        %parallel_loop3A_841 = arith.shli %parallel_loop3A_838, %parallel_loop3A_840 : vector<16xi32>
        %parallel_loop3A_842 = vector.bitcast %parallel_loop3A_841 : vector<16xi32> to vector<16xf32>
        %parallel_loop3A_843 = arith.constant -65536 : i32
        %parallel_loop3A_844 = vector.broadcast %parallel_loop3A_843 : i32 to vector<16xi32>
        %parallel_loop3A_845 = arith.andi %parallel_loop3A_838, %parallel_loop3A_844 : vector<16xi32>
        %parallel_loop3A_846 = vector.bitcast %parallel_loop3A_845 : vector<16xi32> to vector<16xf32>
        %parallel_loop3A_847 = arith.constant 4 : i32
        %parallel_loop3A_848 = arith.shrsi %parallel_loop3A_833, %parallel_loop3A_847 : i32
        %parallel_loop3A_849 = arith.constant 5 : i32
        %parallel_loop3A_850 = arith.shli %parallel_loop3A_848, %parallel_loop3A_849 : i32
        %parallel_loop3A_851 = arith.constant 15 : i32
        %parallel_loop3A_852 = arith.andi %parallel_loop3A_833, %parallel_loop3A_851 : i32
        %parallel_loop3A_853 = arith.addi %parallel_loop3A_850, %parallel_loop3A_852 : i32
        %parallel_loop3A_854 = arith.constant 1 : i32
        %parallel_loop3A_855 = arith.index_cast %parallel_loop3A_854 : i32 to index
        %parallel_loop3A_856 = arith.index_cast %parallel_loop3A_853 : i32 to index
        %parallel_loop3A_857 = arith.constant 0 : index
        %parallel_loop3A_858 = tpu.vector_load %arg10[%parallel_loop3A_855, %parallel_loop3A_856, %parallel_loop3A_857] {strides = array<i32>} : memref<2x64x128xf32, #tpu.memory_space<vmem>>, vector<16xf32>,
        %parallel_loop3A_859 = arith.mulf %parallel_loop3A_858, %parallel_loop3A_842 : vector<16xf32>
        %parallel_loop3A_860 = arith.constant 1 : i32
        %parallel_loop3A_861 = arith.index_cast %parallel_loop3A_860 : i32 to index
        %parallel_loop3A_862 = arith.index_cast %parallel_loop3A_853 : i32 to index
        %parallel_loop3A_863 = arith.constant 0 : index
        %parallel_loop3A_864 = tpu.vector_load %arg11[%parallel_loop3A_861, %parallel_loop3A_862, %parallel_loop3A_863] {strides = array<i32>} : memref<2x64x128xf32, #tpu.memory_space<vmem>>, vector<16xf32>,
        tpu.vector_store %arg11[%parallel_loop3A_861, %parallel_loop3A_862, %parallel_loop3A_863], %parallel_loop3A_859 {strides = array<i32>} : memref<2x64x128xf32, #tpu.memory_space<vmem>>, vector<16xf32>,
        %parallel_loop3A_865 = arith.constant 1 : i32
        %parallel_loop3A_866 = arith.index_cast %parallel_loop3A_865 : i32 to index
        %parallel_loop3A_867 = arith.index_cast %parallel_loop3A_853 : i32 to index
        %parallel_loop3A_868 = arith.constant 16 : index
        %parallel_loop3A_869 = tpu.vector_load %arg10[%parallel_loop3A_866, %parallel_loop3A_867, %parallel_loop3A_868] {strides = array<i32>} : memref<2x64x128xf32, #tpu.memory_space<vmem>>, vector<16xf32>,
        %parallel_loop3A_870 = arith.mulf %parallel_loop3A_869, %parallel_loop3A_842 : vector<16xf32>
        %parallel_loop3A_871 = arith.constant 1 : i32
        %parallel_loop3A_872 = arith.index_cast %parallel_loop3A_871 : i32 to index
        %parallel_loop3A_873 = arith.index_cast %parallel_loop3A_853 : i32 to index
        %parallel_loop3A_874 = arith.constant 16 : index
        %parallel_loop3A_875 = tpu.vector_load %arg11[%parallel_loop3A_872, %parallel_loop3A_873, %parallel_loop3A_874] {strides = array<i32>} : memref<2x64x128xf32, #tpu.memory_space<vmem>>, vector<16xf32>,
        tpu.vector_store %arg11[%parallel_loop3A_872, %parallel_loop3A_873, %parallel_loop3A_874], %parallel_loop3A_870 {strides = array<i32>} : memref<2x64x128xf32, #tpu.memory_space<vmem>>, vector<16xf32>,
        %parallel_loop3A_876 = arith.constant 1 : i32
        %parallel_loop3A_877 = arith.index_cast %parallel_loop3A_876 : i32 to index
        %parallel_loop3A_878 = arith.index_cast %parallel_loop3A_853 : i32 to index
        %parallel_loop3A_879 = arith.constant 32 : index
        %parallel_loop3A_880 = tpu.vector_load %arg10[%parallel_loop3A_877, %parallel_loop3A_878, %parallel_loop3A_879] {strides = array<i32>} : memref<2x64x128xf32, #tpu.memory_space<vmem>>, vector<16xf32>,
        %parallel_loop3A_881 = arith.mulf %parallel_loop3A_880, %parallel_loop3A_842 : vector<16xf32>
        %parallel_loop3A_882 = arith.constant 1 : i32
        %parallel_loop3A_883 = arith.index_cast %parallel_loop3A_882 : i32 to index
        %parallel_loop3A_884 = arith.index_cast %parallel_loop3A_853 : i32 to index
        %parallel_loop3A_885 = arith.constant 32 : index
        %parallel_loop3A_886 = tpu.vector_load %arg11[%parallel_loop3A_883, %parallel_loop3A_884, %parallel_loop3A_885] {strides = array<i32>} : memref<2x64x128xf32, #tpu.memory_space<vmem>>, vector<16xf32>,
        tpu.vector_store %arg11[%parallel_loop3A_883, %parallel_loop3A_884, %parallel_loop3A_885], %parallel_loop3A_881 {strides = array<i32>} : memref<2x64x128xf32, #tpu.memory_space<vmem>>, vector<16xf32>,
        %parallel_loop3A_887 = arith.constant 1 : i32
        %parallel_loop3A_888 = arith.index_cast %parallel_loop3A_887 : i32 to index
        %parallel_loop3A_889 = arith.index_cast %parallel_loop3A_853 : i32 to index
        %parallel_loop3A_890 = arith.constant 48 : index
        %parallel_loop3A_891 = tpu.vector_load %arg10[%parallel_loop3A_888, %parallel_loop3A_889, %parallel_loop3A_890] {strides = array<i32>} : memref<2x64x128xf32, #tpu.memory_space<vmem>>, vector<16xf32>,
        %parallel_loop3A_892 = arith.mulf %parallel_loop3A_891, %parallel_loop3A_842 : vector<16xf32>
        %parallel_loop3A_893 = arith.constant 1 : i32
        %parallel_loop3A_894 = arith.index_cast %parallel_loop3A_893 : i32 to index
        %parallel_loop3A_895 = arith.index_cast %parallel_loop3A_853 : i32 to index
        %parallel_loop3A_896 = arith.constant 48 : index
        %parallel_loop3A_897 = tpu.vector_load %arg11[%parallel_loop3A_894, %parallel_loop3A_895, %parallel_loop3A_896] {strides = array<i32>} : memref<2x64x128xf32, #tpu.memory_space<vmem>>, vector<16xf32>,
        tpu.vector_store %arg11[%parallel_loop3A_894, %parallel_loop3A_895, %parallel_loop3A_896], %parallel_loop3A_892 {strides = array<i32>} : memref<2x64x128xf32, #tpu.memory_space<vmem>>, vector<16xf32>,
        %parallel_loop3A_898 = arith.constant 1 : i32
        %parallel_loop3A_899 = arith.index_cast %parallel_loop3A_898 : i32 to index
        %parallel_loop3A_900 = arith.index_cast %parallel_loop3A_853 : i32 to index
        %parallel_loop3A_901 = arith.constant 64 : index
        %parallel_loop3A_902 = tpu.vector_load %arg10[%parallel_loop3A_899, %parallel_loop3A_900, %parallel_loop3A_901] {strides = array<i32>} : memref<2x64x128xf32, #tpu.memory_space<vmem>>, vector<16xf32>,
        %parallel_loop3A_903 = arith.mulf %parallel_loop3A_902, %parallel_loop3A_842 : vector<16xf32>
        %parallel_loop3A_904 = arith.constant 1 : i32
        %parallel_loop3A_905 = arith.index_cast %parallel_loop3A_904 : i32 to index
        %parallel_loop3A_906 = arith.index_cast %parallel_loop3A_853 : i32 to index
        %parallel_loop3A_907 = arith.constant 64 : index
        %parallel_loop3A_908 = tpu.vector_load %arg11[%parallel_loop3A_905, %parallel_loop3A_906, %parallel_loop3A_907] {strides = array<i32>} : memref<2x64x128xf32, #tpu.memory_space<vmem>>, vector<16xf32>,
        tpu.vector_store %arg11[%parallel_loop3A_905, %parallel_loop3A_906, %parallel_loop3A_907], %parallel_loop3A_903 {strides = array<i32>} : memref<2x64x128xf32, #tpu.memory_space<vmem>>, vector<16xf32>,
        %parallel_loop3A_909 = arith.constant 1 : i32
        %parallel_loop3A_910 = arith.index_cast %parallel_loop3A_909 : i32 to index
        %parallel_loop3A_911 = arith.index_cast %parallel_loop3A_853 : i32 to index
        %parallel_loop3A_912 = arith.constant 80 : index
        %parallel_loop3A_913 = tpu.vector_load %arg10[%parallel_loop3A_910, %parallel_loop3A_911, %parallel_loop3A_912] {strides = array<i32>} : memref<2x64x128xf32, #tpu.memory_space<vmem>>, vector<16xf32>,
        %parallel_loop3A_914 = arith.mulf %parallel_loop3A_913, %parallel_loop3A_842 : vector<16xf32>
        %parallel_loop3A_915 = arith.constant 1 : i32
        %parallel_loop3A_916 = arith.index_cast %parallel_loop3A_915 : i32 to index
        %parallel_loop3A_917 = arith.index_cast %parallel_loop3A_853 : i32 to index
        %parallel_loop3A_918 = arith.constant 80 : index
        %parallel_loop3A_919 = tpu.vector_load %arg11[%parallel_loop3A_916, %parallel_loop3A_917, %parallel_loop3A_918] {strides = array<i32>} : memref<2x64x128xf32, #tpu.memory_space<vmem>>, vector<16xf32>,
        tpu.vector_store %arg11[%parallel_loop3A_916, %parallel_loop3A_917, %parallel_loop3A_918], %parallel_loop3A_914 {strides = array<i32>} : memref<2x64x128xf32, #tpu.memory_space<vmem>>, vector<16xf32>,
        %parallel_loop3A_920 = arith.constant 1 : i32
        %parallel_loop3A_921 = arith.index_cast %parallel_loop3A_920 : i32 to index
        %parallel_loop3A_922 = arith.index_cast %parallel_loop3A_853 : i32 to index
        %parallel_loop3A_923 = arith.constant 96 : index
        %parallel_loop3A_924 = tpu.vector_load %arg10[%parallel_loop3A_921, %parallel_loop3A_922, %parallel_loop3A_923] {strides = array<i32>} : memref<2x64x128xf32, #tpu.memory_space<vmem>>, vector<16xf32>,
        %parallel_loop3A_925 = arith.mulf %parallel_loop3A_924, %parallel_loop3A_842 : vector<16xf32>
        %parallel_loop3A_926 = arith.constant 1 : i32
        %parallel_loop3A_927 = arith.index_cast %parallel_loop3A_926 : i32 to index
        %parallel_loop3A_928 = arith.index_cast %parallel_loop3A_853 : i32 to index
        %parallel_loop3A_929 = arith.constant 96 : index
        %parallel_loop3A_930 = tpu.vector_load %arg11[%parallel_loop3A_927, %parallel_loop3A_928, %parallel_loop3A_929] {strides = array<i32>} : memref<2x64x128xf32, #tpu.memory_space<vmem>>, vector<16xf32>,
        tpu.vector_store %arg11[%parallel_loop3A_927, %parallel_loop3A_928, %parallel_loop3A_929], %parallel_loop3A_925 {strides = array<i32>} : memref<2x64x128xf32, #tpu.memory_space<vmem>>, vector<16xf32>,
        %parallel_loop3A_931 = arith.constant 1 : i32
        %parallel_loop3A_932 = arith.index_cast %parallel_loop3A_931 : i32 to index
        %parallel_loop3A_933 = arith.index_cast %parallel_loop3A_853 : i32 to index
        %parallel_loop3A_934 = arith.constant 112 : index
        %parallel_loop3A_935 = tpu.vector_load %arg10[%parallel_loop3A_932, %parallel_loop3A_933, %parallel_loop3A_934] {strides = array<i32>} : memref<2x64x128xf32, #tpu.memory_space<vmem>>, vector<16xf32>,
        %parallel_loop3A_936 = arith.mulf %parallel_loop3A_935, %parallel_loop3A_842 : vector<16xf32>
        %parallel_loop3A_937 = arith.constant 1 : i32
        %parallel_loop3A_938 = arith.index_cast %parallel_loop3A_937 : i32 to index
        %parallel_loop3A_939 = arith.index_cast %parallel_loop3A_853 : i32 to index
        %parallel_loop3A_940 = arith.constant 112 : index
        %parallel_loop3A_941 = tpu.vector_load %arg11[%parallel_loop3A_938, %parallel_loop3A_939, %parallel_loop3A_940] {strides = array<i32>} : memref<2x64x128xf32, #tpu.memory_space<vmem>>, vector<16xf32>,
        tpu.vector_store %arg11[%parallel_loop3A_938, %parallel_loop3A_939, %parallel_loop3A_940], %parallel_loop3A_936 {strides = array<i32>} : memref<2x64x128xf32, #tpu.memory_space<vmem>>, vector<16xf32>,
        %parallel_loop3A_942 = arith.constant 16 : i32
        %parallel_loop3A_943 = arith.addi %parallel_loop3A_853, %parallel_loop3A_942 : i32
        %parallel_loop3A_944 = arith.constant 1 : i32
        %parallel_loop3A_945 = arith.index_cast %parallel_loop3A_944 : i32 to index
        %parallel_loop3A_946 = arith.index_cast %parallel_loop3A_943 : i32 to index
        %parallel_loop3A_947 = arith.constant 0 : index
        %parallel_loop3A_948 = tpu.vector_load %arg10[%parallel_loop3A_945, %parallel_loop3A_946, %parallel_loop3A_947] {strides = array<i32>} : memref<2x64x128xf32, #tpu.memory_space<vmem>>, vector<16xf32>,
        %parallel_loop3A_949 = arith.mulf %parallel_loop3A_948, %parallel_loop3A_846 : vector<16xf32>
        %parallel_loop3A_950 = arith.constant 16 : i32
        %parallel_loop3A_951 = arith.addi %parallel_loop3A_853, %parallel_loop3A_950 : i32
        %parallel_loop3A_952 = arith.constant 1 : i32
        %parallel_loop3A_953 = arith.index_cast %parallel_loop3A_952 : i32 to index
        %parallel_loop3A_954 = arith.index_cast %parallel_loop3A_951 : i32 to index
        %parallel_loop3A_955 = arith.constant 0 : index
        %parallel_loop3A_956 = tpu.vector_load %arg11[%parallel_loop3A_953, %parallel_loop3A_954, %parallel_loop3A_955] {strides = array<i32>} : memref<2x64x128xf32, #tpu.memory_space<vmem>>, vector<16xf32>,
        tpu.vector_store %arg11[%parallel_loop3A_953, %parallel_loop3A_954, %parallel_loop3A_955], %parallel_loop3A_949 {strides = array<i32>} : memref<2x64x128xf32, #tpu.memory_space<vmem>>, vector<16xf32>,
        %parallel_loop3A_957 = arith.constant 16 : i32
        %parallel_loop3A_958 = arith.addi %parallel_loop3A_853, %parallel_loop3A_957 : i32
        %parallel_loop3A_959 = arith.constant 1 : i32
        %parallel_loop3A_960 = arith.index_cast %parallel_loop3A_959 : i32 to index
        %parallel_loop3A_961 = arith.index_cast %parallel_loop3A_958 : i32 to index
        %parallel_loop3A_962 = arith.constant 16 : index
        %parallel_loop3A_963 = tpu.vector_load %arg10[%parallel_loop3A_960, %parallel_loop3A_961, %parallel_loop3A_962] {strides = array<i32>} : memref<2x64x128xf32, #tpu.memory_space<vmem>>, vector<16xf32>,
        %parallel_loop3A_964 = arith.mulf %parallel_loop3A_963, %parallel_loop3A_846 : vector<16xf32>
        %parallel_loop3A_965 = arith.constant 16 : i32
        %parallel_loop3A_966 = arith.addi %parallel_loop3A_853, %parallel_loop3A_965 : i32
        %parallel_loop3A_967 = arith.constant 1 : i32
        %parallel_loop3A_968 = arith.index_cast %parallel_loop3A_967 : i32 to index
        %parallel_loop3A_969 = arith.index_cast %parallel_loop3A_966 : i32 to index
        %parallel_loop3A_970 = arith.constant 16 : index
        %parallel_loop3A_971 = tpu.vector_load %arg11[%parallel_loop3A_968, %parallel_loop3A_969, %parallel_loop3A_970] {strides = array<i32>} : memref<2x64x128xf32, #tpu.memory_space<vmem>>, vector<16xf32>,
        tpu.vector_store %arg11[%parallel_loop3A_968, %parallel_loop3A_969, %parallel_loop3A_970], %parallel_loop3A_964 {strides = array<i32>} : memref<2x64x128xf32, #tpu.memory_space<vmem>>, vector<16xf32>,
        %parallel_loop3A_972 = arith.constant 16 : i32
        %parallel_loop3A_973 = arith.addi %parallel_loop3A_853, %parallel_loop3A_972 : i32
        %parallel_loop3A_974 = arith.constant 1 : i32
        %parallel_loop3A_975 = arith.index_cast %parallel_loop3A_974 : i32 to index
        %parallel_loop3A_976 = arith.index_cast %parallel_loop3A_973 : i32 to index
        %parallel_loop3A_977 = arith.constant 32 : index
        %parallel_loop3A_978 = tpu.vector_load %arg10[%parallel_loop3A_975, %parallel_loop3A_976, %parallel_loop3A_977] {strides = array<i32>} : memref<2x64x128xf32, #tpu.memory_space<vmem>>, vector<16xf32>,
        %parallel_loop3A_979 = arith.mulf %parallel_loop3A_978, %parallel_loop3A_846 : vector<16xf32>
        %parallel_loop3A_980 = arith.constant 16 : i32
        %parallel_loop3A_981 = arith.addi %parallel_loop3A_853, %parallel_loop3A_980 : i32
        %parallel_loop3A_982 = arith.constant 1 : i32
        %parallel_loop3A_983 = arith.index_cast %parallel_loop3A_982 : i32 to index
        %parallel_loop3A_984 = arith.index_cast %parallel_loop3A_981 : i32 to index
        %parallel_loop3A_985 = arith.constant 32 : index
        %parallel_loop3A_986 = tpu.vector_load %arg11[%parallel_loop3A_983, %parallel_loop3A_984, %parallel_loop3A_985] {strides = array<i32>} : memref<2x64x128xf32, #tpu.memory_space<vmem>>, vector<16xf32>,
        tpu.vector_store %arg11[%parallel_loop3A_983, %parallel_loop3A_984, %parallel_loop3A_985], %parallel_loop3A_979 {strides = array<i32>} : memref<2x64x128xf32, #tpu.memory_space<vmem>>, vector<16xf32>,
        %parallel_loop3A_987 = arith.constant 16 : i32
        %parallel_loop3A_988 = arith.addi %parallel_loop3A_853, %parallel_loop3A_987 : i32
        %parallel_loop3A_989 = arith.constant 1 : i32
        %parallel_loop3A_990 = arith.index_cast %parallel_loop3A_989 : i32 to index
        %parallel_loop3A_991 = arith.index_cast %parallel_loop3A_988 : i32 to index
        %parallel_loop3A_992 = arith.constant 48 : index
        %parallel_loop3A_993 = tpu.vector_load %arg10[%parallel_loop3A_990, %parallel_loop3A_991, %parallel_loop3A_992] {strides = array<i32>} : memref<2x64x128xf32, #tpu.memory_space<vmem>>, vector<16xf32>,
        %parallel_loop3A_994 = arith.mulf %parallel_loop3A_993, %parallel_loop3A_846 : vector<16xf32>
        %parallel_loop3A_995 = arith.constant 16 : i32
        %parallel_loop3A_996 = arith.addi %parallel_loop3A_853, %parallel_loop3A_995 : i32
        %parallel_loop3A_997 = arith.constant 1 : i32
        %parallel_loop3A_998 = arith.index_cast %parallel_loop3A_997 : i32 to index
        %parallel_loop3A_999 = arith.index_cast %parallel_loop3A_996 : i32 to index
        %parallel_loop3A_1000 = arith.constant 48 : index
        %parallel_loop3A_1001 = tpu.vector_load %arg11[%parallel_loop3A_998, %parallel_loop3A_999, %parallel_loop3A_1000] {strides = array<i32>} : memref<2x64x128xf32, #tpu.memory_space<vmem>>, vector<16xf32>,
        tpu.vector_store %arg11[%parallel_loop3A_998, %parallel_loop3A_999, %parallel_loop3A_1000], %parallel_loop3A_994 {strides = array<i32>} : memref<2x64x128xf32, #tpu.memory_space<vmem>>, vector<16xf32>,
        %parallel_loop3A_1002 = arith.constant 16 : i32
        %parallel_loop3A_1003 = arith.addi %parallel_loop3A_853, %parallel_loop3A_1002 : i32
        %parallel_loop3A_1004 = arith.constant 1 : i32
        %parallel_loop3A_1005 = arith.index_cast %parallel_loop3A_1004 : i32 to index
        %parallel_loop3A_1006 = arith.index_cast %parallel_loop3A_1003 : i32 to index
        %parallel_loop3A_1007 = arith.constant 64 : index
        %parallel_loop3A_1008 = tpu.vector_load %arg10[%parallel_loop3A_1005, %parallel_loop3A_1006, %parallel_loop3A_1007] {strides = array<i32>} : memref<2x64x128xf32, #tpu.memory_space<vmem>>, vector<16xf32>,
        %parallel_loop3A_1009 = arith.mulf %parallel_loop3A_1008, %parallel_loop3A_846 : vector<16xf32>
        %parallel_loop3A_1010 = arith.constant 16 : i32
        %parallel_loop3A_1011 = arith.addi %parallel_loop3A_853, %parallel_loop3A_1010 : i32
        %parallel_loop3A_1012 = arith.constant 1 : i32
        %parallel_loop3A_1013 = arith.index_cast %parallel_loop3A_1012 : i32 to index
        %parallel_loop3A_1014 = arith.index_cast %parallel_loop3A_1011 : i32 to index
        %parallel_loop3A_1015 = arith.constant 64 : index
        %parallel_loop3A_1016 = tpu.vector_load %arg11[%parallel_loop3A_1013, %parallel_loop3A_1014, %parallel_loop3A_1015] {strides = array<i32>} : memref<2x64x128xf32, #tpu.memory_space<vmem>>, vector<16xf32>,
        tpu.vector_store %arg11[%parallel_loop3A_1013, %parallel_loop3A_1014, %parallel_loop3A_1015], %parallel_loop3A_1009 {strides = array<i32>} : memref<2x64x128xf32, #tpu.memory_space<vmem>>, vector<16xf32>,
        %parallel_loop3A_1017 = arith.constant 16 : i32
        %parallel_loop3A_1018 = arith.addi %parallel_loop3A_853, %parallel_loop3A_1017 : i32
        %parallel_loop3A_1019 = arith.constant 1 : i32
        %parallel_loop3A_1020 = arith.index_cast %parallel_loop3A_1019 : i32 to index
        %parallel_loop3A_1021 = arith.index_cast %parallel_loop3A_1018 : i32 to index
        %parallel_loop3A_1022 = arith.constant 80 : index
        %parallel_loop3A_1023 = tpu.vector_load %arg10[%parallel_loop3A_1020, %parallel_loop3A_1021, %parallel_loop3A_1022] {strides = array<i32>} : memref<2x64x128xf32, #tpu.memory_space<vmem>>, vector<16xf32>,
        %parallel_loop3A_1024 = arith.mulf %parallel_loop3A_1023, %parallel_loop3A_846 : vector<16xf32>
        %parallel_loop3A_1025 = arith.constant 16 : i32
        %parallel_loop3A_1026 = arith.addi %parallel_loop3A_853, %parallel_loop3A_1025 : i32
        %parallel_loop3A_1027 = arith.constant 1 : i32
        %parallel_loop3A_1028 = arith.index_cast %parallel_loop3A_1027 : i32 to index
        %parallel_loop3A_1029 = arith.index_cast %parallel_loop3A_1026 : i32 to index
        %parallel_loop3A_1030 = arith.constant 80 : index
        %parallel_loop3A_1031 = tpu.vector_load %arg11[%parallel_loop3A_1028, %parallel_loop3A_1029, %parallel_loop3A_1030] {strides = array<i32>} : memref<2x64x128xf32, #tpu.memory_space<vmem>>, vector<16xf32>,
        tpu.vector_store %arg11[%parallel_loop3A_1028, %parallel_loop3A_1029, %parallel_loop3A_1030], %parallel_loop3A_1024 {strides = array<i32>} : memref<2x64x128xf32, #tpu.memory_space<vmem>>, vector<16xf32>,
        %parallel_loop3A_1032 = arith.constant 16 : i32
        %parallel_loop3A_1033 = arith.addi %parallel_loop3A_853, %parallel_loop3A_1032 : i32
        %parallel_loop3A_1034 = arith.constant 1 : i32
        %parallel_loop3A_1035 = arith.index_cast %parallel_loop3A_1034 : i32 to index
        %parallel_loop3A_1036 = arith.index_cast %parallel_loop3A_1033 : i32 to index
        %parallel_loop3A_1037 = arith.constant 96 : index
        %parallel_loop3A_1038 = tpu.vector_load %arg10[%parallel_loop3A_1035, %parallel_loop3A_1036, %parallel_loop3A_1037] {strides = array<i32>} : memref<2x64x128xf32, #tpu.memory_space<vmem>>, vector<16xf32>,
        %parallel_loop3A_1039 = arith.mulf %parallel_loop3A_1038, %parallel_loop3A_846 : vector<16xf32>
        %parallel_loop3A_1040 = arith.constant 16 : i32
        %parallel_loop3A_1041 = arith.addi %parallel_loop3A_853, %parallel_loop3A_1040 : i32
        %parallel_loop3A_1042 = arith.constant 1 : i32
        %parallel_loop3A_1043 = arith.index_cast %parallel_loop3A_1042 : i32 to index
        %parallel_loop3A_1044 = arith.index_cast %parallel_loop3A_1041 : i32 to index
        %parallel_loop3A_1045 = arith.constant 96 : index
        %parallel_loop3A_1046 = tpu.vector_load %arg11[%parallel_loop3A_1043, %parallel_loop3A_1044, %parallel_loop3A_1045] {strides = array<i32>} : memref<2x64x128xf32, #tpu.memory_space<vmem>>, vector<16xf32>,
        tpu.vector_store %arg11[%parallel_loop3A_1043, %parallel_loop3A_1044, %parallel_loop3A_1045], %parallel_loop3A_1039 {strides = array<i32>} : memref<2x64x128xf32, #tpu.memory_space<vmem>>, vector<16xf32>,
        %parallel_loop3A_1047 = arith.constant 16 : i32
        %parallel_loop3A_1048 = arith.addi %parallel_loop3A_853, %parallel_loop3A_1047 : i32
        %parallel_loop3A_1049 = arith.constant 1 : i32
        %parallel_loop3A_1050 = arith.index_cast %parallel_loop3A_1049 : i32 to index
        %parallel_loop3A_1051 = arith.index_cast %parallel_loop3A_1048 : i32 to index
        %parallel_loop3A_1052 = arith.constant 112 : index
        %parallel_loop3A_1053 = tpu.vector_load %arg10[%parallel_loop3A_1050, %parallel_loop3A_1051, %parallel_loop3A_1052] {strides = array<i32>} : memref<2x64x128xf32, #tpu.memory_space<vmem>>, vector<16xf32>,
        %parallel_loop3A_1054 = arith.mulf %parallel_loop3A_1053, %parallel_loop3A_846 : vector<16xf32>
        %parallel_loop3A_1055 = arith.constant 16 : i32
        %parallel_loop3A_1056 = arith.addi %parallel_loop3A_853, %parallel_loop3A_1055 : i32
        %parallel_loop3A_1057 = arith.constant 1 : i32
        %parallel_loop3A_1058 = arith.index_cast %parallel_loop3A_1057 : i32 to index
        %parallel_loop3A_1059 = arith.index_cast %parallel_loop3A_1056 : i32 to index
        %parallel_loop3A_1060 = arith.constant 112 : index
        %parallel_loop3A_1061 = tpu.vector_load %arg11[%parallel_loop3A_1058, %parallel_loop3A_1059, %parallel_loop3A_1060] {strides = array<i32>} : memref<2x64x128xf32, #tpu.memory_space<vmem>>, vector<16xf32>,
        tpu.vector_store %arg11[%parallel_loop3A_1058, %parallel_loop3A_1059, %parallel_loop3A_1060], %parallel_loop3A_1054 {strides = array<i32>} : memref<2x64x128xf32, #tpu.memory_space<vmem>>, vector<16xf32>,
      } {sc.loop_unroll_factor = 2 : i64, sc.parallel_access}
      %dma_start3A_814 = arith.constant 1 : i32
      %dma_start3A_815 = arith.constant 1 : i32
      %dma_start3A_816 = arith.constant 0 : i32
      %dma_start3A_817 = arith.constant 0 : i32
      %dma_start3A_818 = tpu.memref_slice %arg11[%dma_start3A_814, %dma_start3A_816, %dma_start3A_817] : memref<2x64x128xf32, #tpu.memory_space<vmem>> -> memref<1x64x128xf32, #tpu.memory_space<vmem>>
      %dma_start3A_819 = tpu.memref_squeeze %dma_start3A_818 : memref<1x64x128xf32, #tpu.memory_space<vmem>> -> memref<64x128xf32, #tpu.memory_space<vmem>>
      %dma_start3A_820 = arith.constant 0 : i32
      %dma_start3A_821 = tpu.memref_slice %arg9[%dma_start3A_815, %dma_start3A_820] : memref<2x64xi32, #tpu.memory_space<vmem>> -> memref<1x64xi32, #tpu.memory_space<vmem>>
      %dma_start3A_822 = tpu.memref_squeeze %dma_start3A_821 : memref<1x64xi32, #tpu.memory_space<vmem>> -> memref<64xi32, #tpu.memory_space<vmem>>
      %dma_start3A_823 = arith.constant 0 : i32
      %dma_start3A_824 = arith.constant 0 : i32
      %dma_start3A_825 = tpu.memref_slice %arg12[%dma_start3A_823, %dma_start3A_824] : memref<10240x128xf32, #tpu.memory_space<vmem_shared>> -> memref<10240x128xf32, #tpu.memory_space<vmem_shared>>
      tpu.enqueue_indirect_dma source(%dma_start3A_819 : memref<64x128xf32, #tpu.memory_space<vmem>>) target(%dma_start3A_825 : memref<10240x128xf32, #tpu.memory_space<vmem_shared>>) offsets(%dma_start3A_822 : memref<64xi32, #tpu.memory_space<vmem>>) semaphore(%arg16 : memref<!tpu.dma_semaphore, #tpu.memory_space<semaphore_mem>>) {add = true}
      %add3A_826 = arith.constant 2 : i32
      %add3A_827 = arith.addi %add3A_743, %add3A_826 : i32
      %lt3A_828 = arith.cmpi slt, %add3A_827, %select_n3A : i32
      %convert_element_type3A_829 = arith.extui %lt3A_828 : i1 to i32
      %cond3A_830 = arith.constant 0 : i32
      %cond3A_831 = arith.cmpi ne, %convert_element_type3A_829, %cond3A_830 : i32
      scf.if %cond3A_831 {
        %add3A_833 = arith.constant 2 : i32
        %add3A_834 = arith.addi %add3A_743, %add3A_833 : i32
        %mul3A_835 = arith.constant 32 : i32
        %mul3A_836 = arith.muli %add3A_834, %mul3A_835 : i32
        %add3A_837 = arith.constant 0 : i32
        %add3A_838 = arith.addi %mul3A_836, %add3A_837 : i32
        %get3A_839 = arith.index_cast %add3A_838 : i32 to index
        %get3A_840 = tpu.vector_load %arg5[%get3A_839] {strides = array<i32>} : memref<5120xi32, #tpu.memory_space<vmem>>, vector<16xi32>,
        %and3A_841 = arith.constant 65535 : i32
        %and3A_842 = vector.broadcast %and3A_841 : i32 to vector<16xi32>
        %and3A_843 = arith.andi %get3A_840, %and3A_842 : vector<16xi32>
        %swap3A_844 = arith.constant 1 : i32
        %swap3A_845 = arith.index_cast %swap3A_844 : i32 to index
        %swap3A_846 = arith.constant 0 : index
        %swap3A_847 = tpu.vector_load %arg8[%swap3A_845, %swap3A_846] {strides = array<i32>} : memref<2x64xi32, #tpu.memory_space<vmem>>, vector<16xi32>,
        tpu.vector_store %arg8[%swap3A_845, %swap3A_846], %and3A_843 {strides = array<i32>} : memref<2x64xi32, #tpu.memory_space<vmem>>, vector<16xi32>,
        %shift_right_arithmetic3A_848 = arith.constant 16 : i32
        %shift_right_arithmetic3A_849 = vector.broadcast %shift_right_arithmetic3A_848 : i32 to vector<16xi32>
        %shift_right_arithmetic3A_850 = arith.shrsi %get3A_840, %shift_right_arithmetic3A_849 : vector<16xi32>
        %swap3A_851 = arith.constant 1 : i32
        %swap3A_852 = arith.index_cast %swap3A_851 : i32 to index
        %swap3A_853 = arith.constant 16 : index
        %swap3A_854 = tpu.vector_load %arg8[%swap3A_852, %swap3A_853] {strides = array<i32>} : memref<2x64xi32, #tpu.memory_space<vmem>>, vector<16xi32>,
        tpu.vector_store %arg8[%swap3A_852, %swap3A_853], %shift_right_arithmetic3A_850 {strides = array<i32>} : memref<2x64xi32, #tpu.memory_space<vmem>>, vector<16xi32>,
        %add3A_855 = arith.constant 16 : i32
        %add3A_856 = arith.addi %mul3A_836, %add3A_855 : i32
        %get3A_857 = arith.index_cast %add3A_856 : i32 to index
        %get3A_858 = tpu.vector_load %arg5[%get3A_857] {strides = array<i32>} : memref<5120xi32, #tpu.memory_space<vmem>>, vector<16xi32>,
        %and3A_859 = arith.constant 65535 : i32
        %and3A_860 = vector.broadcast %and3A_859 : i32 to vector<16xi32>
        %and3A_861 = arith.andi %get3A_858, %and3A_860 : vector<16xi32>
        %swap3A_862 = arith.constant 1 : i32
        %swap3A_863 = arith.index_cast %swap3A_862 : i32 to index
        %swap3A_864 = arith.constant 32 : index
        %swap3A_865 = tpu.vector_load %arg8[%swap3A_863, %swap3A_864] {strides = array<i32>} : memref<2x64xi32, #tpu.memory_space<vmem>>, vector<16xi32>,
        tpu.vector_store %arg8[%swap3A_863, %swap3A_864], %and3A_861 {strides = array<i32>} : memref<2x64xi32, #tpu.memory_space<vmem>>, vector<16xi32>,
        %shift_right_arithmetic3A_866 = arith.constant 16 : i32
        %shift_right_arithmetic3A_867 = vector.broadcast %shift_right_arithmetic3A_866 : i32 to vector<16xi32>
        %shift_right_arithmetic3A_868 = arith.shrsi %get3A_858, %shift_right_arithmetic3A_867 : vector<16xi32>
        %swap3A_869 = arith.constant 1 : i32
        %swap3A_870 = arith.index_cast %swap3A_869 : i32 to index
        %swap3A_871 = arith.constant 48 : index
        %swap3A_872 = tpu.vector_load %arg8[%swap3A_870, %swap3A_871] {strides = array<i32>} : memref<2x64xi32, #tpu.memory_space<vmem>>, vector<16xi32>,
        tpu.vector_store %arg8[%swap3A_870, %swap3A_871], %shift_right_arithmetic3A_868 {strides = array<i32>} : memref<2x64xi32, #tpu.memory_space<vmem>>, vector<16xi32>,
        %dma_start3A_873 = arith.constant 1 : i32
        %dma_start3A_874 = arith.constant 1 : i32
        %dma_start3A_875 = arith.constant 0 : i32
        %dma_start3A_876 = arith.constant 0 : i32
        %dma_start3A_877 = tpu.memref_slice %arg10[%dma_start3A_874, %dma_start3A_875, %dma_start3A_876] : memref<2x64x128xf32, #tpu.memory_space<vmem>> -> memref<1x32x128xf32, #tpu.memory_space<vmem>>
        %dma_start3A_878 = tpu.memref_squeeze %dma_start3A_877 : memref<1x32x128xf32, #tpu.memory_space<vmem>> -> memref<32x128xf32, #tpu.memory_space<vmem>>
        %dma_start3A_879 = arith.constant 0 : i32
        %dma_start3A_880 = tpu.memref_slice %arg8[%dma_start3A_873, %dma_start3A_879] : memref<2x64xi32, #tpu.memory_space<vmem>> -> memref<1x32xi32, #tpu.memory_space<vmem>>
        %dma_start3A_881 = tpu.memref_squeeze %dma_start3A_880 : memref<1x32xi32, #tpu.memory_space<vmem>> -> memref<32xi32, #tpu.memory_space<vmem>>
        %dma_start3A_882 = arith.constant 0 : i32
        %dma_start3A_883 = arith.constant 0 : i32
        %dma_start3A_884 = tpu.memref_slice %arg2[%dma_start3A_882, %dma_start3A_883] : memref<10000x128xf32, #tpu.memory_space<hbm>> -> memref<10000x128xf32, #tpu.memory_space<hbm>>
        tpu.enqueue_indirect_dma source(%dma_start3A_884 : memref<10000x128xf32, #tpu.memory_space<hbm>>) target(%dma_start3A_878 : memref<32x128xf32, #tpu.memory_space<vmem>>) offsets(%dma_start3A_881 : memref<32xi32, #tpu.memory_space<vmem>>) semaphore(%arg14 : memref<!tpu.dma_semaphore, #tpu.memory_space<semaphore_mem>>)
        %dma_start3A_885 = arith.constant 1 : i32
        %dma_start3A_886 = arith.constant 1 : i32
        %dma_start3A_887 = arith.constant 32 : i32
        %dma_start3A_888 = arith.constant 0 : i32
        %dma_start3A_889 = tpu.memref_slice %arg10[%dma_start3A_886, %dma_start3A_887, %dma_start3A_888] : memref<2x64x128xf32, #tpu.memory_space<vmem>> -> memref<1x32x128xf32, #tpu.memory_space<vmem>>
        %dma_start3A_890 = tpu.memref_squeeze %dma_start3A_889 : memref<1x32x128xf32, #tpu.memory_space<vmem>> -> memref<32x128xf32, #tpu.memory_space<vmem>>
        %dma_start3A_891 = arith.constant 32 : i32
        %dma_start3A_892 = tpu.memref_slice %arg8[%dma_start3A_885, %dma_start3A_891] : memref<2x64xi32, #tpu.memory_space<vmem>> -> memref<1x32xi32, #tpu.memory_space<vmem>>
        %dma_start3A_893 = tpu.memref_squeeze %dma_start3A_892 : memref<1x32xi32, #tpu.memory_space<vmem>> -> memref<32xi32, #tpu.memory_space<vmem>>
        %dma_start3A_894 = arith.constant 0 : i32
        %dma_start3A_895 = arith.constant 0 : i32
        %dma_start3A_896 = tpu.memref_slice %arg2[%dma_start3A_894, %dma_start3A_895] : memref<10000x128xf32, #tpu.memory_space<hbm>> -> memref<10000x128xf32, #tpu.memory_space<hbm>>
        tpu.enqueue_indirect_dma source(%dma_start3A_896 : memref<10000x128xf32, #tpu.memory_space<hbm>>) target(%dma_start3A_890 : memref<32x128xf32, #tpu.memory_space<vmem>>) offsets(%dma_start3A_893 : memref<32xi32, #tpu.memory_space<vmem>>) semaphore(%arg14 : memref<!tpu.dma_semaphore, #tpu.memory_space<semaphore_mem>>)
      } else {
      }
      %while3A_832 = arith.constant 0 : i32
      scf.yield %while3A_832 : i32
    }
    %dma_wait3A_486 = arith.constant 0 : i32
    %dma_wait3A_487 = arith.constant 0 : i32
    %dma_wait3A_488 = arith.constant 0 : i32
    %dma_wait3A_489 = arith.constant 0 : i32
    %dma_wait3A_490 = tpu.memref_slice %arg11[%dma_wait3A_486, %dma_wait3A_488, %dma_wait3A_489] : memref<2x64x128xf32, #tpu.memory_space<vmem>> -> memref<1x64x128xf32, #tpu.memory_space<vmem>>
    %dma_wait3A_491 = tpu.memref_squeeze %dma_wait3A_490 : memref<1x64x128xf32, #tpu.memory_space<vmem>> -> memref<64x128xf32, #tpu.memory_space<vmem>>
    %dma_wait3A_492 = arith.constant 0 : i32
    %dma_wait3A_493 = tpu.memref_slice %arg9[%dma_wait3A_487, %dma_wait3A_492] : memref<2x64xi32, #tpu.memory_space<vmem>> -> memref<1x64xi32, #tpu.memory_space<vmem>>
    %dma_wait3A_494 = tpu.memref_squeeze %dma_wait3A_493 : memref<1x64xi32, #tpu.memory_space<vmem>> -> memref<64xi32, #tpu.memory_space<vmem>>
    %dma_wait3A_495 = arith.constant 0 : i32
    %dma_wait3A_496 = arith.constant 0 : i32
    %dma_wait3A_497 = tpu.memref_slice %arg12[%dma_wait3A_495, %dma_wait3A_496] : memref<10240x128xf32, #tpu.memory_space<vmem_shared>> -> memref<10240x128xf32, #tpu.memory_space<vmem_shared>>
    tpu.wait_indirect_dma semaphore(%arg15 : memref<!tpu.dma_semaphore, #tpu.memory_space<semaphore_mem>>) src(%dma_wait3A_491 : memref<64x128xf32, #tpu.memory_space<vmem>>) dst(%dma_wait3A_497 : memref<10240x128xf32, #tpu.memory_space<vmem_shared>>)
    %dma_wait3A_498 = arith.constant 1 : i32
    %dma_wait3A_499 = arith.constant 1 : i32
    %dma_wait3A_500 = arith.constant 0 : i32
    %dma_wait3A_501 = arith.constant 0 : i32
    %dma_wait3A_502 = tpu.memref_slice %arg11[%dma_wait3A_498, %dma_wait3A_500, %dma_wait3A_501] : memref<2x64x128xf32, #tpu.memory_space<vmem>> -> memref<1x64x128xf32, #tpu.memory_space<vmem>>
    %dma_wait3A_503 = tpu.memref_squeeze %dma_wait3A_502 : memref<1x64x128xf32, #tpu.memory_space<vmem>> -> memref<64x128xf32, #tpu.memory_space<vmem>>
    %dma_wait3A_504 = arith.constant 0 : i32
    %dma_wait3A_505 = tpu.memref_slice %arg9[%dma_wait3A_499, %dma_wait3A_504] : memref<2x64xi32, #tpu.memory_space<vmem>> -> memref<1x64xi32, #tpu.memory_space<vmem>>
    %dma_wait3A_506 = tpu.memref_squeeze %dma_wait3A_505 : memref<1x64xi32, #tpu.memory_space<vmem>> -> memref<64xi32, #tpu.memory_space<vmem>>
    %dma_wait3A_507 = arith.constant 0 : i32
    %dma_wait3A_508 = arith.constant 0 : i32
    %dma_wait3A_509 = tpu.memref_slice %arg12[%dma_wait3A_507, %dma_wait3A_508] : memref<10240x128xf32, #tpu.memory_space<vmem_shared>> -> memref<10240x128xf32, #tpu.memory_space<vmem_shared>>
    tpu.wait_indirect_dma semaphore(%arg16 : memref<!tpu.dma_semaphore, #tpu.memory_space<semaphore_mem>>) src(%dma_wait3A_503 : memref<64x128xf32, #tpu.memory_space<vmem>>) dst(%dma_wait3A_509 : memref<10240x128xf32, #tpu.memory_space<vmem_shared>>)
    %barrier3A_510 = arith.constant 0 : index
    tpu.barrier barrier_id(%barrier3A_510)
    %add3A_511 = arith.constant 0 : i32
    %add3A_512 = arith.addi %mul3A_8, %add3A_511 : i32
    %dma_start3A_513 = arith.constant 0 : i32
    %dma_start3A_514 = tpu.memref_slice %arg4[%arg0, %add3A_512, %dma_start3A_513] : memref<2x10240x128xf32, #tpu.memory_space<hbm>> -> memref<1x64x128xf32, #tpu.memory_space<hbm>>
    %dma_start3A_515 = tpu.memref_squeeze %dma_start3A_514 : memref<1x64x128xf32, #tpu.memory_space<hbm>> -> memref<64x128xf32, #tpu.memory_space<hbm>>
    %dma_start3A_516 = arith.constant 0 : i32
    %dma_start3A_517 = tpu.memref_slice %arg12[%add3A_512, %dma_start3A_516] : memref<10240x128xf32, #tpu.memory_space<vmem_shared>> -> memref<64x128xf32, #tpu.memory_space<vmem_shared>>
    tpu.enqueue_dma source(%dma_start3A_517 : memref<64x128xf32, #tpu.memory_space<vmem_shared>>) target(%dma_start3A_515 : memref<64x128xf32, #tpu.memory_space<hbm>>) target_semaphore(%arg15 : memref<!tpu.dma_semaphore, #tpu.memory_space<semaphore_mem>>)
    %add3A_518 = arith.constant 64 : i32
    %add3A_519 = arith.addi %mul3A_8, %add3A_518 : i32
    %dma_start3A_520 = arith.constant 0 : i32
    %dma_start3A_521 = tpu.memref_slice %arg4[%arg0, %add3A_519, %dma_start3A_520] : memref<2x10240x128xf32, #tpu.memory_space<hbm>> -> memref<1x64x128xf32, #tpu.memory_space<hbm>>
    %dma_start3A_522 = tpu.memref_squeeze %dma_start3A_521 : memref<1x64x128xf32, #tpu.memory_space<hbm>> -> memref<64x128xf32, #tpu.memory_space<hbm>>
    %dma_start3A_523 = arith.constant 0 : i32
    %dma_start3A_524 = tpu.memref_slice %arg12[%add3A_519, %dma_start3A_523] : memref<10240x128xf32, #tpu.memory_space<vmem_shared>> -> memref<64x128xf32, #tpu.memory_space<vmem_shared>>
    tpu.enqueue_dma source(%dma_start3A_524 : memref<64x128xf32, #tpu.memory_space<vmem_shared>>) target(%dma_start3A_522 : memref<64x128xf32, #tpu.memory_space<hbm>>) target_semaphore(%arg15 : memref<!tpu.dma_semaphore, #tpu.memory_space<semaphore_mem>>)
    %add3A_525 = arith.constant 128 : i32
    %add3A_526 = arith.addi %mul3A_8, %add3A_525 : i32
    %dma_start3A_527 = arith.constant 0 : i32
    %dma_start3A_528 = tpu.memref_slice %arg4[%arg0, %add3A_526, %dma_start3A_527] : memref<2x10240x128xf32, #tpu.memory_space<hbm>> -> memref<1x64x128xf32, #tpu.memory_space<hbm>>
    %dma_start3A_529 = tpu.memref_squeeze %dma_start3A_528 : memref<1x64x128xf32, #tpu.memory_space<hbm>> -> memref<64x128xf32, #tpu.memory_space<hbm>>
    %dma_start3A_530 = arith.constant 0 : i32
    %dma_start3A_531 = tpu.memref_slice %arg12[%add3A_526, %dma_start3A_530] : memref<10240x128xf32, #tpu.memory_space<vmem_shared>> -> memref<64x128xf32, #tpu.memory_space<vmem_shared>>
    tpu.enqueue_dma source(%dma_start3A_531 : memref<64x128xf32, #tpu.memory_space<vmem_shared>>) target(%dma_start3A_529 : memref<64x128xf32, #tpu.memory_space<hbm>>) target_semaphore(%arg15 : memref<!tpu.dma_semaphore, #tpu.memory_space<semaphore_mem>>)
    %add3A_532 = arith.constant 192 : i32
    %add3A_533 = arith.addi %mul3A_8, %add3A_532 : i32
    %dma_start3A_534 = arith.constant 0 : i32
    %dma_start3A_535 = tpu.memref_slice %arg4[%arg0, %add3A_533, %dma_start3A_534] : memref<2x10240x128xf32, #tpu.memory_space<hbm>> -> memref<1x64x128xf32, #tpu.memory_space<hbm>>
    %dma_start3A_536 = tpu.memref_squeeze %dma_start3A_535 : memref<1x64x128xf32, #tpu.memory_space<hbm>> -> memref<64x128xf32, #tpu.memory_space<hbm>>
    %dma_start3A_537 = arith.constant 0 : i32
    %dma_start3A_538 = tpu.memref_slice %arg12[%add3A_533, %dma_start3A_537] : memref<10240x128xf32, #tpu.memory_space<vmem_shared>> -> memref<64x128xf32, #tpu.memory_space<vmem_shared>>
    tpu.enqueue_dma source(%dma_start3A_538 : memref<64x128xf32, #tpu.memory_space<vmem_shared>>) target(%dma_start3A_536 : memref<64x128xf32, #tpu.memory_space<hbm>>) target_semaphore(%arg15 : memref<!tpu.dma_semaphore, #tpu.memory_space<semaphore_mem>>)
    %add3A_539 = arith.constant 256 : i32
    %add3A_540 = arith.addi %mul3A_8, %add3A_539 : i32
    %dma_start3A_541 = arith.constant 0 : i32
    %dma_start3A_542 = tpu.memref_slice %arg4[%arg0, %add3A_540, %dma_start3A_541] : memref<2x10240x128xf32, #tpu.memory_space<hbm>> -> memref<1x64x128xf32, #tpu.memory_space<hbm>>
    %dma_start3A_543 = tpu.memref_squeeze %dma_start3A_542 : memref<1x64x128xf32, #tpu.memory_space<hbm>> -> memref<64x128xf32, #tpu.memory_space<hbm>>
    %dma_start3A_544 = arith.constant 0 : i32
    %dma_start3A_545 = tpu.memref_slice %arg12[%add3A_540, %dma_start3A_544] : memref<10240x128xf32, #tpu.memory_space<vmem_shared>> -> memref<64x128xf32, #tpu.memory_space<vmem_shared>>
    tpu.enqueue_dma source(%dma_start3A_545 : memref<64x128xf32, #tpu.memory_space<vmem_shared>>) target(%dma_start3A_543 : memref<64x128xf32, #tpu.memory_space<hbm>>) target_semaphore(%arg15 : memref<!tpu.dma_semaphore, #tpu.memory_space<semaphore_mem>>)
    %add3A_546 = arith.constant 320 : i32
    %add3A_547 = arith.addi %mul3A_8, %add3A_546 : i32
    %dma_start3A_548 = arith.constant 0 : i32
    %dma_start3A_549 = tpu.memref_slice %arg4[%arg0, %add3A_547, %dma_start3A_548] : memref<2x10240x128xf32, #tpu.memory_space<hbm>> -> memref<1x64x128xf32, #tpu.memory_space<hbm>>
    %dma_start3A_550 = tpu.memref_squeeze %dma_start3A_549 : memref<1x64x128xf32, #tpu.memory_space<hbm>> -> memref<64x128xf32, #tpu.memory_space<hbm>>
    %dma_start3A_551 = arith.constant 0 : i32
    %dma_start3A_552 = tpu.memref_slice %arg12[%add3A_547, %dma_start3A_551] : memref<10240x128xf32, #tpu.memory_space<vmem_shared>> -> memref<64x128xf32, #tpu.memory_space<vmem_shared>>
    tpu.enqueue_dma source(%dma_start3A_552 : memref<64x128xf32, #tpu.memory_space<vmem_shared>>) target(%dma_start3A_550 : memref<64x128xf32, #tpu.memory_space<hbm>>) target_semaphore(%arg15 : memref<!tpu.dma_semaphore, #tpu.memory_space<semaphore_mem>>)
    %add3A_553 = arith.constant 384 : i32
    %add3A_554 = arith.addi %mul3A_8, %add3A_553 : i32
    %dma_start3A_555 = arith.constant 0 : i32
    %dma_start3A_556 = tpu.memref_slice %arg4[%arg0, %add3A_554, %dma_start3A_555] : memref<2x10240x128xf32, #tpu.memory_space<hbm>> -> memref<1x64x128xf32, #tpu.memory_space<hbm>>
    %dma_start3A_557 = tpu.memref_squeeze %dma_start3A_556 : memref<1x64x128xf32, #tpu.memory_space<hbm>> -> memref<64x128xf32, #tpu.memory_space<hbm>>
    %dma_start3A_558 = arith.constant 0 : i32
    %dma_start3A_559 = tpu.memref_slice %arg12[%add3A_554, %dma_start3A_558] : memref<10240x128xf32, #tpu.memory_space<vmem_shared>> -> memref<64x128xf32, #tpu.memory_space<vmem_shared>>
    tpu.enqueue_dma source(%dma_start3A_559 : memref<64x128xf32, #tpu.memory_space<vmem_shared>>) target(%dma_start3A_557 : memref<64x128xf32, #tpu.memory_space<hbm>>) target_semaphore(%arg15 : memref<!tpu.dma_semaphore, #tpu.memory_space<semaphore_mem>>)
    %add3A_560 = arith.constant 448 : i32
    %add3A_561 = arith.addi %mul3A_8, %add3A_560 : i32
    %dma_start3A_562 = arith.constant 0 : i32
    %dma_start3A_563 = tpu.memref_slice %arg4[%arg0, %add3A_561, %dma_start3A_562] : memref<2x10240x128xf32, #tpu.memory_space<hbm>> -> memref<1x64x128xf32, #tpu.memory_space<hbm>>
    %dma_start3A_564 = tpu.memref_squeeze %dma_start3A_563 : memref<1x64x128xf32, #tpu.memory_space<hbm>> -> memref<64x128xf32, #tpu.memory_space<hbm>>
    %dma_start3A_565 = arith.constant 0 : i32
    %dma_start3A_566 = tpu.memref_slice %arg12[%add3A_561, %dma_start3A_565] : memref<10240x128xf32, #tpu.memory_space<vmem_shared>> -> memref<64x128xf32, #tpu.memory_space<vmem_shared>>
    tpu.enqueue_dma source(%dma_start3A_566 : memref<64x128xf32, #tpu.memory_space<vmem_shared>>) target(%dma_start3A_564 : memref<64x128xf32, #tpu.memory_space<hbm>>) target_semaphore(%arg15 : memref<!tpu.dma_semaphore, #tpu.memory_space<semaphore_mem>>)
    %add3A_567 = arith.constant 512 : i32
    %add3A_568 = arith.addi %mul3A_8, %add3A_567 : i32
    %dma_start3A_569 = arith.constant 0 : i32
    %dma_start3A_570 = tpu.memref_slice %arg4[%arg0, %add3A_568, %dma_start3A_569] : memref<2x10240x128xf32, #tpu.memory_space<hbm>> -> memref<1x64x128xf32, #tpu.memory_space<hbm>>
    %dma_start3A_571 = tpu.memref_squeeze %dma_start3A_570 : memref<1x64x128xf32, #tpu.memory_space<hbm>> -> memref<64x128xf32, #tpu.memory_space<hbm>>
    %dma_start3A_572 = arith.constant 0 : i32
    %dma_start3A_573 = tpu.memref_slice %arg12[%add3A_568, %dma_start3A_572] : memref<10240x128xf32, #tpu.memory_space<vmem_shared>> -> memref<64x128xf32, #tpu.memory_space<vmem_shared>>
    tpu.enqueue_dma source(%dma_start3A_573 : memref<64x128xf32, #tpu.memory_space<vmem_shared>>) target(%dma_start3A_571 : memref<64x128xf32, #tpu.memory_space<hbm>>) target_semaphore(%arg15 : memref<!tpu.dma_semaphore, #tpu.memory_space<semaphore_mem>>)
    %add3A_574 = arith.constant 576 : i32
    %add3A_575 = arith.addi %mul3A_8, %add3A_574 : i32
    %dma_start3A_576 = arith.constant 0 : i32
    %dma_start3A_577 = tpu.memref_slice %arg4[%arg0, %add3A_575, %dma_start3A_576] : memref<2x10240x128xf32, #tpu.memory_space<hbm>> -> memref<1x64x128xf32, #tpu.memory_space<hbm>>
    %dma_start3A_578 = tpu.memref_squeeze %dma_start3A_577 : memref<1x64x128xf32, #tpu.memory_space<hbm>> -> memref<64x128xf32, #tpu.memory_space<hbm>>
    %dma_start3A_579 = arith.constant 0 : i32
    %dma_start3A_580 = tpu.memref_slice %arg12[%add3A_575, %dma_start3A_579] : memref<10240x128xf32, #tpu.memory_space<vmem_shared>> -> memref<64x128xf32, #tpu.memory_space<vmem_shared>>
    tpu.enqueue_dma source(%dma_start3A_580 : memref<64x128xf32, #tpu.memory_space<vmem_shared>>) target(%dma_start3A_578 : memref<64x128xf32, #tpu.memory_space<hbm>>) target_semaphore(%arg15 : memref<!tpu.dma_semaphore, #tpu.memory_space<semaphore_mem>>)
    %add3A_581 = arith.constant 0 : i32
    %add3A_582 = arith.addi %mul3A_8, %add3A_581 : i32
    %dma_wait3A_583 = arith.constant 0 : i32
    %dma_wait3A_584 = tpu.memref_slice %arg4[%arg0, %add3A_582, %dma_wait3A_583] : memref<2x10240x128xf32, #tpu.memory_space<hbm>> -> memref<1x64x128xf32, #tpu.memory_space<hbm>>
    %dma_wait3A_585 = tpu.memref_squeeze %dma_wait3A_584 : memref<1x64x128xf32, #tpu.memory_space<hbm>> -> memref<64x128xf32, #tpu.memory_space<hbm>>
    %dma_wait3A_586 = arith.constant 0 : i32
    %dma_wait3A_587 = tpu.memref_slice %arg12[%add3A_582, %dma_wait3A_586] : memref<10240x128xf32, #tpu.memory_space<vmem_shared>> -> memref<64x128xf32, #tpu.memory_space<vmem_shared>>
    tpu.wait_dma2 semaphore(%arg15 : memref<!tpu.dma_semaphore, #tpu.memory_space<semaphore_mem>>) src(%dma_wait3A_587 : memref<64x128xf32, #tpu.memory_space<vmem_shared>>) dst(%dma_wait3A_585 : memref<64x128xf32, #tpu.memory_space<hbm>>)
    %add3A_588 = arith.constant 64 : i32
    %add3A_589 = arith.addi %mul3A_8, %add3A_588 : i32
    %dma_wait3A_590 = arith.constant 0 : i32
    %dma_wait3A_591 = tpu.memref_slice %arg4[%arg0, %add3A_589, %dma_wait3A_590] : memref<2x10240x128xf32, #tpu.memory_space<hbm>> -> memref<1x64x128xf32, #tpu.memory_space<hbm>>
    %dma_wait3A_592 = tpu.memref_squeeze %dma_wait3A_591 : memref<1x64x128xf32, #tpu.memory_space<hbm>> -> memref<64x128xf32, #tpu.memory_space<hbm>>
    %dma_wait3A_593 = arith.constant 0 : i32
    %dma_wait3A_594 = tpu.memref_slice %arg12[%add3A_589, %dma_wait3A_593] : memref<10240x128xf32, #tpu.memory_space<vmem_shared>> -> memref<64x128xf32, #tpu.memory_space<vmem_shared>>
    tpu.wait_dma2 semaphore(%arg15 : memref<!tpu.dma_semaphore, #tpu.memory_space<semaphore_mem>>) src(%dma_wait3A_594 : memref<64x128xf32, #tpu.memory_space<vmem_shared>>) dst(%dma_wait3A_592 : memref<64x128xf32, #tpu.memory_space<hbm>>)
    %add3A_595 = arith.constant 128 : i32
    %add3A_596 = arith.addi %mul3A_8, %add3A_595 : i32
    %dma_wait3A_597 = arith.constant 0 : i32
    %dma_wait3A_598 = tpu.memref_slice %arg4[%arg0, %add3A_596, %dma_wait3A_597] : memref<2x10240x128xf32, #tpu.memory_space<hbm>> -> memref<1x64x128xf32, #tpu.memory_space<hbm>>
    %dma_wait3A_599 = tpu.memref_squeeze %dma_wait3A_598 : memref<1x64x128xf32, #tpu.memory_space<hbm>> -> memref<64x128xf32, #tpu.memory_space<hbm>>
    %dma_wait3A_600 = arith.constant 0 : i32
    %dma_wait3A_601 = tpu.memref_slice %arg12[%add3A_596, %dma_wait3A_600] : memref<10240x128xf32, #tpu.memory_space<vmem_shared>> -> memref<64x128xf32, #tpu.memory_space<vmem_shared>>
    tpu.wait_dma2 semaphore(%arg15 : memref<!tpu.dma_semaphore, #tpu.memory_space<semaphore_mem>>) src(%dma_wait3A_601 : memref<64x128xf32, #tpu.memory_space<vmem_shared>>) dst(%dma_wait3A_599 : memref<64x128xf32, #tpu.memory_space<hbm>>)
    %add3A_602 = arith.constant 192 : i32
    %add3A_603 = arith.addi %mul3A_8, %add3A_602 : i32
    %dma_wait3A_604 = arith.constant 0 : i32
    %dma_wait3A_605 = tpu.memref_slice %arg4[%arg0, %add3A_603, %dma_wait3A_604] : memref<2x10240x128xf32, #tpu.memory_space<hbm>> -> memref<1x64x128xf32, #tpu.memory_space<hbm>>
    %dma_wait3A_606 = tpu.memref_squeeze %dma_wait3A_605 : memref<1x64x128xf32, #tpu.memory_space<hbm>> -> memref<64x128xf32, #tpu.memory_space<hbm>>
    %dma_wait3A_607 = arith.constant 0 : i32
    %dma_wait3A_608 = tpu.memref_slice %arg12[%add3A_603, %dma_wait3A_607] : memref<10240x128xf32, #tpu.memory_space<vmem_shared>> -> memref<64x128xf32, #tpu.memory_space<vmem_shared>>
    tpu.wait_dma2 semaphore(%arg15 : memref<!tpu.dma_semaphore, #tpu.memory_space<semaphore_mem>>) src(%dma_wait3A_608 : memref<64x128xf32, #tpu.memory_space<vmem_shared>>) dst(%dma_wait3A_606 : memref<64x128xf32, #tpu.memory_space<hbm>>)
    %add3A_609 = arith.constant 256 : i32
    %add3A_610 = arith.addi %mul3A_8, %add3A_609 : i32
    %dma_wait3A_611 = arith.constant 0 : i32
    %dma_wait3A_612 = tpu.memref_slice %arg4[%arg0, %add3A_610, %dma_wait3A_611] : memref<2x10240x128xf32, #tpu.memory_space<hbm>> -> memref<1x64x128xf32, #tpu.memory_space<hbm>>
    %dma_wait3A_613 = tpu.memref_squeeze %dma_wait3A_612 : memref<1x64x128xf32, #tpu.memory_space<hbm>> -> memref<64x128xf32, #tpu.memory_space<hbm>>
    %dma_wait3A_614 = arith.constant 0 : i32
    %dma_wait3A_615 = tpu.memref_slice %arg12[%add3A_610, %dma_wait3A_614] : memref<10240x128xf32, #tpu.memory_space<vmem_shared>> -> memref<64x128xf32, #tpu.memory_space<vmem_shared>>
    tpu.wait_dma2 semaphore(%arg15 : memref<!tpu.dma_semaphore, #tpu.memory_space<semaphore_mem>>) src(%dma_wait3A_615 : memref<64x128xf32, #tpu.memory_space<vmem_shared>>) dst(%dma_wait3A_613 : memref<64x128xf32, #tpu.memory_space<hbm>>)
    %add3A_616 = arith.constant 320 : i32
    %add3A_617 = arith.addi %mul3A_8, %add3A_616 : i32
    %dma_wait3A_618 = arith.constant 0 : i32
    %dma_wait3A_619 = tpu.memref_slice %arg4[%arg0, %add3A_617, %dma_wait3A_618] : memref<2x10240x128xf32, #tpu.memory_space<hbm>> -> memref<1x64x128xf32, #tpu.memory_space<hbm>>
    %dma_wait3A_620 = tpu.memref_squeeze %dma_wait3A_619 : memref<1x64x128xf32, #tpu.memory_space<hbm>> -> memref<64x128xf32, #tpu.memory_space<hbm>>
    %dma_wait3A_621 = arith.constant 0 : i32
    %dma_wait3A_622 = tpu.memref_slice %arg12[%add3A_617, %dma_wait3A_621] : memref<10240x128xf32, #tpu.memory_space<vmem_shared>> -> memref<64x128xf32, #tpu.memory_space<vmem_shared>>
    tpu.wait_dma2 semaphore(%arg15 : memref<!tpu.dma_semaphore, #tpu.memory_space<semaphore_mem>>) src(%dma_wait3A_622 : memref<64x128xf32, #tpu.memory_space<vmem_shared>>) dst(%dma_wait3A_620 : memref<64x128xf32, #tpu.memory_space<hbm>>)
    %add3A_623 = arith.constant 384 : i32
    %add3A_624 = arith.addi %mul3A_8, %add3A_623 : i32
    %dma_wait3A_625 = arith.constant 0 : i32
    %dma_wait3A_626 = tpu.memref_slice %arg4[%arg0, %add3A_624, %dma_wait3A_625] : memref<2x10240x128xf32, #tpu.memory_space<hbm>> -> memref<1x64x128xf32, #tpu.memory_space<hbm>>
    %dma_wait3A_627 = tpu.memref_squeeze %dma_wait3A_626 : memref<1x64x128xf32, #tpu.memory_space<hbm>> -> memref<64x128xf32, #tpu.memory_space<hbm>>
    %dma_wait3A_628 = arith.constant 0 : i32
    %dma_wait3A_629 = tpu.memref_slice %arg12[%add3A_624, %dma_wait3A_628] : memref<10240x128xf32, #tpu.memory_space<vmem_shared>> -> memref<64x128xf32, #tpu.memory_space<vmem_shared>>
    tpu.wait_dma2 semaphore(%arg15 : memref<!tpu.dma_semaphore, #tpu.memory_space<semaphore_mem>>) src(%dma_wait3A_629 : memref<64x128xf32, #tpu.memory_space<vmem_shared>>) dst(%dma_wait3A_627 : memref<64x128xf32, #tpu.memory_space<hbm>>)
    %add3A_630 = arith.constant 448 : i32
    %add3A_631 = arith.addi %mul3A_8, %add3A_630 : i32
    %dma_wait3A_632 = arith.constant 0 : i32
    %dma_wait3A_633 = tpu.memref_slice %arg4[%arg0, %add3A_631, %dma_wait3A_632] : memref<2x10240x128xf32, #tpu.memory_space<hbm>> -> memref<1x64x128xf32, #tpu.memory_space<hbm>>
    %dma_wait3A_634 = tpu.memref_squeeze %dma_wait3A_633 : memref<1x64x128xf32, #tpu.memory_space<hbm>> -> memref<64x128xf32, #tpu.memory_space<hbm>>
    %dma_wait3A_635 = arith.constant 0 : i32
    %dma_wait3A_636 = tpu.memref_slice %arg12[%add3A_631, %dma_wait3A_635] : memref<10240x128xf32, #tpu.memory_space<vmem_shared>> -> memref<64x128xf32, #tpu.memory_space<vmem_shared>>
    tpu.wait_dma2 semaphore(%arg15 : memref<!tpu.dma_semaphore, #tpu.memory_space<semaphore_mem>>) src(%dma_wait3A_636 : memref<64x128xf32, #tpu.memory_space<vmem_shared>>) dst(%dma_wait3A_634 : memref<64x128xf32, #tpu.memory_space<hbm>>)
    %add3A_637 = arith.constant 512 : i32
    %add3A_638 = arith.addi %mul3A_8, %add3A_637 : i32
    %dma_wait3A_639 = arith.constant 0 : i32
    %dma_wait3A_640 = tpu.memref_slice %arg4[%arg0, %add3A_638, %dma_wait3A_639] : memref<2x10240x128xf32, #tpu.memory_space<hbm>> -> memref<1x64x128xf32, #tpu.memory_space<hbm>>
    %dma_wait3A_641 = tpu.memref_squeeze %dma_wait3A_640 : memref<1x64x128xf32, #tpu.memory_space<hbm>> -> memref<64x128xf32, #tpu.memory_space<hbm>>
    %dma_wait3A_642 = arith.constant 0 : i32
    %dma_wait3A_643 = tpu.memref_slice %arg12[%add3A_638, %dma_wait3A_642] : memref<10240x128xf32, #tpu.memory_space<vmem_shared>> -> memref<64x128xf32, #tpu.memory_space<vmem_shared>>
    tpu.wait_dma2 semaphore(%arg15 : memref<!tpu.dma_semaphore, #tpu.memory_space<semaphore_mem>>) src(%dma_wait3A_643 : memref<64x128xf32, #tpu.memory_space<vmem_shared>>) dst(%dma_wait3A_641 : memref<64x128xf32, #tpu.memory_space<hbm>>)
    %add3A_644 = arith.constant 576 : i32
    %add3A_645 = arith.addi %mul3A_8, %add3A_644 : i32
    %dma_wait3A_646 = arith.constant 0 : i32
    %dma_wait3A_647 = tpu.memref_slice %arg4[%arg0, %add3A_645, %dma_wait3A_646] : memref<2x10240x128xf32, #tpu.memory_space<hbm>> -> memref<1x64x128xf32, #tpu.memory_space<hbm>>
    %dma_wait3A_648 = tpu.memref_squeeze %dma_wait3A_647 : memref<1x64x128xf32, #tpu.memory_space<hbm>> -> memref<64x128xf32, #tpu.memory_space<hbm>>
    %dma_wait3A_649 = arith.constant 0 : i32
    %dma_wait3A_650 = tpu.memref_slice %arg12[%add3A_645, %dma_wait3A_649] : memref<10240x128xf32, #tpu.memory_space<vmem_shared>> -> memref<64x128xf32, #tpu.memory_space<vmem_shared>>
    tpu.wait_dma2 semaphore(%arg15 : memref<!tpu.dma_semaphore, #tpu.memory_space<semaphore_mem>>) src(%dma_wait3A_650 : memref<64x128xf32, #tpu.memory_space<vmem_shared>>) dst(%dma_wait3A_648 : memref<64x128xf32, #tpu.memory_space<hbm>>)
    return
  }
}

module attributes {stable_mosaic.version = 14 : i64} {
  func.func @_dense_body(%arg0: i32, %arg1: memref<400x128xf32, #tpu.memory_space<vmem>>, %arg2: memref<2x400x128xf32, #tpu.memory_space<vmem>>, %arg3: memref<128x128xf32, #tpu.memory_space<vmem>>, %arg4: memref<128x128xf32, #tpu.memory_space<vmem>>, %arg5: memref<1x128xf32, #tpu.memory_space<vmem>>, %arg6: memref<1x128xf32, #tpu.memory_space<vmem>>, %arg7: memref<1x128xf32, #tpu.memory_space<vmem>>, %arg8: memref<1x128xf32, #tpu.memory_space<vmem>>, %arg9: memref<1x128xf32, #tpu.memory_space<vmem>>, %arg10: memref<1x128xf32, #tpu.memory_space<vmem>>, %arg11: memref<400x128xf32, #tpu.memory_space<vmem>>) attributes {dimension_semantics = [#tpu.dimension_semantics<arbitrary>], iteration_bounds = array<i64: 25>, scalar_prefetch = 0 : i64, scratch_operands = 0 : i64, tpu.core_type = #tpu.core_type<tc>, window_params = [{transform_indices = @transform_0, window_bounds = array<i64: 400, 128>}, {transform_indices = @transform_1, window_bounds = array<i64: 2, 400, 128>}, {pipeline_mode = #tpu.pipeline_mode<synchronous>, transform_indices = @transform_2, window_bounds = array<i64: 128, 128>}, {pipeline_mode = #tpu.pipeline_mode<synchronous>, transform_indices = @transform_3, window_bounds = array<i64: 128, 128>}, {pipeline_mode = #tpu.pipeline_mode<synchronous>, transform_indices = @transform_4, window_bounds = array<i64: 1, 128>}, {pipeline_mode = #tpu.pipeline_mode<synchronous>, transform_indices = @transform_5, window_bounds = array<i64: 1, 128>}, {pipeline_mode = #tpu.pipeline_mode<synchronous>, transform_indices = @transform_6, window_bounds = array<i64: 1, 128>}, {pipeline_mode = #tpu.pipeline_mode<synchronous>, transform_indices = @transform_7, window_bounds = array<i64: 1, 128>}, {pipeline_mode = #tpu.pipeline_mode<synchronous>, transform_indices = @transform_8, window_bounds = array<i64: 1, 128>}, {pipeline_mode = #tpu.pipeline_mode<synchronous>, transform_indices = @transform_9, window_bounds = array<i64: 1, 128>}, {transform_indices = @transform_10, window_bounds = array<i64: 400, 128>}]} {
    %get3A = arith.constant 0 : index
    %get3A_0 = arith.constant 0 : index
    %get3A_1 = arith.constant 0 : index
    %get3A_2 = vector.load %arg2[%get3A, %get3A_0, %get3A_1] : memref<2x400x128xf32, #tpu.memory_space<vmem>>, vector<1x400x128xf32>
    %get3A_3 = vector.shape_cast %get3A_2 : vector<1x400x128xf32> to vector<400x128xf32>
    %get3A_4 = arith.constant 1 : index
    %get3A_5 = arith.constant 0 : index
    %get3A_6 = arith.constant 0 : index
    %get3A_7 = vector.load %arg2[%get3A_4, %get3A_5, %get3A_6] : memref<2x400x128xf32, #tpu.memory_space<vmem>>, vector<1x400x128xf32>
    %get3A_8 = vector.shape_cast %get3A_7 : vector<1x400x128xf32> to vector<400x128xf32>
    %add3A = arith.addf %get3A_3, %get3A_8 : vector<400x128xf32>
    %get3A_9 = arith.constant 0 : index
    %get3A_10 = arith.constant 0 : index
    %get3A_11 = vector.load %arg1[%get3A_9, %get3A_10] : memref<400x128xf32, #tpu.memory_space<vmem>>, vector<400x128xf32>
    %get3A_12 = arith.constant 0 : index
    %get3A_13 = arith.constant 0 : index
    %get3A_14 = vector.load %arg5[%get3A_12, %get3A_13] : memref<1x128xf32, #tpu.memory_space<vmem>>, vector<1x128xf32>
    %get3A_15 = arith.constant 0 : index
    %get3A_16 = arith.constant 0 : index
    %get3A_17 = vector.load %arg7[%get3A_15, %get3A_16] : memref<1x128xf32, #tpu.memory_space<vmem>>, vector<1x128xf32>
    %get3A_18 = arith.constant 0 : index
    %get3A_19 = arith.constant 0 : index
    %get3A_20 = vector.load %arg9[%get3A_18, %get3A_19] : memref<1x128xf32, #tpu.memory_space<vmem>>, vector<1x128xf32>
    %get3A_21 = arith.constant 0 : index
    %get3A_22 = arith.constant 0 : index
    %get3A_23 = vector.load %arg3[%get3A_21, %get3A_22] : memref<128x128xf32, #tpu.memory_space<vmem>>, vector<128x128xf32>
    %dot_general3A = arith.constant dense<0.000000e+00> : vector<400x128xf32>
    %dot_general3A_24 = tpu.matmul %get3A_11, %get3A_23, %dot_general3A {dimension_numbers = #tpu.dot_dimension_numbers<[1], [1], [0], [0], [0, 0, 1, 0], [], []>, precision = #tpu.contract_precision<fp32>, transpose_lhs_hint = false} : vector<400x128xf32>, vector<128x128xf32>, vector<400x128xf32> -> vector<400x128xf32>
    %add3A_25 = vector.broadcast %get3A_14 : vector<1x128xf32> to vector<400x128xf32>
    %add3A_26 = arith.addf %dot_general3A_24, %add3A_25 : vector<400x128xf32>
    %max3A = arith.constant 0.000000e+00 : f32
    %max3A_27 = vector.broadcast %max3A : f32 to vector<400x128xf32>
    %max3A_28 = arith.maximumf %add3A_26, %max3A_27 : vector<400x128xf32>
    %reduce_sum3A = arith.constant dense<0.000000e+00> : vector<400xf32>
    %reduce_sum3A_29 = vector.multi_reduction <add>, %max3A_28, %reduce_sum3A [1] : vector<400x128xf32> to vector<400xf32>
    %broadcast_in_dim3A = vector.shape_cast %reduce_sum3A_29 : vector<400xf32> to vector<400x1xf32>
    %div3A = arith.constant 1.280000e+02 : f32
    %div3A_30 = vector.broadcast %div3A : f32 to vector<400x1xf32>
    %div3A_31 = arith.divf %broadcast_in_dim3A, %div3A_30 : vector<400x1xf32>
    %sub3A = vector.broadcast %div3A_31 : vector<400x1xf32> to vector<400x128xf32>
    %sub3A_32 = arith.subf %max3A_28, %sub3A : vector<400x128xf32>
    %mul3A = arith.mulf %sub3A_32, %sub3A_32 : vector<400x128xf32>
    %reduce_sum3A_33 = arith.constant dense<0.000000e+00> : vector<400xf32>
    %reduce_sum3A_34 = vector.multi_reduction <add>, %mul3A, %reduce_sum3A_33 [1] : vector<400x128xf32> to vector<400xf32>
    %broadcast_in_dim3A_35 = vector.shape_cast %reduce_sum3A_34 : vector<400xf32> to vector<400x1xf32>
    %div3A_36 = arith.constant 1.280000e+02 : f32
    %div3A_37 = vector.broadcast %div3A_36 : f32 to vector<400x1xf32>
    %div3A_38 = arith.divf %broadcast_in_dim3A_35, %div3A_37 : vector<400x1xf32>
    %add3A_39 = arith.constant 9.99999971E-10 : f32
    %add3A_40 = vector.broadcast %add3A_39 : f32 to vector<400x1xf32>
    %add3A_41 = arith.addf %div3A_38, %add3A_40 : vector<400x1xf32>
    %mul3A_42 = vector.broadcast %get3A_17 : vector<1x128xf32> to vector<400x128xf32>
    %mul3A_43 = arith.mulf %sub3A_32, %mul3A_42 : vector<400x128xf32>
    %rsqrt3A = math.rsqrt %add3A_41 : vector<400x1xf32>
    %mul3A_44 = vector.broadcast %rsqrt3A : vector<400x1xf32> to vector<400x128xf32>
    %mul3A_45 = arith.mulf %mul3A_43, %mul3A_44 : vector<400x128xf32>
    %add3A_46 = vector.broadcast %get3A_20 : vector<1x128xf32> to vector<400x128xf32>
    %add3A_47 = arith.addf %mul3A_45, %add3A_46 : vector<400x128xf32>
    %get3A_48 = arith.constant 0 : index
    %get3A_49 = arith.constant 0 : index
    %get3A_50 = vector.load %arg6[%get3A_48, %get3A_49] : memref<1x128xf32, #tpu.memory_space<vmem>>, vector<1x128xf32>
    %get3A_51 = arith.constant 0 : index
    %get3A_52 = arith.constant 0 : index
    %get3A_53 = vector.load %arg8[%get3A_51, %get3A_52] : memref<1x128xf32, #tpu.memory_space<vmem>>, vector<1x128xf32>
    %get3A_54 = arith.constant 0 : index
    %get3A_55 = arith.constant 0 : index
    %get3A_56 = vector.load %arg10[%get3A_54, %get3A_55] : memref<1x128xf32, #tpu.memory_space<vmem>>, vector<1x128xf32>
    %get3A_57 = arith.constant 0 : index
    %get3A_58 = arith.constant 0 : index
    %get3A_59 = vector.load %arg4[%get3A_57, %get3A_58] : memref<128x128xf32, #tpu.memory_space<vmem>>, vector<128x128xf32>
    %dot_general3A_60 = arith.constant dense<0.000000e+00> : vector<400x128xf32>
    %dot_general3A_61 = tpu.matmul %add3A, %get3A_59, %dot_general3A_60 {dimension_numbers = #tpu.dot_dimension_numbers<[1], [1], [0], [0], [0, 0, 1, 0], [], []>, precision = #tpu.contract_precision<fp32>, transpose_lhs_hint = false} : vector<400x128xf32>, vector<128x128xf32>, vector<400x128xf32> -> vector<400x128xf32>
    %add3A_62 = vector.broadcast %get3A_50 : vector<1x128xf32> to vector<400x128xf32>
    %add3A_63 = arith.addf %dot_general3A_61, %add3A_62 : vector<400x128xf32>
    %max3A_64 = arith.constant 0.000000e+00 : f32
    %max3A_65 = vector.broadcast %max3A_64 : f32 to vector<400x128xf32>
    %max3A_66 = arith.maximumf %add3A_63, %max3A_65 : vector<400x128xf32>
    %reduce_sum3A_67 = arith.constant dense<0.000000e+00> : vector<400xf32>
    %reduce_sum3A_68 = vector.multi_reduction <add>, %max3A_66, %reduce_sum3A_67 [1] : vector<400x128xf32> to vector<400xf32>
    %broadcast_in_dim3A_69 = vector.shape_cast %reduce_sum3A_68 : vector<400xf32> to vector<400x1xf32>
    %div3A_70 = arith.constant 1.280000e+02 : f32
    %div3A_71 = vector.broadcast %div3A_70 : f32 to vector<400x1xf32>
    %div3A_72 = arith.divf %broadcast_in_dim3A_69, %div3A_71 : vector<400x1xf32>
    %sub3A_73 = vector.broadcast %div3A_72 : vector<400x1xf32> to vector<400x128xf32>
    %sub3A_74 = arith.subf %max3A_66, %sub3A_73 : vector<400x128xf32>
    %mul3A_75 = arith.mulf %sub3A_74, %sub3A_74 : vector<400x128xf32>
    %reduce_sum3A_76 = arith.constant dense<0.000000e+00> : vector<400xf32>
    %reduce_sum3A_77 = vector.multi_reduction <add>, %mul3A_75, %reduce_sum3A_76 [1] : vector<400x128xf32> to vector<400xf32>
    %broadcast_in_dim3A_78 = vector.shape_cast %reduce_sum3A_77 : vector<400xf32> to vector<400x1xf32>
    %div3A_79 = arith.constant 1.280000e+02 : f32
    %div3A_80 = vector.broadcast %div3A_79 : f32 to vector<400x1xf32>
    %div3A_81 = arith.divf %broadcast_in_dim3A_78, %div3A_80 : vector<400x1xf32>
    %add3A_82 = arith.constant 9.99999971E-10 : f32
    %add3A_83 = vector.broadcast %add3A_82 : f32 to vector<400x1xf32>
    %add3A_84 = arith.addf %div3A_81, %add3A_83 : vector<400x1xf32>
    %mul3A_85 = vector.broadcast %get3A_53 : vector<1x128xf32> to vector<400x128xf32>
    %mul3A_86 = arith.mulf %sub3A_74, %mul3A_85 : vector<400x128xf32>
    %rsqrt3A_87 = math.rsqrt %add3A_84 : vector<400x1xf32>
    %mul3A_88 = vector.broadcast %rsqrt3A_87 : vector<400x1xf32> to vector<400x128xf32>
    %mul3A_89 = arith.mulf %mul3A_86, %mul3A_88 : vector<400x128xf32>
    %add3A_90 = vector.broadcast %get3A_56 : vector<1x128xf32> to vector<400x128xf32>
    %add3A_91 = arith.addf %mul3A_89, %add3A_90 : vector<400x128xf32>
    %add3A_92 = arith.addf %add3A_47, %add3A_91 : vector<400x128xf32>
    %swap3A = arith.constant 0 : index
    %swap3A_93 = arith.constant 0 : index
    %swap3A_94 = vector.load %arg11[%swap3A, %swap3A_93] : memref<400x128xf32, #tpu.memory_space<vmem>>, vector<400x128xf32>
    tpu.vector_store %arg11[%swap3A, %swap3A_93], %add3A_92 {strides = array<i32>} : memref<400x128xf32, #tpu.memory_space<vmem>>, vector<400x128xf32>,
    return
  }
  func.func @transform_0(%arg0: i32) -> (i32, i32) {
    %c0_i32 = arith.constant 0 : i32
    %c0_i32_0 = arith.constant 0 : i32
    return %arg0, %c0_i32 : i32, i32
  }
  func.func @transform_1(%arg0: i32) -> (i32, i32, i32) {
    %c0_i32 = arith.constant 0 : i32
    %c0_i32_0 = arith.constant 0 : i32
    %c0_i32_1 = arith.constant 0 : i32
    return %c0_i32, %arg0, %c0_i32_0 : i32, i32, i32
  }
  func.func @transform_2(%arg0: i32) -> (i32, i32) {
    %c0_i32 = arith.constant 0 : i32
    %c0_i32_0 = arith.constant 0 : i32
    %c0_i32_1 = arith.constant 0 : i32
    return %c0_i32, %c0_i32_0 : i32, i32
  }
  func.func @transform_3(%arg0: i32) -> (i32, i32) {
    %c0_i32 = arith.constant 0 : i32
    %c0_i32_0 = arith.constant 0 : i32
    %c0_i32_1 = arith.constant 0 : i32
    return %c0_i32, %c0_i32_0 : i32, i32
  }
  func.func @transform_4(%arg0: i32) -> (i32, i32) {
    %c0_i32 = arith.constant 0 : i32
    %c0_i32_0 = arith.constant 0 : i32
    %c0_i32_1 = arith.constant 0 : i32
    return %c0_i32, %c0_i32_0 : i32, i32
  }
  func.func @transform_5(%arg0: i32) -> (i32, i32) {
    %c0_i32 = arith.constant 0 : i32
    %c0_i32_0 = arith.constant 0 : i32
    %c0_i32_1 = arith.constant 0 : i32
    return %c0_i32, %c0_i32_0 : i32, i32
  }
  func.func @transform_6(%arg0: i32) -> (i32, i32) {
    %c0_i32 = arith.constant 0 : i32
    %c0_i32_0 = arith.constant 0 : i32
    %c0_i32_1 = arith.constant 0 : i32
    return %c0_i32, %c0_i32_0 : i32, i32
  }
  func.func @transform_7(%arg0: i32) -> (i32, i32) {
    %c0_i32 = arith.constant 0 : i32
    %c0_i32_0 = arith.constant 0 : i32
    %c0_i32_1 = arith.constant 0 : i32
    return %c0_i32, %c0_i32_0 : i32, i32
  }
  func.func @transform_8(%arg0: i32) -> (i32, i32) {
    %c0_i32 = arith.constant 0 : i32
    %c0_i32_0 = arith.constant 0 : i32
    %c0_i32_1 = arith.constant 0 : i32
    return %c0_i32, %c0_i32_0 : i32, i32
  }
  func.func @transform_9(%arg0: i32) -> (i32, i32) {
    %c0_i32 = arith.constant 0 : i32
    %c0_i32_0 = arith.constant 0 : i32
    %c0_i32_1 = arith.constant 0 : i32
    return %c0_i32, %c0_i32_0 : i32, i32
  }
  func.func @transform_10(%arg0: i32) -> (i32, i32) {
    %c0_i32 = arith.constant 0 : i32
    %c0_i32_0 = arith.constant 0 : i32
    return %arg0, %c0_i32 : i32, i32
  }
}

</mosaic_0001>

<sc_bundles>
// kernel: kernel.4.cloned.1.call-start
scs
__scs_entry_jumppad:
0x0: {  	(pc) =	sbr.rel $0x88, $3  }
0x1: {  	(tag) =	ssettag $0x0;
	lr =	simm.s32 $0x1  }
0x2: {  	[smem:$0x3F96] =	sst lr;
	_ =	strace $0xD0000000  }
0x3: {  	_ = 	snop  }
0x4: {  	_ = 	snop  }
0x5: {  	_ = 	snop  }
0x6: {  	_ = 	snop  }
0x7: {  	_ = 	snop  }
__scs_overlays_trampoline_lowered:
0x8: {  	[smem:$0x3FA5] =	sst s0  }
0x9: {  	[smem:$0x3FA6] =	sst s1  }
0xa: {  	[smem:$0x3FA7] =	sst s2  }
0xb: {  	[smem:$0x3FA8] =	sst s3  }
0xc: {  	[smem:$0x3FA9] =	sst s4  }
0xd: {  	[smem:$0x3FAA] =	sst s5  }
0xe: {  	[smem:$0x3FAB] =	sst s6  }
0xf: {  	[smem:$0x3FAC] =	sst s7  }
0x10: {  	[smem:$0x3FAD] =	sst s8  }
0x11: {  	[smem:$0x3FAE] =	sst s9;
	s0 =	simm.s32 @!p0 $0x0  }
0x12: {  	s1 =	sld [smem:$0x3F94];
	s0 =	simm.s32 @p0 $0x1  }
0x13: {  	[smem:$0x3FAF] =	sst s0;
	s0 =	simm.s32 @!p1 $0x0  }
0x14: {  	s2 =	sld [smem:$0x3F93];
	s0 =	simm.s32 @p1 $0x1  }
0x15: {  	[smem:$0x3FB0] =	sst s0;
	s0 =	simm.s32 @!p2 $0x0  }
0x16: {  	s3 =	sld [smem:$0x3FDB];
	s0 =	simm.s32 @p2 $0x1  }
0x17: {  	s4 =	simm.s32 $0x1BF5;
	[smem:$0x3FB2] =	sst s0  }
0x18: {  	s0 =	sld [smem:$0x3F95];
	_ =	swait.ge [sflag:s4], $0x0  }
0x19: {  	s7 =	sld [smem:$0x3F96]  }
0x1a: {  	s8 =	sadd.s32 $0xFFFFE003, lr  }
0x1b: {  	s9 =	sadd.s32 $0xFFFFFEF7, lr;
	s5 =	simm.s32 $0xFFFFFFFF;
	p2 =	slt.u32 s8, $0xFFFFF086  }
0x1c: {  	p1 =	slt.u32 s9, $0xF7A;
	s5 =	simm.s32 @!p2 $0x0  }
0x1d: {  	s5 =	simm.s32 @p1 $0x1;
	p0 =	seq.s32 s7, s2  }
0x1e: {  	s7 =	smul.u32 @!p0 $0xF7A, s2;
	p2 =	seq.s32 @!p0 s5, $0x0  }
0x1f: {  	s9 =	smul.u32 $0xF7A, s1;
	s8 =	simm.s32 @!p0 $0x1BF5;
	p2 =	por !p2, p0  }
0x20: {  	[sflag:s8] =	ssyncset.s32 @!p0 $0xFFFFF086;
	s6 =	sadd.s32 @!p0 s3, s7;
	s7 =	simm.s32 @!p0 $0x108  }
0x21: {  	s3 =	sadd.s32 s3, s9;
	s6 =	sadd.s32 @!p0 $0x88, s6;
	s7 =	simm.s32 @p2 $0x1082  }
0x22: {  	[simem:s7], [sflag:s8] =	dma.local @!p0 [hbm:s6], $0xF7A  }
0x23: {  	s9 =	sor.u32 $0xD0000000, s2;
	s6 =	simm.s32 $0x108;
	_ =	swait.ge @!p0 [sflag:s8], $0x0  }
0x24: {  	s3 =	sadd.s32 $0x88, s3;
	s6 =	simm.s32 @!p1 $0x1082;
	[sflag:s4] =	ssyncset.s32 $0xFFFFF086  }
0x25: {  	[simem:s6], [sflag:s4] =	dma.local [hbm:s3], $0xF7A  }
0x26: {  	[smem:$0x3F96] =	sst s1;
	(tag) =	ssettag s2;
	_ =	strace s9  }
0x27: {  	s1 =	sld [smem:$0x3FA6]  }
0x28: {  	s2 =	sld [smem:$0x3FA7]  }
0x29: {  	s4 =	sld [smem:$0x3FA9]  }
0x2a: {  	p0 =	seq.s32 s5, $0x0;
	s5 =	sld [smem:$0x3FAA]  }
0x2b: {  	s6 =	sld [smem:$0x3FAB]  }
0x2c: {  	s7 =	sld [smem:$0x3FAC]  }
0x2d: {  	s3 =	simm.s32 $0x108;
	s8 =	sld [smem:$0x3FAD]  }
0x2e: {  	s3 =	simm.s32 @!p0 $0x1082;
	s9 =	sld [smem:$0x3FAE]  }
0x2f: {  	lr =	sadd.s32 s0, s3;
	s0 =	sld [smem:$0x3FA5]  }
0x30: {  	s3 =	sld [smem:$0x3FA8]  }
0x31: {  	[smem:$0x3FB1] =	sst s10  }
0x32: {  	s10 =	sld [smem:$0x3FAF];
	_ =	sdelay $0x3  }
0x33: {  	p0 =	seq.s32 s10, $0x1;
	s10 =	sld [smem:$0x3FB1];
	_ =	sdelay $0x3  }
0x34: {  	[smem:$0x3FB1] =	sst s10  }
0x35: {  	s10 =	sld [smem:$0x3FB0];
	_ =	sdelay $0x3  }
0x36: {  	p1 =	seq.s32 s10, $0x1;
	s10 =	sld [smem:$0x3FB1];
	_ =	sdelay $0x3  }
0x37: {  	[smem:$0x3FB1] =	sst s10  }
0x38: {  	s10 =	sld [smem:$0x3FB2]  }
0x39: {  	_ = 	snop;
	(pc) =	sbr.ind lr, $3  }
0x3a: {  	_ = 	snop  }
0x3b: {  	_ = 	snop  }
0x3c: {  	p2 =	seq.s32 s10, $0x1;
	s10 =	sld [smem:$0x3FB1]  }
0x3d: {  	_ =	shalt  }
0x3e: {  	_ =	shalt  }
0x3f: {  	_ =	shalt  }
0x40: {  	_ =	shalt  }
0x41: {  	_ =	shalt  }
0x42: {  	_ =	shalt  }
0x43: {  	_ =	shalt  }
0x44: {  	_ =	shalt  }
0x45: {  	_ =	shalt  }
0x46: {  	_ =	shalt  }
0x47: {  	_ =	shalt  }
0x48: {  	_ =	shalt  }
0x49: {  	_ =	shalt  }
0x4a: {  	_ =	shalt  }
0x4b: {  	_ =	shalt  }
0x4c: {  	_ =	shalt  }
0x4d: {  	_ =	shalt  }
0x4e: {  	_ =	shalt  }
0x4f: {  	_ =	shalt  }
0x50: {  	_ =	shalt  }
0x51: {  	_ =	shalt  }
0x52: {  	_ =	shalt  }
0x53: {  	_ =	shalt  }
0x54: {  	_ =	shalt  }
0x55: {  	_ =	shalt  }
0x56: {  	_ =	shalt  }
0x57: {  	_ =	shalt  }
0x58: {  	_ =	shalt  }
0x59: {  	_ =	shalt  }
0x5a: {  	_ =	shalt  }
0x5b: {  	_ =	shalt  }
0x5c: {  	_ =	shalt  }
0x5d: {  	_ =	shalt  }
0x5e: {  	_ =	shalt  }
0x5f: {  	_ =	shalt  }
0x60: {  	_ =	shalt  }
0x61: {  	_ =	shalt  }
0x62: {  	_ =	shalt  }
0x63: {  	_ =	shalt  }
0x64: {  	_ =	shalt  }
0x65: {  	_ =	shalt  }
0x66: {  	_ =	shalt  }
0x67: {  	_ =	shalt  }
0x68: {  	_ =	shalt  }
0x69: {  	_ =	shalt  }
0x6a: {  	_ =	shalt  }
0x6b: {  	_ =	shalt  }
0x6c: {  	_ =	shalt  }
0x6d: {  	_ =	shalt  }
0x6e: {  	_ =	shalt  }
0x6f: {  	_ =	shalt  }
0x70: {  	_ =	shalt  }
0x71: {  	_ =	shalt  }
0x72: {  	_ =	shalt  }
0x73: {  	_ =	shalt  }
0x74: {  	_ =	shalt  }
0x75: {  	_ =	shalt  }
0x76: {  	_ =	shalt  }
0x77: {  	_ =	shalt  }
0x78: {  	_ =	shalt  }
0x79: {  	_ =	shalt  }
0x7a: {  	_ =	shalt  }
0x7b: {  	_ =	shalt  }
0x7c: {  	_ =	shalt  }
0x7d: {  	_ =	shalt  }
0x7e: {  	_ =	shalt  }
0x7f: {  	_ =	shalt  }
0x80: {  	_ =	shalt  }
0x81: {  	_ =	shalt  }
0x82: {  	_ =	shalt  }
0x83: {  	_ =	shalt  }
0x84: {  	_ =	shalt  }
0x85: {  	_ =	shalt  }
0x86: {  	_ =	shalt  }
0x87: {  	_ =	shalt  }
.Lfunc_end0:
.L_simem_size_0:
called_computation_lowered:
.L_overlay_start_0:
0x88: {  	s2 =	sld [smem:$0x3FD9]  }
0x89: {  	s3 =	sld [smem:$0x3FFE];
	_ =	sdelay $0x1  }
0x8a: {  	s1 =	srdreg.scid  }
0x8b: {  	s0 =	sand.u32 $0x1, s1  }
0x8c: {  	s17 =	sshll.u32 s0, $0xA;
	s2 =	sadd.s32 s3, s2  }
0x8d: {  	s2 =	sadd.s32 s2, s17  }
0x8e: {  	[smem:$0x3FBD] =	sst s2  }
0x8f: {  	_ = 	snop  }
0x90: {  	s2 =	sld [smem:$0x3FC9]  }
0x91: {  	s18 =	sld [smem:$0x3FD0];
	(tm) =	ssettm $0x1  }
0x92: {  	s4 =	sld [smem:$0x3FFB];
	_ =	sdelay $0x3  }
0x93: {  	_ =	strace s4  }
0x94: {  	s4 =	sld [smem:$0x3FFC];
	_ =	sdelay $0x3  }
0x95: {  	_ =	strace s4  }
0x96: {  	s4 =	sld [smem:$0x3FFD];
	_ =	sdelay $0x3  }
0x97: {  	_ =	strace s4  }
0x98: {  	_ =	strace $0x8FFFFFFF  }
0x99: {  	s19 =	sld [smem:$0x3FDB];
	_ =	sdelay $0x1  }
0x9a: {  	s5 =	simm.s32 $_scs_section_size  }
0x9b: {  	s6 =	simm.s32 $_size__tile_overlayer_lowered;
	s7 =	simm.s32 $_tile_overlayer_lowered  }
0x9c: {  	s22 =	simm.s32 $0x1BFF;
	s21 =	sshll.u32 s7, $0x1;
	s4 =	sadd.s32 s5, s19  }
0x9d: {  	s8 =	simm.s32 $0x0;
	s20 =	sshll.u32 s6, $0x1;
	s6 =	sadd.s32 s21, s4  }
0x9e: {  	[timem:s8], [sflag:s22] =	dma.local [hbm:s6], s20  }
0x9f: {  	_ =	swait.ge [sflag:s22], s20  }
0xa0: {  	s5 =	ssub.s32 $0x0, s20;
	[sflag:s22] =	ssyncset.done $0x0  }
0xa1: {  	[sflag:s22] =	ssyncadd.s32 s5;
	_ =	sdelay $0x1  }
0xa2: {  	s23 =	simm.s32 $0x1B8B  }
0xa3: {  	_ =	swait.ge [sflag:s23], $0x1  }
0xa4: {  	[sflag:s23] =	ssyncset.done $0x0  }
0xa5: {  	s25 =	simm.s32 $0x1B8E;
	s24 =	sld [smem:$0x3FFE];
	[sflag:s23] =	ssyncadd.s32 $0xFFFFFFFF  }
0xa6: {  	s26 =	simm.s32 $execute0_lowered;
	[smem:$0x3FD2] =	sst s25  }
0xa7: {  	s6 =	sshll.u32 s26, $0x1;
	_ =	strace $0x80000046;
	[dreg:$0x1] =	wrdreg $0xFFFFFFFF  }
0xa8: {  	s28 =	simm.s32 $_size_execute0_lowered;
	s4 =	sadd.s32 s4, s6;
	[dreg:$0x0] =	wrdreg $0x0  }
0xa9: {  	s6 =	sshll.u32 s28, $0x1;
	[dreg:$0x2] =	wrdreg s4  }
0xaa: {  	[dreg:$0x3] =	wrdreg s6  }
0xab: {  	[dreg:$0x4] =	wrdreg $0xC0  }
0xac: {  	_ =	task [dreg:s8], $0x5FFFF  }
0xad: {  	[dreg:$0x1] =	wrdreg $0xFFFFFFFF  }
0xae: {  	[dreg:$0x0] =	wrdreg $0x60  }
0xaf: {  	[dreg:$0x2] =	wrdreg s2  }
0xb0: {  	[dreg:$0x3] =	wrdreg s18  }
0xb1: {  	[dreg:$0x4] =	wrdreg s24  }
0xb2: {  	[dreg:$0x5] =	wrdreg $0xBE000  }
0xb3: {  	[dreg:$0x6] =	wrdreg $0x9  }
0xb4: {  	_ =	task.clear_ibuf [dreg:s8], $0x7FFFF;
	_ =	strace $0x90000046  }
0xb5: {  	s29 =	simm.s32 $0x9;
	_ =	strace $0x80000048  }
0xb6: {  	_ =	swait.ge [sflag:s29], $0x1  }
0xb7: {  	[sflag:s29] =	ssyncadd.s32 $0xFFFFFFFF  }
0xb8: {  	_ =	strace $0x90000048  }
0xb9: {  	_ =	sfence  }
0xba: {  	s30 =	sld [smem:$0x0];
	_ =	sdelay $0x2  }
0xbb: {  	s31 =	sshll.u32 s1, $0xD;
	s1 =	sshrl.u32 s1, $0x2  }
0xbc: {  	s3 =	sand.u32 $0x4000, s31;
	s1 =	sadd.s32 s1, s30  }
0xbd: {  	s0 =	sor.u32 s3, s0;
	s1 =	sshll.u32 s1, $0x11  }
0xbe: {  	s0 =	sor.u32 s1, s0  }
0xbf: {  	s0 =	sadd.s32 $0x8F2B, s0  }
0xc0: {  	[sflag:s0] =	ssyncadd.remote.s32 $0x1  }
0xc1: {  	_ =	sfence.sel $0xFFFF  }
0xc2: {  	[dreg:$0x0] =	wrdreg $0xFFFFFFFF;
	(pc) =	sbr.abs _section_cstart, $3  }
0xc3: {  	[dreg:$0x1] =	wrdreg $0xFFFFFFFF  }
0xc4: {  	_ =	task.clear_ibuf [dreg:s8], $0x2FFFF;
	_ =	strace $0x9FFFFFFF  }
0xc5: {  	(tm) =	ssettm $0x7FFFFFFF  }
tec
execute0_lowered:
.L_overlay_start_1:
0x0: {  	(tag) =	ssettag $0x1  }
0x1: {  	s0 =	srdreg.scid  }
0x2: {  	s8 =	stileid.u32;
	s3 =	rddreg [dreg:$0x1]  }
0x3: {  	s5 =	rddreg [dreg:$0x2];
	s2 =	sand.u32 $0x1, s0;
	s24 =	smul.u32 $0x50000, s8  }
0x4: {  	s20 =	sshrl.u32 s8, $0x3;
	s4 =	sshll.u32 s8, $0x7;
	s8 =	smul.u32 $0x14000, s8  }
0x5: {  	s30 =	simm.s32 $0x0;
	s5 =	sadd.s32 $0x1A00, s5;
	s1 =	smul.u32 $0x14000, s2  }
0x6: {  	s0 =	smul.u32 $0xA000, s20;
	s4 =	sand.u32 $0x380, s4;
	s6 =	ssub.s32 $0x2, s2  }
0x7: {  	s2 =	smul.u32 $0x140000, s2;
	s21 =	sshrl.u32 s6, $0x1;
	s9 =	sadd.s32 $0x8000, s8  }
0x8: {  	s10 =	sadd.s32 $0xA000, s8;
	s11 =	sadd.s32 $0xC000, s8;
	s12 =	sadd.s32 $0xE000, s8  }
0x9: {  	s14 =	sadd.s32 $0x10000, s8;
	s0 =	sadd.s32 s1, s0;
	s1 =	simm.s32 $0x0  }
0xa: {  	s13 =	sadd.s32 s8, s2;
	s16 =	sadd.s32 s2, s9;
	s18 =	sadd.s32 s2, s10  }
0xb: {  	s19 =	sadd.s32 s2, s11;
	s20 =	sadd.s32 s2, s12;
	s4 =	sor.u32 s4, s0  }
0xc: {  	[smem:$0x7FF] =	sst s1;
	s0 =	ssub.s32 s6, s21;
	s13 =	sshrl.u32 s13, $0x3  }
0xd: {  	s17 =	sshrl.u32 s16, $0x3;
	s7 =	sshrl.u32 s4, $0x3;
	s23 =	sadd.s32 $0x28000, s4  }
0xe: {  	s4 =	sadd.s32 $0x50000, s4;
	s13 =	sadd.s32 s5, s13;
	s22 =	sadd.s32 s3, s7  }
0xf: {  	s6 =	sshrl.u32 s23, $0x3;
	s4 =	sshrl.u32 s4, $0x3;
	[dreg:$0x8] =	wrdreg s13  }
0x10: {  	s7 =	sadd.s32 $0x6000, s8;
	[dreg:$0x5] =	wrdreg s22;
	s6 =	sadd.s32 s3, s6  }
0x11: {  	s23 =	sadd.s32 s2, s14;
	s3 =	sadd.s32 s3, s4;
	[dreg:$0x6] =	wrdreg s6  }
0x12: {  	s4 =	sor.u32 $0x2000, s8;
	s28 =	sadd.s32 s2, s7;
	[dreg:$0x7] =	wrdreg s3  }
0x13: {  	s3 =	sshrl.u32 s24, $0x2;
	s6 =	sadd.s32 $0x4000, s8;
	s15 =	sadd.s32 s2, s4  }
0x14: {  	s8 =	sadd.s32 $0x12000, s8;
	s24 =	sshrl.u32 s23, $0x3;
	s25 =	sshrl.u32 s15, $0x3  }
0x15: {  	s26 =	sadd.s32 s2, s6;
	s15 =	sshrl.u32 s28, $0x3;
	s16 =	sadd.s32 s5, s24  }
0x16: {  	s2 =	sadd.s32 s2, s8;
	s13 =	sadd.s32 s5, s25;
	[dreg:$0x10] =	wrdreg s16  }
0x17: {  	s15 =	sadd.s32 s5, s15;
	s2 =	sshrl.u32 s2, $0x3;
	[dreg:$0x9] =	wrdreg s13  }
0x18: {  	s13 =	sshrl.u32 s26, $0x3;
	[dreg:$0xb] =	wrdreg s15;
	s15 =	sshrl.u32 s19, $0x3  }
0x19: {  	s2 =	sadd.s32 s5, s2;
	s21 =	sadd.s32 s5, s15;
	s15 =	rddreg [dreg:$0x3]  }
0x1a: {  	s0 =	smax.u32 s0, $0x1;
	s13 =	sadd.s32 s5, s13;
	[dreg:$0x11] =	wrdreg s2  }
0x1b: {  	s22 =	sshrl.u32 s20, $0x3;
	s16 =	simm.s32 $0x3D80;
	[dreg:$0xa] =	wrdreg s13  }
0x1c: {  	s2 =	simm.s32 $0x1;
	s13 =	sadd.s32 s5, s17;
	[dreg:$0xe] =	wrdreg s21  }
0x1d: {  	s20 =	sadd.s32 s3, s15;
	[dreg:$0xc] =	wrdreg s13;
	s13 =	sshrl.u32 s18, $0x3  }
0x1e: {  	s21 =	sadd.s32 s4, s15;
	s23 =	sadd.s32 s7, s15;
	s13 =	sadd.s32 s5, s13  }
0x1f: {  	s24 =	sadd.s32 s9, s15;
	[dreg:$0xd] =	wrdreg s13;
	s13 =	sadd.s32 s5, s22  }
0x20: {  	s29 =	sadd.s32 s10, s15;
	s31 =	sadd.s32 s11, s15;
	[dreg:$0xf] =	wrdreg s13  }
0x21: {  	s25 =	sadd.s32 s12, s15;
	s26 =	sadd.s32 s14, s15;
	s13 =	rddreg [dreg:$0x0]  }
0x22: {  	s28 =	sadd.s32 s8, s15;
	_ =	strace $0x80000047;
	[dreg:$0x16] =	wrdreg s25  }
0x23: {  	s14 =	simm.s32 $0x2800;
	s3 =	simm.s32 $0x2;
	[dreg:$0x17] =	wrdreg s26  }
0x24: {  	s7 =	simm.s32 $0x3C80;
	s8 =	simm.s32 $0x5E00;
	[dreg:$0x18] =	wrdreg s28  }
.Ltmp0:
0x25: {  	s9 =	simm.s32 $0x3CA0;
	[dreg:$0x19] =	wrdreg s0;
	(pc) =	sbr.rel .LBB2_1-.Ltmp0, $4  }
0x26: {  	s10 =	simm.s32 $0x6E00;
	s11 =	simm.s32 $0x40;
	[dreg:$0x12] =	wrdreg s23  }
0x27: {  	s12 =	simm.s32 $0x3D00;
	s17 =	simm.s32 $0x9E00;
	[dreg:$0x13] =	wrdreg s24  }
0x28: {  	s22 =	sadd.s32 s6, s15;
	s5 =	simm.s32 $0x3;
	[dreg:$0x14] =	wrdreg s29  }
0x29: {  	v0 =	vimm.f32 $0.0e+00;
	s6 =	simm.s32 $0x20;
	s0 =	simm.s32 $0x7E00;
	[dreg:$0x15] =	wrdreg s31  }
.LBB2_10:
0x2a: {  	_ =	swait.ge [sflag:s5], $0x2000  }
0x2b: {  	[sflag:s5] =	ssyncset.done $0x0  }
0x2c: {  	s4 =	simm.s32 $0x4;
	[sflag:s5] =	ssyncadd.s32 $0xFFFFE000  }
0x2d: {  	_ =	swait.ge [sflag:s4], $0x2000  }
0x2e: {  	[sflag:s4] =	ssyncset.done $0x0  }
0x2f: {  	s23 =	stileid.u32;
	[sflag:s4] =	ssyncadd.s32 $0xFFFFE000  }
0x30: {  	s4 =	sshll.u32 s23, $0x6;
	[bflag:$0x0] =	sbarrier.arrive $0xFFFF  }
0x31: {  	s18 =	sshrl.u32 s25, $0x3;
	s4 =	sor.u32 $0x1C03, s4;
	s19 =	rddreg [dreg:$0x8]  }
0x32: {  	[hbm:s19], [sflag:s4] =	dma.local [spmem:s18], $0x400  }
0x33: {  	s24 =	sshrl.u32 s26, $0x3;
	s19 =	rddreg [dreg:$0x9]  }
0x34: {  	[hbm:s19], [sflag:s4] =	dma.local [spmem:s24], $0x400  }
0x35: {  	s20 =	smov.u32 s25;
	s25 =	sshrl.u32 s28, $0x3;
	s19 =	rddreg [dreg:$0xa]  }
0x36: {  	[hbm:s19], [sflag:s4] =	dma.local [spmem:s25], $0x400  }
0x37: {  	s23 =	rddreg [dreg:$0x12]  }
0x38: {  	s21 =	smov.u32 s26;
	s19 =	rddreg [dreg:$0xb];
	s26 =	sshrl.u32 s23, $0x3  }
0x39: {  	[hbm:s19], [sflag:s4] =	dma.local [spmem:s26], $0x400  }
0x3a: {  	s24 =	rddreg [dreg:$0x13]  }
0x3b: {  	s22 =	smov.u32 s28;
	s19 =	rddreg [dreg:$0xc];
	s28 =	sshrl.u32 s24, $0x3  }
0x3c: {  	[hbm:s19], [sflag:s4] =	dma.local [spmem:s28], $0x400  }
0x3d: {  	s29 =	rddreg [dreg:$0x14]  }
0x3e: {  	s19 =	rddreg [dreg:$0xd];
	s25 =	sshrl.u32 s29, $0x3  }
0x3f: {  	[hbm:s19], [sflag:s4] =	dma.local [spmem:s25], $0x400  }
0x40: {  	s31 =	rddreg [dreg:$0x15]  }
0x41: {  	s19 =	rddreg [dreg:$0xe];
	s26 =	sshrl.u32 s31, $0x3  }
0x42: {  	[hbm:s19], [sflag:s4] =	dma.local [spmem:s26], $0x400  }
0x43: {  	s18 =	rddreg [dreg:$0x16]  }
0x44: {  	s19 =	rddreg [dreg:$0xf];
	s18 =	sshrl.u32 s18, $0x3  }
0x45: {  	[hbm:s19], [sflag:s4] =	dma.local [spmem:s18], $0x400  }
0x46: {  	s18 =	rddreg [dreg:$0x17]  }
0x47: {  	s19 =	rddreg [dreg:$0x10];
	s18 =	sshrl.u32 s18, $0x3  }
0x48: {  	[hbm:s19], [sflag:s4] =	dma.local [spmem:s18], $0x400  }
0x49: {  	s18 =	rddreg [dreg:$0x18]  }
0x4a: {  	s19 =	rddreg [dreg:$0x11];
	s18 =	sshrl.u32 s18, $0x3  }
0x4b: {  	[hbm:s19], [sflag:s4] =	dma.local [spmem:s18], $0x400  }
0x4c: {  	_ =	swait.ge [sflag:s5], $0x400  }
0x4d: {  	[sflag:s5] =	ssyncset.done $0x0  }
0x4e: {  	[sflag:s5] =	ssyncadd.s32 $0xFFFFFC00  }
0x4f: {  	_ =	swait.ge [sflag:s5], $0x400  }
0x50: {  	[sflag:s5] =	ssyncset.done $0x0  }
0x51: {  	[sflag:s5] =	ssyncadd.s32 $0xFFFFFC00  }
0x52: {  	_ =	swait.ge [sflag:s5], $0x400  }
0x53: {  	[sflag:s5] =	ssyncset.done $0x0  }
0x54: {  	[sflag:s5] =	ssyncadd.s32 $0xFFFFFC00  }
0x55: {  	_ =	swait.ge [sflag:s5], $0x400  }
0x56: {  	[sflag:s5] =	ssyncset.done $0x0  }
0x57: {  	[sflag:s5] =	ssyncadd.s32 $0xFFFFFC00  }
0x58: {  	_ =	swait.ge [sflag:s5], $0x400  }
0x59: {  	[sflag:s5] =	ssyncset.done $0x0  }
0x5a: {  	[sflag:s5] =	ssyncadd.s32 $0xFFFFFC00  }
0x5b: {  	_ =	swait.ge [sflag:s5], $0x400  }
0x5c: {  	[sflag:s5] =	ssyncset.done $0x0  }
0x5d: {  	[sflag:s5] =	ssyncadd.s32 $0xFFFFFC00  }
0x5e: {  	_ =	swait.ge [sflag:s5], $0x400  }
0x5f: {  	[sflag:s5] =	ssyncset.done $0x0  }
0x60: {  	[sflag:s5] =	ssyncadd.s32 $0xFFFFFC00  }
0x61: {  	_ =	swait.ge [sflag:s5], $0x400  }
0x62: {  	[sflag:s5] =	ssyncset.done $0x0  }
0x63: {  	[sflag:s5] =	ssyncadd.s32 $0xFFFFFC00  }
0x64: {  	_ =	swait.ge [sflag:s5], $0x400  }
0x65: {  	[sflag:s5] =	ssyncset.done $0x0  }
0x66: {  	[sflag:s5] =	ssyncadd.s32 $0xFFFFFC00  }
0x67: {  	_ =	swait.ge [sflag:s5], $0x400  }
0x68: {  	s1 =	sadd.s32 $0x1, s1;
	s28 =	rddreg [dreg:$0x19]  }
0x69: {  	p0 =	sne.s32 s1, s28  }
.Ltmp1:
0x6a: {  	_ = 	snop;
	(pc) =	sbr.rel @!p0 .LBB2_11-.Ltmp1, $3  }
0x6b: {  	_ =	sdelay $0x1  }
0x6c: {  	[sflag:s5] =	ssyncset.done $0x0  }
0x6d: {  	[sflag:s5] =	ssyncadd.s32 $0xFFFFFC00  }
.LBB2_1:
0x6e: {  	s4 =	simm.s32 $0x0;
	s18 =	simm.s32 $0x200  }
.LBB2_2:
0x6f: {  	p0 =	sne.s32 s18, $0x7E00;
	[tilespmem:s4+$0x7E70] =	vst v0  }
0x70: {  	[tilespmem:s4+$0x7E00] =	vst v0  }
0x71: {  	[tilespmem:s4+$0x7E10] =	vst v0  }
.Ltmp2:
0x72: {  	[tilespmem:s4+$0x7E20] =	vst v0;
	(pc) =	sbr.rel @p0 .LBB2_2-.Ltmp2, $4  }
0x73: {  	[tilespmem:s4+$0x7E30] =	vst v0  }
0x74: {  	[tilespmem:s4+$0x7E40] =	vst v0  }
0x75: {  	[tilespmem:s4+$0x7E50] =	vst v0  }
0x76: {  	[tilespmem:s4+$0x7E60] =	vst v0;
	s4 =	sshra.s32 s18, $0x2;
	s18 =	sadd.s32 $0x200, s18  }
0x77: {  	[tilespmem:s4+$0x7E70] =	vst v0  }
0x78: {  	[tilespmem:s4+$0x7E00] =	vst v0  }
0x79: {  	[tilespmem:s4+$0x7E10] =	vst v0  }
0x7a: {  	[tilespmem:s4+$0x7E20] =	vst v0  }
0x7b: {  	[tilespmem:s4+$0x7E30] =	vst v0  }
0x7c: {  	[tilespmem:s4+$0x7E40] =	vst v0  }
0x7d: {  	[tilespmem:s4+$0x7E50] =	vst v0  }
0x7e: {  	[tilespmem:s4+$0x7E60] =	vst v0;
	s25 =	rddreg [dreg:$0x5];
	s18 =	simm.s32 $0x80;
	s19 =	simm.s32 $0x400  }
0x7f: {  	[tilespmem:s30], [sflag:$0x1] =	stream.strided.gather [hbm4b:s25+s18], $0x1400, s19, s18, $0x38;
	[tilespmem:$0x1FE00] =	vst v63  }
0x80: {  	s26 =	rddreg [dreg:$0x6];
	s25 =	simm.s32 $0x1400  }
0x81: {  	[tilespmem:s25], [sflag:$0x2] =	stream.strided.gather [hbm4b:s26+s18], $0x1400, s19, s18, $0x38;
	[tilespmem:$0x1FE00] =	vst v63  }
0x82: {  	s26 =	rddreg [dreg:$0x7]  }
0x83: {  	[tilespmem:s14], [sflag:$0x5] =	stream.strided.gather [hbm4b:s26+s18], $0x1400, s19, s18, $0x38;
	[tilespmem:$0x1FE00] =	vst v63  }
0x84: {  	_ = 	snop  }
0x85: {  	[spmem:s20] =	stream.linear.scatter [tilespmem:s0], [sflag:$0x3], $0x2000, $0x38;
	[tilespmem:$0x1FE00] =	vst v63  }
0x86: {  	_ = 	snop  }
0x87: {  	[spmem:s21] =	stream.linear.scatter [tilespmem:s0], [sflag:$0x3], $0x2000, $0x38;
	[tilespmem:$0x1FE00] =	vst v63  }
0x88: {  	_ = 	snop  }
0x89: {  	[spmem:s22] =	stream.linear.scatter [tilespmem:s0], [sflag:$0x3], $0x2000, $0x38;
	[tilespmem:$0x1FE00] =	vst v63  }
0x8a: {  	_ = 	snop  }
0x8b: {  	[spmem:s23] =	stream.linear.scatter [tilespmem:s0], [sflag:$0x3], $0x2000, $0x38;
	[tilespmem:$0x1FE00] =	vst v63  }
0x8c: {  	_ = 	snop  }
0x8d: {  	[spmem:s24] =	stream.linear.scatter [tilespmem:s0], [sflag:$0x3], $0x2000, $0x38;
	[tilespmem:$0x1FE00] =	vst v63  }
0x8e: {  	_ = 	snop  }
0x8f: {  	[spmem:s29] =	stream.linear.scatter [tilespmem:s0], [sflag:$0x3], $0x2000, $0x38;
	[tilespmem:$0x1FE00] =	vst v63  }
0x90: {  	_ = 	snop  }
0x91: {  	[spmem:s31] =	stream.linear.scatter [tilespmem:s0], [sflag:$0x3], $0x2000, $0x38;
	[tilespmem:$0x1FE00] =	vst v63  }
0x92: {  	s18 =	rddreg [dreg:$0x16]  }
0x93: {  	[spmem:s18] =	stream.linear.scatter [tilespmem:s0], [sflag:$0x3], $0x2000, $0x38;
	[tilespmem:$0x1FE00] =	vst v63  }
0x94: {  	s19 =	rddreg [dreg:$0x17]  }
0x95: {  	[spmem:s19] =	stream.linear.scatter [tilespmem:s0], [sflag:$0x3], $0x2000, $0x38;
	[tilespmem:$0x1FE00] =	vst v63  }
0x96: {  	s25 =	smov.u32 s20;
	s20 =	rddreg [dreg:$0x18]  }
0x97: {  	[spmem:s20] =	stream.linear.scatter [tilespmem:s0], [sflag:$0x3], $0x2000, $0x38;
	[tilespmem:$0x1FE00] =	vst v63  }
0x98: {  	_ =	swait.ge [sflag:s2], $0x1400  }
0x99: {  	[sflag:s2] =	ssyncset.done $0x0  }
0x9a: {  	[sflag:s2] =	ssyncadd.s32 $0xFFFFEC00  }
0x9b: {  	_ =	swait.ge [sflag:s3], $0x1400  }
0x9c: {  	[sflag:s3] =	ssyncset.done $0x0  }
0x9d: {  	s26 =	smov.u32 s21;
	s21 =	simm.s32 $0x5;
	[sflag:s3] =	ssyncadd.s32 $0xFFFFEC00  }
0x9e: {  	_ =	swait.ge [sflag:s21], $0x1400  }
0x9f: {  	[sflag:s21] =	ssyncset.done $0x0  }
0xa0: {  	[sflag:s21] =	ssyncadd.s32 $0xFFFFEC00  }
0xa1: {  	_ =	swait.ge [sflag:s5], $0x2000  }
0xa2: {  	[sflag:s5] =	ssyncset.done $0x0  }
0xa3: {  	[sflag:s5] =	ssyncadd.s32 $0xFFFFE000  }
0xa4: {  	_ =	swait.ge [sflag:s5], $0x2000  }
0xa5: {  	[sflag:s5] =	ssyncset.done $0x0  }
0xa6: {  	[sflag:s5] =	ssyncadd.s32 $0xFFFFE000  }
0xa7: {  	_ =	swait.ge [sflag:s5], $0x2000  }
0xa8: {  	[sflag:s5] =	ssyncset.done $0x0  }
0xa9: {  	[sflag:s5] =	ssyncadd.s32 $0xFFFFE000  }
0xaa: {  	_ =	swait.ge [sflag:s5], $0x2000  }
0xab: {  	[sflag:s5] =	ssyncset.done $0x0  }
0xac: {  	[sflag:s5] =	ssyncadd.s32 $0xFFFFE000  }
0xad: {  	_ =	swait.ge [sflag:s5], $0x2000  }
0xae: {  	[sflag:s5] =	ssyncset.done $0x0  }
0xaf: {  	[sflag:s5] =	ssyncadd.s32 $0xFFFFE000  }
0xb0: {  	_ =	swait.ge [sflag:s5], $0x2000  }
0xb1: {  	[sflag:s5] =	ssyncset.done $0x0  }
0xb2: {  	[sflag:s5] =	ssyncadd.s32 $0xFFFFE000  }
0xb3: {  	_ =	swait.ge [sflag:s5], $0x2000  }
0xb4: {  	[sflag:s5] =	ssyncset.done $0x0  }
0xb5: {  	[sflag:s5] =	ssyncadd.s32 $0xFFFFE000  }
0xb6: {  	_ =	swait.ge [sflag:s5], $0x2000  }
0xb7: {  	[sflag:s5] =	ssyncset.done $0x0  }
0xb8: {  	[sflag:s5] =	ssyncadd.s32 $0xFFFFE000  }
0xb9: {  	_ =	swait.ge [sflag:s5], $0x2000  }
0xba: {  	[sflag:s5] =	ssyncset.done $0x0  }
0xbb: {  	[sflag:s5] =	ssyncadd.s32 $0xFFFFE000  }
0xbc: {  	_ =	swait.ge [sflag:s5], $0x2000  }
0xbd: {  	[sflag:s5] =	ssyncset.done $0x0  }
0xbe: {  	[sflag:s5] =	ssyncadd.s32 $0xFFFFE000  }
0xbf: {  	[bflag:$0x0] =	sbarrier.arrive $0xFFFF  }
0xc0: {  	v1 =	vld [tilespmem:$0x0];
	_ =	sdelay $0x1  }
0xc1: {  	v2 =	vld [tilespmem:$0x10];
	_ =	sdelay $0x2  }
0xc2: {  	v3 =	vand.u32 $0xFFFF, v1  }
0xc3: {  	v1 =	vshra.s32 v1, $0x10;
	[tilespmem:$0x3C00] =	vst v3  }
0xc4: {  	[tilespmem:$0x3C10] =	vst v1;
	v1 =	vand.u32 $0xFFFF, v2  }
0xc5: {  	[tilespmem:$0x3C20] =	vst v1;
	v1 =	vshra.s32 v2, $0x10  }
0xc6: {  	s28 =	smov.u32 s22;
	s22 =	simm.s32 $0x3C00;
	s23 =	simm.s32 $0x3E00;
	[tilespmem:$0x3C30] =	vst v1  }
0xc7: {  	[tilespmem:s23], [sflag:$0x1] =	stream.indirect.gather [hbm4b:s13+s6], $0x80, s22, s6, $0xb8;
	[tilespmem:$0x1FE00] =	vst v63  }
0xc8: {  	s24 =	simm.s32 $0x3C20;
	s29 =	simm.s32 $0x4E00  }
0xc9: {  	[tilespmem:s29], [sflag:$0x1] =	stream.indirect.gather [hbm4b:s13+s6], $0x80, s24, s6, $0xb8;
	[tilespmem:$0x1FE00] =	vst v63  }
0xca: {  	v1 =	vld [tilespmem:$0x20];
	_ =	sdelay $0x1  }
0xcb: {  	v2 =	vld [tilespmem:$0x30];
	_ =	sdelay $0x2  }
0xcc: {  	v3 =	vand.u32 $0xFFFF, v1  }
0xcd: {  	v1 =	vshra.s32 v1, $0x10;
	[tilespmem:$0x3C80] =	vst v3  }
0xce: {  	[tilespmem:$0x3C90] =	vst v1;
	v1 =	vand.u32 $0xFFFF, v2  }
0xcf: {  	[tilespmem:$0x3CA0] =	vst v1;
	v1 =	vshra.s32 v2, $0x10  }
0xd0: {  	[tilespmem:$0x3CB0] =	vst v1  }
0xd1: {  	[tilespmem:s8], [sflag:$0x2] =	stream.indirect.gather [hbm4b:s13+s6], $0x80, s7, s6, $0xb8;
	[tilespmem:$0x1FE00] =	vst v63  }
0xd2: {  	s4 =	simm.s32 $0x0;
	s31 =	simm.s32 $0x0  }
0xd3: {  	[tilespmem:s10], [sflag:$0x2] =	stream.indirect.gather [hbm4b:s13+s6], $0x80, s9, s6, $0xb8;
	[tilespmem:$0x1FE00] =	vst v63  }
.LBB2_4:
0xd4: {  	_ =	swait.ge [sflag:s2], $0x1000  }
0xd5: {  	[sflag:s2] =	ssyncset.done $0x0  }
0xd6: {  	[sflag:s2] =	ssyncadd.s32 $0xFFFFF000  }
0xd7: {  	_ =	swait.ge [sflag:s2], $0x1000  }
0xd8: {  	p0 =	seq.s32 s4, $0x0;
	[sflag:s2] =	ssyncset.done $0x0  }
0xd9: {  	s18 =	simm.s32 @!p0 $0x3;
	[sflag:s2] =	ssyncadd.s32 $0xFFFFF000  }
0xda: {  	_ =	swait.ge @!p0 [sflag:s18], $0x2000  }
0xdb: {  	[sflag:s18] =	ssyncset.done @!p0 $0x0  }
0xdc: {  	s29 =	sshll.u32 s4, $0x6;
	[sflag:s18] =	ssyncadd.s32 @!p0 $0xFFFFE000  }
0xdd: {  	v1 =	vld [tilespmem:s29+$0x1400];
	_ =	sdelay $0x4  }
0xde: {  	v2 =	vand.u32 $0xFFFF, v1  }
0xdf: {  	v1 =	vshra.s32 v1, $0x10;
	[tilespmem:$0x3D00] =	vst v2  }
0xe0: {  	[tilespmem:$0x3D10] =	vst v1  }
0xe1: {  	v1 =	vld [tilespmem:s29+$0x1410]  }
0xe2: {  	s22 =	sadd.s32 $0x0, s31  }
0xe3: {  	s19 =	sadd.s32 $0x1, s22  }
0xe4: {  	v2 =	vmov s19;
	_ =	sdelay $0x1  }
0xe5: {  	s23 =	simm.s32 $0x1;
	v3 =	vand.u32 $0xFFFF, v1  }
0xe6: {  	s20 =	sand.u32 $0x20, s30;
	s19 =	sand.u32 $0xF, s23;
	v1 =	vshra.s32 v1, $0x10;
	[tilespmem:$0x3D20] =	vst v3  }
0xe7: {  	s19 =	sor.u32 s19, s20;
	[tilespmem:$0x3D30] =	vst v1  }
0xe8: {  	s19 =	sshll.u32 s19, $0x7;
	v1 =	vld.idx.msk [tilespmem:v2+s14+$0x0], $0xffff  }
0xe9: {  	v2 =	vld [tilespmem:s19+$0x3E00];
	_ =	sdelay $0x3  }
0xea: {  	v3 =	vld [tilespmem:s19+$0x3E10];
	v6 =	vshll.u32 v1, $0x10  }
0xeb: {  	v4 =	vld [tilespmem:s19+$0x3E20];
	v2 =	vmul.f32 v6, v2  }
0xec: {  	v10 =	vmov s22;
	v5 =	vld [tilespmem:s19+$0x3E30]  }
0xed: {  	s24 =	sand.u32 $0xE, s30;
	v7 =	vld [tilespmem:s19+$0x3E40];
	[tilespmem:s19+$0x7E00] =	vst v2;
	v2 =	vand.u32 $0xFFFFFFFE, v10  }
0xee: {  	s18 =	sor.u32 s24, s20;
	v8 =	vld [tilespmem:s19+$0x3E50];
	v2 =	vbroadcast v2, $0x0  }
0xef: {  	s18 =	sshll.u32 s18, $0x7;
	v9 =	vld [tilespmem:s19+$0x3E60]  }
0xf0: {  	v11 =	vld [tilespmem:s18+$0x4670];
	v3 =	vmul.f32 v6, v3  }
0xf1: {  	v4 =	vmul.f32 v6, v4;
	v10 =	vld [tilespmem:s19+$0x3E70]  }
0xf2: {  	[tilespmem:s19+$0x7E10] =	vst v3;
	v3 =	vld [tilespmem:s19+$0x4600]  }
0xf3: {  	v5 =	vmul.f32 v6, v5;
	[tilespmem:s19+$0x7E20] =	vst v4;
	v4 =	vld [tilespmem:s19+$0x4610]  }
0xf4: {  	v7 =	vmul.f32 v6, v7;
	v2 =	vld.idx.msk [tilespmem:v2+s14+$0x0], $0xffff  }
0xf5: {  	v9 =	vmul.f32 v6, v9;
	[tilespmem:s19+$0x7E30] =	vst v5;
	v5 =	vld [tilespmem:s19+$0x4620]  }
0xf6: {  	v8 =	vmul.f32 v6, v8;
	[tilespmem:s19+$0x7E40] =	vst v7;
	v7 =	vld [tilespmem:s19+$0x4630]  }
0xf7: {  	[tilespmem:s19+$0x7E60] =	vst v9;
	v9 =	vand.u32 $0xFFFF0000, v1;
	v6 =	vmul.f32 v6, v10  }
0xf8: {  	v12 =	vld [tilespmem:s19+$0x4640];
	[tilespmem:s19+$0x7E50] =	vst v8;
	v3 =	vmul.f32 v9, v3  }
0xf9: {  	v10 =	vld [tilespmem:s19+$0x4650];
	v4 =	vmul.f32 v9, v4;
	[tilespmem:s19+$0x7E70] =	vst v6;
	v1 =	vand.u32 $0xFFFF0000, v2  }
0xfa: {  	[tilespmem:s19+$0x8600] =	vst v3;
	v3 =	vmul.f32 v9, v5;
	v6 =	vmul.f32 v1, v11;
	v11 =	vld [tilespmem:s19+$0x4660]  }
0xfb: {  	v5 =	vld [tilespmem:s19+$0x4670];
	[tilespmem:s19+$0x8610] =	vst v4;
	v4 =	vmul.f32 v9, v7  }
0xfc: {  	v13 =	vld [tilespmem:s18+$0x3E00];
	[tilespmem:s19+$0x8620] =	vst v3  }
0xfd: {  	v8 =	vld [tilespmem:s18+$0x3E10];
	v7 =	vmul.f32 v9, v12;
	[tilespmem:s19+$0x8630] =	vst v4  }
0xfe: {  	v10 =	vmul.f32 v9, v10;
	[tilespmem:s18+$0x8670] =	vst v6;
	v6 =	vld [tilespmem:s18+$0x3E20]  }
0xff: {  	v3 =	vld [tilespmem:s18+$0x3E30];
	[tilespmem:s19+$0x8640] =	vst v7;
	v11 =	vmul.f32 v9, v11  }
0x100: {  	v4 =	vld [tilespmem:s18+$0x3E40];
	v2 =	vshll.u32 v2, $0x10;
	[tilespmem:s19+$0x8650] =	vst v10;
	v5 =	vmul.f32 v9, v5  }
0x101: {  	s21 =	simm.s32 $0x0;
	s20 =	simm.s32 $0x2;
	v7 =	vld [tilespmem:s18+$0x3E50];
	v9 =	vmul.f32 v2, v13;
	[tilespmem:s19+$0x8660] =	vst v11  }
.LBB2_5:
0x102: {  	s22 =	sadd.s32 s20, s31;
	p1 =	slt.u32 s20, $0x1E;
	v8 =	vmul.f32 v2, v8;
	v10 =	vld [tilespmem:s18+$0x3E60];
	[tilespmem:s19+$0x8670] =	vst v5  }
0x103: {  	v5 =	vmov s22;
	s19 =	sadd.s32 $0x1, s22;
	[tilespmem:s18+$0x7E00] =	vst v9;
	v6 =	vmul.f32 v2, v6;
	v9 =	vld [tilespmem:s18+$0x3E70]  }
0x104: {  	v5 =	vand.u32 $0xFFFFFFFE, v5;
	v11 =	vmov s19;
	[tilespmem:s18+$0x7E10] =	vst v8;
	v3 =	vmul.f32 v2, v3;
	v8 =	vld [tilespmem:s18+$0x4600]  }
0x105: {  	v5 =	vbroadcast v5, $0x0;
	[tilespmem:s18+$0x7E20] =	vst v6;
	v4 =	vmul.f32 v2, v4;
	v6 =	vld [tilespmem:s18+$0x4610]  }
0x106: {  	[tilespmem:s18+$0x7E30] =	vst v3;
	v3 =	vmul.f32 v2, v7;
	v7 =	vld [tilespmem:s18+$0x4620]  }
0x107: {  	[tilespmem:s18+$0x7E40] =	vst v4;
	v4 =	vmul.f32 v2, v10;
	v10 =	vld [tilespmem:s18+$0x4630]  }
0x108: {  	[tilespmem:s18+$0x7E50] =	vst v3;
	v2 =	vmul.f32 v2, v9;
	v3 =	vld [tilespmem:s18+$0x4640]  }
0x109: {  	s21 =	sadd.s32 $0x4, s21;
	s19 =	sadd.s32 $0x1, s20;
	v9 =	vld.idx.msk [tilespmem:v11+s14+$0x0], $0xffff;
	[tilespmem:s18+$0x7E60] =	vst v4;
	v4 =	vmul.f32 v1, v8  }
0x10a: {  	s23 =	sand.u32 $0xE, s20;
	s22 =	sand.u32 $0x20, s21;
	s19 =	sand.u32 $0xF, s19;
	[tilespmem:s18+$0x7E70] =	vst v2;
	v2 =	vmul.f32 v1, v6;
	v6 =	vld [tilespmem:s18+$0x4650]  }
0x10b: {  	s23 =	sor.u32 s23, s22;
	s19 =	sor.u32 s19, s22;
	v5 =	vld.idx.msk [tilespmem:v5+s14+$0x0], $0xffff;
	[tilespmem:s18+$0x8600] =	vst v4;
	v4 =	vmul.f32 v1, v7  }
0x10c: {  	s22 =	sshll.u32 s23, $0x7;
	s19 =	sshll.u32 s19, $0x7;
	[tilespmem:s18+$0x8610] =	vst v2;
	v2 =	vmul.f32 v1, v10;
	v7 =	vld [tilespmem:s18+$0x4660]  }
0x10d: {  	v8 =	vld [tilespmem:s22+$0x4670];
	[tilespmem:s18+$0x8620] =	vst v4;
	v3 =	vmul.f32 v1, v3  }
0x10e: {  	v4 =	vld [tilespmem:s19+$0x3E00];
	[tilespmem:s18+$0x8630] =	vst v2  }
0x10f: {  	v10 =	vshll.u32 v9, $0x10;
	v9 =	vand.u32 $0xFFFF0000, v9;
	v11 =	vld [tilespmem:s19+$0x3E10];
	[tilespmem:s18+$0x8640] =	vst v3;
	v3 =	vmul.f32 v1, v6  }
0x110: {  	v6 =	vld [tilespmem:s19+$0x3E20]  }
0x111: {  	v2 =	vshll.u32 v5, $0x10;
	v12 =	vld [tilespmem:s19+$0x3E30];
	[tilespmem:s18+$0x8650] =	vst v3;
	v3 =	vmul.f32 v1, v7;
	v1 =	vand.u32 $0xFFFF0000, v5  }
0x112: {  	v5 =	vmul.f32 v1, v8;
	v7 =	vld [tilespmem:s19+$0x3E40]  }
0x113: {  	v4 =	vmul.f32 v10, v4;
	v8 =	vld [tilespmem:s19+$0x3E50];
	[tilespmem:s18+$0x8660] =	vst v3;
	s18 =	smov.u32 s22  }
0x114: {  	[tilespmem:s18+$0x8670] =	vst v5;
	v3 =	vmul.f32 v10, v11;
	v5 =	vld [tilespmem:s19+$0x3E60]  }
0x115: {  	[tilespmem:s19+$0x7E00] =	vst v4;
	v4 =	vmul.f32 v10, v6;
	v6 =	vld [tilespmem:s19+$0x3E70]  }
0x116: {  	[tilespmem:s19+$0x7E10] =	vst v3;
	v3 =	vmul.f32 v10, v12;
	v11 =	vld [tilespmem:s19+$0x4600]  }
0x117: {  	[tilespmem:s19+$0x7E20] =	vst v4;
	v4 =	vmul.f32 v10, v7;
	v7 =	vld [tilespmem:s19+$0x4610]  }
0x118: {  	[tilespmem:s19+$0x7E30] =	vst v3;
	v3 =	vmul.f32 v10, v8;
	v8 =	vld [tilespmem:s19+$0x4620]  }
0x119: {  	[tilespmem:s19+$0x7E40] =	vst v4;
	v4 =	vmul.f32 v10, v5;
	v5 =	vld [tilespmem:s19+$0x4630]  }
0x11a: {  	[tilespmem:s19+$0x7E50] =	vst v3;
	v3 =	vmul.f32 v10, v6;
	v6 =	vld [tilespmem:s19+$0x4640]  }
0x11b: {  	[tilespmem:s19+$0x7E60] =	vst v4;
	v4 =	vmul.f32 v9, v11;
	v10 =	vld [tilespmem:s19+$0x4650]  }
0x11c: {  	[tilespmem:s19+$0x7E70] =	vst v3;
	v3 =	vmul.f32 v9, v7;
	v7 =	vld [tilespmem:s19+$0x4660]  }
0x11d: {  	[tilespmem:s19+$0x8600] =	vst v4;
	v4 =	vmul.f32 v9, v8;
	v11 =	vld [tilespmem:s19+$0x4670]  }
0x11e: {  	v12 =	vld [tilespmem:s18+$0x3E00];
	[tilespmem:s19+$0x8610] =	vst v3;
	v3 =	vmul.f32 v9, v5  }
.Ltmp3:
0x11f: {  	v8 =	vld [tilespmem:s18+$0x3E10];
	[tilespmem:s19+$0x8620] =	vst v4;
	v4 =	vmul.f32 v9, v6;
	(pc) =	sbr.rel @p1 .LBB2_5-.Ltmp3, $4  }
0x120: {  	v6 =	vld [tilespmem:s18+$0x3E20];
	[tilespmem:s19+$0x8630] =	vst v3;
	v5 =	vmul.f32 v9, v10  }
0x121: {  	v3 =	vld [tilespmem:s18+$0x3E30];
	[tilespmem:s19+$0x8640] =	vst v4;
	v10 =	vmul.f32 v9, v7  }
0x122: {  	v4 =	vld [tilespmem:s18+$0x3E40];
	[tilespmem:s19+$0x8650] =	vst v5;
	v5 =	vmul.f32 v9, v11  }
0x123: {  	s20 =	sadd.s32 $0x2, s20;
	v9 =	vmul.f32 v2, v12;
	v7 =	vld [tilespmem:s18+$0x3E50];
	[tilespmem:s19+$0x8660] =	vst v10  }
0x124: {  	v10 =	vld [tilespmem:s18+$0x3E60]  }
0x125: {  	[tilespmem:s18+$0x7E00] =	vst v9;
	v9 =	vld [tilespmem:s18+$0x3E70];
	v6 =	vmul.f32 v2, v6  }
0x126: {  	v8 =	vmul.f32 v2, v8  }
0x127: {  	v3 =	vmul.f32 v2, v3;
	[tilespmem:s18+$0x7E20] =	vst v6;
	v6 =	vld [tilespmem:s18+$0x4610]  }
0x128: {  	[tilespmem:s18+$0x7E10] =	vst v8;
	v4 =	vmul.f32 v2, v4  }
0x129: {  	v8 =	vld [tilespmem:s18+$0x4600];
	[tilespmem:s18+$0x7E30] =	vst v3;
	v7 =	vmul.f32 v2, v7  }
0x12a: {  	v3 =	vld [tilespmem:s18+$0x4620];
	[tilespmem:s18+$0x7E40] =	vst v4;
	v10 =	vmul.f32 v2, v10;
	v2 =	vmul.f32 v2, v9  }
0x12b: {  	v4 =	vld [tilespmem:s18+$0x4630];
	[tilespmem:s18+$0x7E50] =	vst v7  }
0x12c: {  	v7 =	vld [tilespmem:s18+$0x4640];
	[tilespmem:s18+$0x7E70] =	vst v2;
	v2 =	vmul.f32 v1, v6  }
0x12d: {  	[tilespmem:s19+$0x8670] =	vst v5;
	v6 =	vld [tilespmem:s18+$0x4650]  }
0x12e: {  	v8 =	vmul.f32 v1, v8;
	[tilespmem:s18+$0x8610] =	vst v2;
	v2 =	vld [tilespmem:s18+$0x4660]  }
0x12f: {  	[tilespmem:s18+$0x7E60] =	vst v10;
	v3 =	vmul.f32 v1, v3  }
0x130: {  	[tilespmem:s18+$0x8600] =	vst v8;
	v4 =	vmul.f32 v1, v4  }
0x131: {  	[tilespmem:s18+$0x8620] =	vst v3;
	v3 =	vmul.f32 v1, v7  }
0x132: {  	[tilespmem:s18+$0x8630] =	vst v4;
	v4 =	vmul.f32 v1, v6  }
0x133: {  	[tilespmem:s18+$0x8640] =	vst v3;
	v1 =	vmul.f32 v1, v2  }
0x134: {  	[tilespmem:s18+$0x8650] =	vst v4  }
0x135: {  	p1 =	seq.s32 s4, $0x4F;
	[tilespmem:s18+$0x8660] =	vst v1  }
0x136: {  	[spmem:s15] =	stream.indirect.scatter.add.f32 [tilespmem:s0], [sflag:$0x3], $0x80, s12, s11, $0xb8;
	[tilespmem:$0x1FE00] =	vst v63  }
0x137: {  	v1 =	vld @!p1 [tilespmem:s29+$0x40];
	_ =	sdelay $0x4  }
0x138: {  	v2 =	vand.u32 @!p1 $0xFFFF, v1  }
0x139: {  	v1 =	vshra.s32 @!p1 v1, $0x10;
	[tilespmem:$0x3C00] =	vst @!p1 v2  }
0x13a: {  	[tilespmem:$0x3C10] =	vst @!p1 v1  }
0x13b: {  	v1 =	vld @!p1 [tilespmem:s29+$0x50];
	_ =	sdelay $0x4  }
0x13c: {  	v2 =	vand.u32 @!p1 $0xFFFF, v1  }
0x13d: {  	v1 =	vshra.s32 @!p1 v1, $0x10;
	[tilespmem:$0x3C20] =	vst @!p1 v2  }
0x13e: {  	s19 =	simm.s32 @!p1 $0x3C00;
	s20 =	simm.s32 @!p1 $0x3E00;
	s18 =	simm.s32 @!p1 $0x20;
	[tilespmem:$0x3C30] =	vst @!p1 v1  }
0x13f: {  	[tilespmem:s20], [sflag:$0x1] =	stream.indirect.gather @!p1 [hbm4b:s13+s18], $0x80, s19, s18, $0xb8;
	[tilespmem:$0x1FE00] =	vst v63  }
0x140: {  	s19 =	simm.s32 @!p1 $0x3C20;
	s20 =	simm.s32 @!p1 $0x4E00  }
0x141: {  	[tilespmem:s20], [sflag:$0x1] =	stream.indirect.gather @!p1 [hbm4b:s13+s18], $0x80, s19, s18, $0xb8;
	[tilespmem:$0x1FE00] =	vst v63  }
0x142: {  	_ =	swait.ge [sflag:s3], $0x1000  }
0x143: {  	[sflag:s3] =	ssyncset.done $0x0  }
0x144: {  	[sflag:s3] =	ssyncadd.s32 $0xFFFFF000  }
0x145: {  	_ =	swait.ge [sflag:s3], $0x1000  }
0x146: {  	[sflag:s3] =	ssyncset.done $0x0  }
0x147: {  	s18 =	simm.s32 @!p0 $0x4;
	[sflag:s3] =	ssyncadd.s32 $0xFFFFF000  }
0x148: {  	_ =	swait.ge @!p0 [sflag:s18], $0x2000  }
0x149: {  	[sflag:s18] =	ssyncset.done @!p0 $0x0  }
0x14a: {  	[sflag:s18] =	ssyncadd.s32 @!p0 $0xFFFFE000  }
0x14b: {  	v1 =	vld [tilespmem:s29+$0x1420];
	_ =	sdelay $0x4  }
0x14c: {  	v2 =	vand.u32 $0xFFFF, v1  }
0x14d: {  	v1 =	vshra.s32 v1, $0x10;
	[tilespmem:$0x3D80] =	vst v2  }
0x14e: {  	[tilespmem:$0x3D90] =	vst v1  }
0x14f: {  	v1 =	vld [tilespmem:s29+$0x1430]  }
0x150: {  	s22 =	sadd.s32 $0xFFFFFFFE, s31  }
0x151: {  	s21 =	sadd.s32 $0x23, s22  }
0x152: {  	v2 =	vmov s21;
	_ =	sdelay $0x1  }
0x153: {  	s23 =	simm.s32 $0x1;
	s20 =	simm.s32 $0x0;
	v3 =	vand.u32 $0xFFFF, v1  }
0x154: {  	s24 =	sand.u32 $0x20, s20;
	s18 =	sand.u32 $0xF, s23;
	v1 =	vshra.s32 v1, $0x10;
	[tilespmem:$0x3DA0] =	vst v3  }
0x155: {  	s18 =	sor.u32 s18, s24;
	[tilespmem:$0x3DB0] =	vst v1  }
0x156: {  	s18 =	sshll.u32 s18, $0x7;
	s21 =	simm.s32 $0x0;
	v5 =	vld.idx.msk [tilespmem:v2+s14+$0x0], $0xffff  }
0x157: {  	s23 =	sand.u32 $0xE, s21;
	v6 =	vld [tilespmem:s18+$0x6670]  }
0x158: {  	s19 =	sor.u32 s23, s24;
	v7 =	vld [tilespmem:s18+$0x6650]  }
0x159: {  	s19 =	sshll.u32 s19, $0x7;
	v10 =	vld [tilespmem:s18+$0x5E70]  }
0x15a: {  	v3 =	vld [tilespmem:s19+$0x6630]  }
0x15b: {  	v8 =	vld [tilespmem:s18+$0x5E50]  }
0x15c: {  	v9 =	vld [tilespmem:s18+$0x6660]  }
0x15d: {  	v2 =	vld [tilespmem:s19+$0x5E10]  }
0x15e: {  	v4 =	vld [tilespmem:s19+$0x6620]  }
0x15f: {  	v11 =	vld [tilespmem:s18+$0x6620]  }
0x160: {  	s22 =	sadd.s32 $0x22, s22;
	v12 =	vld [tilespmem:s18+$0x6610]  }
0x161: {  	v13 =	vmov s22;
	v15 =	vld [tilespmem:s18+$0x6600]  }
0x162: {  	v13 =	vand.u32 $0xFFFFFFFE, v13;
	v17 =	vld [tilespmem:s18+$0x6630]  }
0x163: {  	v18 =	vbroadcast v13, $0x0;
	v19 =	vld [tilespmem:s18+$0x6640];
	v1 =	vshll.u32 v5, $0x10  }
0x164: {  	v14 =	vld [tilespmem:s19+$0x5E60];
	v16 =	vand.u32 $0xFFFF0000, v5;
	v8 =	vmul.f32 v1, v8  }
0x165: {  	v13 =	vld [tilespmem:s19+$0x5E40];
	v9 =	vmul.f32 v16, v9  }
0x166: {  	v5 =	vld [tilespmem:s19+$0x6610];
	v11 =	vmul.f32 v16, v11;
	[tilespmem:s18+$0x9E50] =	vst v8  }
0x167: {  	v12 =	vmul.f32 v16, v12;
	v8 =	vld [tilespmem:s19+$0x6600];
	[tilespmem:s18+$0xA660] =	vst v9  }
0x168: {  	v6 =	vmul.f32 v16, v6;
	[tilespmem:s18+$0xA620] =	vst v11;
	v9 =	vld [tilespmem:s19+$0x5E30]  }
0x169: {  	v15 =	vmul.f32 v16, v15;
	[tilespmem:s18+$0xA610] =	vst v12;
	v11 =	vld.idx.msk [tilespmem:v18+s14+$0x0], $0xffff  }
0x16a: {  	[tilespmem:s18+$0xA670] =	vst v6;
	v6 =	vmul.f32 v1, v10;
	v10 =	vld [tilespmem:s18+$0x5E00]  }
0x16b: {  	[tilespmem:s18+$0xA600] =	vst v15;
	v12 =	vmul.f32 v16, v7;
	v15 =	vld [tilespmem:s19+$0x5E20]  }
0x16c: {  	v18 =	vmul.f32 v16, v19;
	[tilespmem:s18+$0x9E70] =	vst v6;
	v6 =	vmul.f32 v16, v17;
	v17 =	vld [tilespmem:s19+$0x5E00]  }
0x16d: {  	v7 =	vld [tilespmem:s18+$0x5E40];
	[tilespmem:s18+$0xA650] =	vst v12  }
0x16e: {  	v16 =	vld [tilespmem:s19+$0x5E70];
	[tilespmem:s18+$0xA640] =	vst v18  }
0x16f: {  	v12 =	vld [tilespmem:s19+$0x6640];
	[tilespmem:s18+$0xA630] =	vst v6;
	v6 =	vshll.u32 v11, $0x10  }
.LBB2_7:
0x170: {  	s22 =	sadd.s32 s21, s31  }
0x171: {  	v17 =	vmul.f32 v6, v17;
	v14 =	vmul.f32 v6, v14;
	v18 =	vld [tilespmem:s18+$0x5E20];
	s20 =	sadd.s32 $0x4, s20;
	s23 =	smov.u32 s21;
	s21 =	sadd.s32 $0x2, s21  }
0x172: {  	v13 =	vmul.f32 v6, v13;
	s24 =	sadd.s32 $0x22, s22;
	s22 =	sadd.s32 $0x23, s22;
	p0 =	slt.u32 s21, $0x1E;
	v10 =	vmul.f32 v1, v10;
	v19 =	vld [tilespmem:s18+$0x5E30]  }
0x173: {  	v15 =	vmul.f32 v6, v15;
	v20 =	vmov s24;
	v21 =	vmov s22;
	[tilespmem:s19+$0x9E00] =	vst v17;
	v17 =	vld [tilespmem:s18+$0x5E10]  }
0x174: {  	v11 =	vand.u32 $0xFFFF0000, v11;
	v20 =	vand.u32 $0xFFFFFFFE, v20;
	[tilespmem:s19+$0x9E60] =	vst v14;
	v14 =	vmul.f32 v6, v16;
	v16 =	vld [tilespmem:s19+$0x6650]  }
0x175: {  	v9 =	vmul.f32 v6, v9;
	v20 =	vbroadcast v20, $0x0;
	[tilespmem:s19+$0x9E20] =	vst v15;
	v15 =	vld [tilespmem:s19+$0x6660]  }
0x176: {  	v8 =	vmul.f32 v11, v8;
	s22 =	sadd.s32 $0x3, s23;
	[tilespmem:s19+$0x9E70] =	vst v14;
	v14 =	vmul.f32 v1, v18;
	v18 =	vld [tilespmem:s18+$0x5E60]  }
0x177: {  	s23 =	sand.u32 $0x20, s20;
	s22 =	sand.u32 $0xF, s22;
	v12 =	vmul.f32 v11, v12;
	[tilespmem:s19+$0x9E40] =	vst v13;
	v13 =	vld [tilespmem:s19+$0x5E50];
	v19 =	vmul.f32 v1, v19  }
0x178: {  	v4 =	vmul.f32 v11, v4;
	s22 =	sor.u32 s22, s23;
	v21 =	vld.idx.msk [tilespmem:v21+s14+$0x0], $0xffff;
	v17 =	vmul.f32 v1, v17;
	[tilespmem:s18+$0x9E20] =	vst v14  }
0x179: {  	v5 =	vmul.f32 v11, v5;
	s22 =	sshll.u32 s22, $0x7;
	[tilespmem:s19+$0x9E30] =	vst v9;
	v9 =	vmul.f32 v11, v16;
	v14 =	vld [tilespmem:s19+$0x6670]  }
0x17a: {  	s24 =	sand.u32 $0xE, s21;
	v7 =	vmul.f32 v1, v7;
	v16 =	vld [tilespmem:s22+$0x6670];
	[tilespmem:s19+$0xA600] =	vst v8;
	v8 =	vmul.f32 v11, v3  }
0x17b: {  	s23 =	sor.u32 s24, s23;
	v22 =	vld [tilespmem:s22+$0x6650];
	[tilespmem:s19+$0xA620] =	vst v4;
	v18 =	vmul.f32 v1, v18  }
0x17c: {  	s23 =	sshll.u32 s23, $0x7;
	v15 =	vmul.f32 v11, v15;
	v23 =	vld [tilespmem:s22+$0x5E70];
	[tilespmem:s18+$0x9E10] =	vst v17  }
0x17d: {  	v3 =	vld [tilespmem:s23+$0x6630];
	[tilespmem:s18+$0x9E30] =	vst v19  }
0x17e: {  	v1 =	vshll.u32 v21, $0x10;
	v17 =	vld [tilespmem:s22+$0x5E50];
	[tilespmem:s19+$0xA640] =	vst v12;
	v4 =	vmul.f32 v11, v14  }
0x17f: {  	v12 =	vmul.f32 v6, v2;
	v11 =	vld [tilespmem:s22+$0x6660];
	[tilespmem:s19+$0xA610] =	vst v5  }
0x180: {  	v5 =	vmul.f32 v6, v13;
	v2 =	vld [tilespmem:s23+$0x5E10];
	[tilespmem:s19+$0xA670] =	vst v4  }
0x181: {  	v6 =	vand.u32 $0xFFFF0000, v21;
	v4 =	vld [tilespmem:s23+$0x6620];
	v19 =	vmul.f32 v1, v23;
	[tilespmem:s19+$0x9E10] =	vst v12  }
0x182: {  	v21 =	vmul.f32 v6, v22;
	v12 =	vld [tilespmem:s22+$0x6600];
	[tilespmem:s19+$0x9E50] =	vst v5  }
0x183: {  	v13 =	vmul.f32 v1, v17;
	v14 =	vld [tilespmem:s22+$0x6620];
	[tilespmem:s19+$0xA630] =	vst v8  }
0x184: {  	v16 =	vmul.f32 v6, v16;
	v5 =	vld [tilespmem:s23+$0x6610];
	v11 =	vmul.f32 v6, v11;
	[tilespmem:s19+$0xA660] =	vst v15  }
0x185: {  	v15 =	vld [tilespmem:s22+$0x6610];
	[tilespmem:s18+$0x9E60] =	vst v18  }
0x186: {  	v17 =	vld [tilespmem:s22+$0x6630];
	[tilespmem:s19+$0xA650] =	vst v9;
	s19 =	smov.u32 s23  }
0x187: {  	v12 =	vmul.f32 v6, v12;
	v18 =	vld [tilespmem:s22+$0x6640];
	[tilespmem:s18+$0x9E40] =	vst v7  }
0x188: {  	v8 =	vld [tilespmem:s19+$0x6600];
	v7 =	vmul.f32 v6, v14;
	[tilespmem:s18+$0x9E00] =	vst v10;
	s18 =	smov.u32 s22  }
0x189: {  	v14 =	vld [tilespmem:s19+$0x5E60];
	[tilespmem:s18+$0x9E50] =	vst v13  }
0x18a: {  	v9 =	vld [tilespmem:s19+$0x5E30];
	v10 =	vmul.f32 v6, v15;
	[tilespmem:s18+$0xA660] =	vst v11  }
0x18b: {  	v13 =	vld [tilespmem:s19+$0x5E40];
	[tilespmem:s18+$0xA620] =	vst v7;
	v22 =	vmul.f32 v6, v17  }
0x18c: {  	v11 =	vld.idx.msk [tilespmem:v20+s14+$0x0], $0xffff;
	[tilespmem:s18+$0xA610] =	vst v10;
	v18 =	vmul.f32 v6, v18  }
0x18d: {  	v15 =	vld [tilespmem:s19+$0x5E20];
	[tilespmem:s18+$0xA670] =	vst v16  }
.Ltmp4:
0x18e: {  	v17 =	vld [tilespmem:s19+$0x5E00];
	[tilespmem:s18+$0xA600] =	vst v12;
	(pc) =	sbr.rel @p0 .LBB2_7-.Ltmp4, $4  }
0x18f: {  	v10 =	vld [tilespmem:s18+$0x5E00];
	[tilespmem:s18+$0x9E70] =	vst v19  }
0x190: {  	v7 =	vld [tilespmem:s18+$0x5E40];
	[tilespmem:s18+$0xA650] =	vst v21  }
0x191: {  	v16 =	vld [tilespmem:s19+$0x5E70];
	[tilespmem:s18+$0xA630] =	vst v22  }
0x192: {  	v6 =	vshll.u32 v11, $0x10;
	v12 =	vld [tilespmem:s19+$0x6640];
	[tilespmem:s18+$0xA640] =	vst v18  }
0x193: {  	v17 =	vmul.f32 v6, v17  }
0x194: {  	v14 =	vmul.f32 v6, v14  }
0x195: {  	v15 =	vmul.f32 v6, v15;
	[tilespmem:s19+$0x9E00] =	vst v17  }
0x196: {  	v13 =	vmul.f32 v6, v13;
	[tilespmem:s19+$0x9E60] =	vst v14  }
0x197: {  	v9 =	vmul.f32 v6, v9;
	[tilespmem:s19+$0x9E20] =	vst v15  }
0x198: {  	v11 =	vand.u32 $0xFFFF0000, v11;
	v2 =	vmul.f32 v6, v2;
	[tilespmem:s19+$0x9E40] =	vst v13  }
0x199: {  	v8 =	vmul.f32 v11, v8;
	[tilespmem:s19+$0x9E30] =	vst v9  }
0x19a: {  	v51 =	vld [tilespmem:s18+$0x5E20];
	v4 =	vmul.f32 v11, v4;
	[tilespmem:s19+$0x9E10] =	vst v2  }
0x19b: {  	v18 =	vld [tilespmem:s18+$0x5E10];
	v5 =	vmul.f32 v11, v5;
	[tilespmem:s19+$0xA600] =	vst v8  }
0x19c: {  	v54 =	vld [tilespmem:s18+$0x5E30];
	v3 =	vmul.f32 v11, v3;
	[tilespmem:s19+$0xA620] =	vst v4  }
0x19d: {  	v57 =	vld [tilespmem:s19+$0x6670];
	v16 =	vmul.f32 v6, v16;
	[tilespmem:s19+$0xA610] =	vst v5  }
0x19e: {  	v56 =	vld [tilespmem:s19+$0x5E50];
	[tilespmem:s19+$0xA630] =	vst v3;
	v60 =	vmul.f32 v11, v12  }
0x19f: {  	v53 =	vld [tilespmem:s19+$0x6660];
	[tilespmem:s19+$0x9E70] =	vst v16;
	v55 =	vmul.f32 v1, v51  }
0x1a0: {  	v19 =	vld [tilespmem:s18+$0x5E60];
	v58 =	vmul.f32 v1, v18;
	[tilespmem:s19+$0xA640] =	vst v60  }
0x1a1: {  	v52 =	vld [tilespmem:s19+$0x6650];
	v59 =	vmul.f32 v1, v54;
	[tilespmem:s18+$0x9E20] =	vst v55  }
0x1a2: {  	v61 =	vmul.f32 v11, v57;
	[tilespmem:s18+$0x9E10] =	vst v58  }
0x1a3: {  	v62 =	vmul.f32 v6, v56;
	[tilespmem:s18+$0x9E30] =	vst v59  }
0x1a4: {  	v2 =	vmul.f32 v11, v53;
	[tilespmem:s19+$0xA670] =	vst v61  }
0x1a5: {  	v63 =	vmul.f32 v1, v19;
	[tilespmem:s19+$0x9E50] =	vst v62  }
0x1a6: {  	v3 =	vmul.f32 v11, v52;
	[tilespmem:s19+$0xA660] =	vst v2  }
.Ltmp5:
0x1a7: {  	v2 =	vmul.f32 v1, v7;
	[tilespmem:s18+$0x9E60] =	vst v63;
	(pc) =	sbr.rel @p1 .LBB2_10-.Ltmp5, $4  }
0x1a8: {  	v1 =	vmul.f32 v1, v10;
	[tilespmem:s19+$0xA650] =	vst v3  }
0x1a9: {  	[tilespmem:s18+$0x9E40] =	vst v2  }
0x1aa: {  	[tilespmem:s18+$0x9E00] =	vst v1  }
0x1ab: {  	[spmem:s15] =	stream.indirect.scatter.add.f32 [tilespmem:s17], [sflag:$0x4], $0x80, s16, s11, $0xb8;
	[tilespmem:$0x1FE00] =	vst v63  }
0x1ac: {  	v1 =	vld [tilespmem:s29+$0x60];
	_ =	sdelay $0x4  }
0x1ad: {  	v2 =	vand.u32 $0xFFFF, v1  }
0x1ae: {  	v1 =	vshra.s32 v1, $0x10;
	[tilespmem:$0x3C80] =	vst v2  }
0x1af: {  	[tilespmem:$0x3C90] =	vst v1  }
0x1b0: {  	v1 =	vld [tilespmem:s29+$0x70];
	_ =	sdelay $0x4  }
0x1b1: {  	v2 =	vand.u32 $0xFFFF, v1  }
.Ltmp6:
0x1b2: {  	v1 =	vshra.s32 v1, $0x10;
	[tilespmem:$0x3CA0] =	vst v2;
	(pc) =	sbr.rel .LBB2_4-.Ltmp6, $4  }
0x1b3: {  	[tilespmem:$0x3CB0] =	vst v1  }
0x1b4: {  	[tilespmem:s8], [sflag:$0x2] =	stream.indirect.gather [hbm4b:s13+s6], $0x80, s7, s6, $0xb8;
	[tilespmem:$0x1FE00] =	vst v63  }
0x1b5: {  	s4 =	sadd.s32 $0x1, s4;
	s31 =	sadd.s32 $0x40, s31  }
0x1b6: {  	[tilespmem:s10], [sflag:$0x2] =	stream.indirect.gather [hbm4b:s13+s6], $0x80, s9, s6, $0xb8;
	[tilespmem:$0x1FE00] =	vst v63  }
.LBB2_11:
0x1b7: {  	_ =	sfence.sel $0x180000  }
0x1b8: {  	[bflag:$0x0] =	sbarrier.arrive $0xFFFF  }
0x1b9: {  	_ =	strace $0x90000047  }
0x1ba: {  	s0 =	stileid.u32;
	[bflag:$0x2] =	sbarrier.arrive $0xFFFF  }
0x1bb: {  	p0 =	sne.s32 s0, $0x0;
	s0 =	rddreg [dreg:$0x4]  }
0x1bc: {  	s0 =	sadd.s32 @!p0 $0x100000, s0  }
0x1bd: {  	[sflag:s0] =	ssyncadd.tile.s32 @!p0 $0x1;
	_ =	shalt  }
.Lfunc_end2:
_tile_overlayer_lowered:
.L_overlay_start_2:
0x1be: {  	(tag) =	ssettag $0x2  }
0x1bf: {  	s0 =	rddreg [dreg:$0x0];
	s2 =	stileid.u32  }
0x1c0: {  	s1 =	rddreg [dreg:$0x1];
	p0 =	sne.s32 s2, $0x0  }
0x1c1: {  	s3 =	rddreg [dreg:$0x2];
	[bflag:$0x3] =	sbarrier.arrive $0xFFFF;
	s2 =	simm.s32 @!p0 $0x1C06  }
0x1c2: {  	[timem:s3], [sflag:s2] =	dma.local @!p0 [hbm:s0], s1  }
0x1c3: {  	s0 =	simm.s32 @!p0 $0x6  }
0x1c4: {  	_ =	swait.ge @!p0 [sflag:s0], s1  }
0x1c5: {  	s1 =	ssub.s32 @!p0 $0x0, s1;
	[sflag:s0] =	ssyncset.done @!p0 $0x0  }
0x1c6: {  	[sflag:s0] =	ssyncadd.s32 @!p0 s1  }
0x1c7: {  	[bflag:$0x3] =	sbarrier.arrive $0xFFFF  }
0x1c8: {  	_ =	shalt  }

</sc_bundles>
